<compile_context>
chip_gen: v7x
topology: tpu7x:2x2x1
jax: 0.10.2.dev20260603
libtpu: 0.0.44.dev20260713+nightly
codegen_flags: <defaults>
</compile_context>

<pallas_src>
import functools

import jax
import jax.numpy as jnp
from jax import lax
from jax.experimental import pallas as pl
from jax.experimental.pallas import tpu as pltpu
from jax.experimental.pallas import tpu_sc as plsc

N = 512
THRE = 20.0
INF = 1e18
BIG = 1 << 30
NCHUNK = N // 16
NT = 16
CPT = N // NT


def _cost_body(cp1t_ref, cp2_ref, cp2t_ref, cp1_ref, cost_ref, costt_ref,
               m2_ref, m1_ref):
    x1r = cp1t_ref[0:1, :]
    y1r = cp1t_ref[1:2, :]
    x2c = cp2_ref[:, 0:1]
    y2c = cp2_ref[:, 1:2]
    dx = x2c - x1r
    dy = y2c - y1r
    cost = jnp.sqrt(dx * dx + dy * dy)
    cost_ref[...] = cost
    x2r = cp2t_ref[0:1, :]
    y2r = cp2t_ref[1:2, :]
    x1c = cp1_ref[:, 0:1]
    y1c = cp1_ref[:, 1:2]
    dxt = x1c - x2r
    dyt = y1c - y2r
    costt = jnp.sqrt(dxt * dxt + dyt * dyt)
    costt_ref[...] = costt
    m2_ref[...] = (jnp.min(costt, axis=0, keepdims=True) <= THRE).astype(jnp.float32)
    m1_ref[...] = (jnp.min(cost, axis=0, keepdims=True) <= THRE).astype(jnp.float32)


def _cost_stage(cp1, cp2):
    return pl.pallas_call(
        _cost_body,
        out_shape=(
            jax.ShapeDtypeStruct((N, N), jnp.float32),
            jax.ShapeDtypeStruct((N, N), jnp.float32),
            jax.ShapeDtypeStruct((1, N), jnp.float32),
            jax.ShapeDtypeStruct((1, N), jnp.float32),
        ),
    )(cp1.T, cp2, cp2.T, cp1)


def _sload(ref, idx):
    return plsc.load_gather(ref, [jnp.full((16,), idx, jnp.int32)])[0]


def _sload2(ref, r, c):
    return plsc.load_gather(ref, [jnp.full((16,), r, jnp.int32),
                                  jnp.full((16,), c, jnp.int32)])[0]


def _sc_matcher(cost, costt, mask2, mask1, x1, y1, x2, y2, scal):
    mesh = plsc.VectorSubcoreMesh(core_axis_name="c", subcore_axis_name="s",
                                  num_cores=2, num_subcores=16)

    @functools.partial(
        pl.kernel,
        out_type=(
            jax.ShapeDtypeStruct((N,), jnp.float32),
            jax.ShapeDtypeStruct((N,), jnp.float32),
        ),
        mesh=mesh,
        compiler_params=pltpu.CompilerParams(needs_layout_passes=False),
        scratch_types=dict(
            p_sh=pltpu.VMEM_SHARED((2, NT, 128), jnp.float32),
            wam_sh=pltpu.VMEM_SHARED((NT, 128), jnp.int32),
            cw=pltpu.VMEM((N, CPT), jnp.float32),
            rbuf=pltpu.VMEM((64, N), jnp.float32),
            minvL=pltpu.VMEM((CPT,), jnp.float32),
            basefL=pltpu.VMEM((CPT,), jnp.float32),
            wayL=pltpu.VMEM((CPT,), jnp.int32),
            vcolL=pltpu.VMEM((CPT,), jnp.float32),
            amtL=pltpu.VMEM((CPT,), jnp.float32),
            wamF=pltpu.VMEM((NT, 128), jnp.int32),
            wam128=pltpu.VMEM((128,), jnp.int32),
            pcol=pltpu.VMEM((N,), jnp.int32),
            urow=pltpu.VMEM((N,), jnp.float32),
            colg=pltpu.VMEM((N,), jnp.int32),
            ridx=pltpu.VMEM((N,), jnp.int32),
            idx1b=pltpu.VMEM((N + 16,), jnp.int32),
            idx2b=pltpu.VMEM((N + 16,), jnp.int32),
            cola=pltpu.VMEM((N,), jnp.int32),
            sbuf=pltpu.VMEM((N,), jnp.int32),
            orderb=pltpu.VMEM((N,), jnp.int32),
            m1v=pltpu.VMEM((N,), jnp.float32),
            m2v=pltpu.VMEM((N,), jnp.float32),
            x1v=pltpu.VMEM((N,), jnp.float32),
            y1v=pltpu.VMEM((N,), jnp.float32),
            x2v=pltpu.VMEM((N,), jnp.float32),
            y2v=pltpu.VMEM((N,), jnp.float32),
            outxv=pltpu.VMEM((N,), jnp.float32),
            outyv=pltpu.VMEM((N,), jnp.float32),
            scalv=pltpu.VMEM((16,), jnp.float32),
            pbuf=pltpu.VMEM((128,), jnp.float32),
            xbuf=pltpu.VMEM((NT, 128), jnp.float32),
            sem=pltpu.SemaphoreType.DMA,
        ),
    )
    def k(cost_hbm, costt_hbm, m2_hbm, m1_hbm, x1_hbm, y1_hbm, x2_hbm,
          y2_hbm, scal_hbm, outx_hbm, outy_hbm, p_sh, wam_sh, cw, rbuf,
          minvL, basefL, wayL, vcolL, amtL, wamF, wam128, pcol, urow, colg,
          ridx, idx1b, idx2b, cola, sbuf, orderb, m1v, m2v, x1v, y1v, x2v,
          y2v, outxv, outyv, scalv, pbuf, xbuf, sem):
        cid = lax.axis_index("c")
        sid = lax.axis_index("s")
        lane = lax.iota(jnp.int32, 16)

        @pl.when(cid == 0)
        def _():
            pltpu.sync_copy(m2_hbm, m2v)
            pltpu.sync_copy(m1_hbm, m1v)

            def initpad_body(c, _):
                ds = pl.ds(c * 16, 16)
                idx1b[ds] = jnp.full((16,), N, jnp.int32)
                idx2b[ds] = jnp.full((16,), N, jnp.int32)
                return 0

            lax.fori_loop(0, NCHUNK + 1, initpad_body, 0)

            def comp_body(c, offs):
                o1, o2 = offs
                ds = pl.ds(c * 16, 16)
                gi = lane + c * 16
                mk1 = m1v[ds] > 0.5
                mk2 = m2v[ds] > 0.5
                plsc.store_compressed(idx1b.at[pl.ds(o1, 16)], gi, mask=mk1)
                plsc.store_compressed(idx2b.at[pl.ds(o2, 16)], gi, mask=mk2)
                o1 = o1 + jnp.sum(mk1.astype(jnp.int32))
                o2 = o2 + jnp.sum(mk2.astype(jnp.int32))
                return o1, o2

            n1, n2 = lax.fori_loop(0, NCHUNK, comp_body,
                                   (jnp.int32(0), jnp.int32(0)))
            t = n2 > n1
            nn = jnp.where(t, n1, n2)
            mm = jnp.where(t, n2, n1)

            def gid_body(c, _):
                ds = pl.ds(c * 16, 16)
                g1 = jnp.clip(idx1b[ds], 0, N - 1)
                g2 = jnp.clip(idx2b[ds], 0, N - 1)
                ridx[ds] = jnp.where(t, g1, g2)
                colg[ds] = jnp.where(t, g2, g1)
                pcol[ds] = jnp.zeros((16,), jnp.int32)
                urow[ds] = jnp.zeros((16,), jnp.float32)
                cola[ds] = jnp.zeros((16,), jnp.int32)
                sbuf[ds] = jnp.full((16,), BIG, jnp.int32)
                return 0

            lax.fori_loop(0, NCHUNK, gid_body, 0)

            colgA = colg[pl.ds(sid * CPT, 16)]
            colgB = colg[pl.ds(sid * CPT + 16, 16)]
            vcolL[pl.ds(0, 16)] = jnp.zeros((16,), jnp.float32)
            vcolL[pl.ds(16, 16)] = jnp.zeros((16,), jnp.float32)
            wayL[pl.ds(0, 16)] = jnp.zeros((16,), jnp.int32)
            wayL[pl.ds(16, 16)] = jnp.zeros((16,), jnp.int32)

            def wfinit_body(c, _):
                wamF[c, pl.ds(0, 16)] = jnp.zeros((16,), jnp.int32)
                wamF[c, pl.ds(16, 16)] = jnp.zeros((16,), jnp.int32)
                wamF[c, pl.ds(32, 16)] = jnp.zeros((16,), jnp.int32)
                wamF[c, pl.ds(48, 16)] = jnp.zeros((16,), jnp.int32)
                return 0

            lax.fori_loop(0, NT, wfinit_body, 0)
            for b in range(8):
                idx_slice = ridx.at[pl.ds(b * 64, 64)]

                @pl.when(t)
                def _():
                    pltpu.async_copy(costt_hbm.at[idx_slice], rbuf, sem).wait()

                @pl.when(jnp.logical_not(t))
                def _():
                    pltpu.async_copy(cost_hbm.at[idx_slice], rbuf, sem).wait()

                def stg_body(r8, _):
                    r8v = jnp.full((16,), r8, jnp.int32)
                    va = plsc.load_gather(rbuf, [r8v, colgA])
                    vb = plsc.load_gather(rbuf, [r8v, colgB])
                    rr = b * 64 + r8
                    cw[rr, pl.ds(0, 16)] = va
                    cw[rr, pl.ds(16, 16)] = vb
                    return 0

                lax.fori_loop(0, 64, stg_body, 0)

            gcolA = lane + sid * CPT
            gcolB = gcolA + 16

            def row_body(i, parity0):
                def do_row(parity0):
                    minvL[pl.ds(0, 16)] = jnp.full((16,), INF, jnp.float32)
                    minvL[pl.ds(16, 16)] = jnp.full((16,), INF, jnp.float32)
                    basefL[pl.ds(0, 16)] = jnp.where(
                        gcolA < mm, jnp.float32(INF), jnp.float32(0.0))
                    basefL[pl.ds(16, 16)] = jnp.where(
                        gcolB < mm, jnp.float32(INF), jnp.float32(0.0))

                    def wcond(carry):
                        return jnp.logical_and(jnp.logical_not(carry[4]),
                                               carry[5] < 1 << 20)

                    def wbody(carry):
                        j0, pending, dsum, parity, _, cnt = carry
                        own = (j0 - 1) // CPT

                        @pl.when(jnp.logical_and(j0 > 0, own == sid))
                        def _():
                            kloc = jnp.full((16,), (j0 - 1) % CPT, jnp.int32)
                            plsc.store_scatter(
                                basefL, [kloc],
                                jnp.full((16,), dsum, jnp.float32),
                                mask=lane < 1)

                        i0 = jnp.where(j0 > 0,
                                       _sload(pcol, jnp.maximum(j0 - 1, 0)),
                                       i)
                        u_i0 = _sload(urow, i0 - 1)
                        rr = i0 - 1

                        bsfA = basefL[pl.ds(0, 16)]
                        frmA = bsfA >= jnp.float32(INF)
                        curA = cw[rr, pl.ds(0, 16)] - u_i0 - vcolL[pl.ds(0, 16)]
                        mvA = minvL[pl.ds(0, 16)]
                        meA = jnp.where(frmA, mvA - pending, mvA)
                        upA = jnp.logical_and(frmA, curA < meA)
                        nmA = jnp.where(upA, curA, meA)
                        minvL[pl.ds(0, 16)] = nmA
                        wayL[pl.ds(0, 16)] = jnp.where(upA, j0,
                                                       wayL[pl.ds(0, 16)])
                        candA = jnp.where(frmA, nmA, jnp.float32(INF))

                        bsfB = basefL[pl.ds(16, 16)]
                        frmB = bsfB >= jnp.float32(INF)
                        curB = cw[rr, pl.ds(16, 16)] - u_i0 - vcolL[pl.ds(16, 16)]
                        mvB = minvL[pl.ds(16, 16)]
                        meB = jnp.where(frmB, mvB - pending, mvB)
                        upB = jnp.logical_and(frmB, curB < meB)
                        nmB = jnp.where(upB, curB, meB)
                        minvL[pl.ds(16, 16)] = nmB
                        wayL[pl.ds(16, 16)] = jnp.where(upB, j0,
                                                        wayL[pl.ds(16, 16)])
                        candB = jnp.where(frmB, nmB, jnp.float32(INF))

                        ltm = candB < candA
                        bestv = jnp.where(ltm, candB, candA)
                        besti = jnp.where(ltm, gcolB, gcolA)
                        lmin = jnp.min(bestv)
                        lidx = jnp.min(jnp.where(bestv == lmin, besti, BIG))

                        pv = jnp.where(lane < 1,
                                       jnp.full((16,), lmin, jnp.float32),
                                       plsc.bitcast(jnp.full((16,), lidx,
                                                             jnp.int32),
                                                    jnp.float32))
                        pbuf[pl.ds(0, 16)] = pv
                        pltpu.sync_copy(pbuf, p_sh.at[parity, sid])
                        plsc.subcore_barrier()
                        pltpu.sync_copy(p_sh.at[parity], xbuf)
                        mins = plsc.load_gather(
                            xbuf, [lane, jnp.zeros((16,), jnp.int32)])
                        idxs = plsc.bitcast(
                            plsc.load_gather(
                                xbuf, [lane, jnp.ones((16,), jnp.int32)]),
                            jnp.int32)
                        delta = jnp.min(mins)
                        jarg = jnp.min(jnp.where(mins == delta, idxs, BIG))
                        j1 = jarg + 1
                        done = _sload(pcol, jnp.minimum(jarg, N - 1)) == 0
                        return (j1, delta, dsum + delta, 1 - parity, done,
                                cnt + 1)

                    j0f, _, dsum_f, parity_f, _, _ = lax.while_loop(
                        wcond, wbody,
                        (jnp.int32(0), jnp.float32(0.0), jnp.float32(0.0),
                         parity0, jnp.bool_(False), jnp.int32(0)))

                    plsc.addupdate_scatter(
                        urow, [jnp.full((16,), i - 1, jnp.int32)],
                        jnp.full((16,), dsum_f, jnp.float32),
                        mask=lane < 1)

                    usA = jnp.logical_and(basefL[pl.ds(0, 16)] < jnp.float32(INF),
                                          gcolA < mm)
                    aA = jnp.where(usA, dsum_f - basefL[pl.ds(0, 16)],
                                   jnp.float32(0.0))
                    vcolL[pl.ds(0, 16)] = vcolL[pl.ds(0, 16)] - aA
                    amtL[pl.ds(0, 16)] = aA
                    usB = jnp.logical_and(basefL[pl.ds(16, 16)] < jnp.float32(INF),
                                          gcolB < mm)
                    aB = jnp.where(usB, dsum_f - basefL[pl.ds(16, 16)],
                                   jnp.float32(0.0))
                    vcolL[pl.ds(16, 16)] = vcolL[pl.ds(16, 16)] - aB
                    amtL[pl.ds(16, 16)] = aB

                    wam128[pl.ds(0, 16)] = wayL[pl.ds(0, 16)]
                    wam128[pl.ds(16, 16)] = wayL[pl.ds(16, 16)]
                    wam128[pl.ds(32, 16)] = plsc.bitcast(amtL[pl.ds(0, 16)],
                                                         jnp.int32)
                    wam128[pl.ds(48, 16)] = plsc.bitcast(amtL[pl.ds(16, 16)],
                                                         jnp.int32)
                    pltpu.sync_copy(wam128, wam_sh.at[sid])
                    plsc.subcore_barrier()
                    pltpu.sync_copy(wam_sh, wamF)

                    def uupd_body(c, _):
                        a16A = plsc.bitcast(wamF[c, pl.ds(32, 16)],
                                            jnp.float32)
                        a16B = plsc.bitcast(wamF[c, pl.ds(48, 16)],
                                            jnp.float32)
                        pcA = jnp.maximum(pcol[pl.ds(c * CPT, 16)] - 1, 0)
                        pcB = jnp.maximum(pcol[pl.ds(c * CPT + 16, 16)] - 1, 0)
                        plsc.addupdate_scatter(urow, [pcA], a16A,
                                               mask=a16A != 0)
                        plsc.addupdate_scatter(urow, [pcB], a16B,
                                               mask=a16B != 0)
                        return 0

                    lax.fori_loop(0, NT, uupd_body, 0)

                    def acond(carry):
                        return jnp.logical_and(carry[0] != 0,
                                               carry[1] < N + 2)

                    def abody(carry):
                        j0, hop = carry
                        jc = jnp.clip(j0 - 1, 0, N - 1)
                        jw = _sload2(wamF, jc // CPT, jc % CPT)
                        pv2 = jnp.where(
                            jw > 0, _sload(pcol, jnp.maximum(jw - 1, 0)), i)
                        plsc.store_scatter(
                            pcol, [jnp.full((16,), jc, jnp.int32)],
                            jnp.full((16,), pv2, jnp.int32),
                            mask=lane < 1)
                        return jw, hop + 1

                    lax.while_loop(acond, abody, (j0f, jnp.int32(0)))
                    plsc.subcore_barrier()
                    return parity_f

                return jax.lax.cond(i <= nn, do_row,
                                    lambda p0: p0, parity0)

            lax.fori_loop(1, N + 1, row_body, jnp.int32(0))

            @pl.when(sid == 0)
            def _():
                pltpu.sync_copy(x1_hbm, x1v)
                pltpu.sync_copy(y1_hbm, y1v)
                pltpu.sync_copy(x2_hbm, x2v)
                pltpu.sync_copy(y2_hbm, y2v)
                pltpu.sync_copy(scal_hbm, scalv)

                def cola_body(c, _):
                    ds = pl.ds(c * 16, 16)
                    gidx = lane + c * 16
                    pc = pcol[ds]
                    ok = jnp.logical_and(pc > 0, gidx < mm)
                    plsc.store_scatter(cola, [jnp.maximum(pc - 1, 0)], gidx,
                                       mask=ok)
                    return 0

                lax.fori_loop(0, NCHUNK, cola_body, 0)

                def sscat_body(c, _):
                    ds = pl.ds(c * 16, 16)
                    gidx = lane + c * 16
                    val = gidx < nn
                    cx = jnp.where(val, cola[ds], N)
                    plsc.store_scatter(sbuf, [jnp.minimum(cx, N - 1)], gidx,
                                       mask=val)
                    return 0

                lax.fori_loop(0, NCHUNK, sscat_body, 0)

                def order_body(c, _):
                    ds = pl.ds(c * 16, 16)
                    orderb[ds] = lane + c * 16
                    return 0

                lax.fori_loop(0, NCHUNK, order_body, 0)

                def rank_body(c, run):
                    ds = pl.ds(c * 16, 16)
                    sv = sbuf[ds]
                    occ = sv != BIG
                    occ_i = occ.astype(jnp.int32)
                    cs = plsc.cumsum(occ_i)
                    rank = run + cs - occ_i
                    plsc.store_scatter(orderb, [jnp.minimum(rank, N - 1)],
                                       sv, mask=occ)
                    return run + jnp.sum(occ_i)

                lax.fori_loop(0, NCHUNK, rank_body, jnp.int32(0))

                sv2 = scalv[...]
                tl = sv2[0]
                td0 = sv2[1]

                def fin_init(c, _):
                    ds = pl.ds(c * 16, 16)
                    outxv[ds] = x1v[ds]
                    outyv[ds] = y1v[ds]
                    return 0

                lax.fori_loop(0, NCHUNK, fin_init, 0)

                def fin_body(c, _):
                    ds = pl.ds(c * 16, 16)
                    gidx = lane + c * 16
                    valid = gidx < nn
                    cx = jnp.where(valid, cola[ds], N)
                    odr = orderb[ds]
                    cxo = plsc.load_gather(cola, [jnp.minimum(odr, N - 1)])
                    cxo = jnp.where(odr < nn, cxo, N)
                    r = jnp.where(t, cxo, gidx)
                    cc = jnp.where(t, odr, cx)
                    p2 = plsc.load_gather(idx2b, [jnp.clip(r, 0, N - 1)])
                    p1 = plsc.load_gather(idx1b, [jnp.clip(cc, 0, N - 1)])
                    p2c = jnp.clip(p2, 0, N - 1)
                    p1c = jnp.clip(p1, 0, N - 1)
                    mx2 = plsc.load_gather(x2v, [p2c])
                    my2 = plsc.load_gather(y2v, [p2c])
                    mx1 = plsc.load_gather(x1v, [p1c])
                    my1 = plsc.load_gather(y1v, [p1c])
                    ex = mx1 + (mx1 - mx2) / tl * (jnp.float32(0.0) - td0)
                    ey = my1 + (my1 - my2) / tl * (jnp.float32(0.0) - td0)
                    okm = jnp.logical_and(valid, p1 < N)
                    plsc.store_scatter(outxv, [p1c], ex, mask=okm)
                    plsc.store_scatter(outyv, [p1c], ey, mask=okm)
                    return 0

                lax.fori_loop(0, NCHUNK, fin_body, 0)

                pltpu.sync_copy(outxv, outx_hbm)
                pltpu.sync_copy(outyv, outy_hbm)

    return k(cost, costt, mask2, mask1, x1, y1, x2, y2, scal)


_TEMPLATE = [(1, -1, -1), (1, 1, -1), (-1, 1, -1), (-1, -1, -1),
             (1, -1, 1), (1, 1, 1), (-1, 1, 1), (-1, -1, 1)]


def _corners_body(cpt_ref, ox_ref, oy_ref, out_ref):
    x = ox_ref[0:1, :]
    y = oy_ref[0:1, :]
    z = cpt_ref[2:3, :]
    h = cpt_ref[3:4, :]
    w = cpt_ref[4:5, :]
    ll = cpt_ref[5:6, :]
    yaw = cpt_ref[6:7, :]
    cy = jnp.cos(yaw)
    sy = jnp.sin(yaw)
    for kk, (tx, ty, tz) in enumerate(_TEMPLATE):
        cxk = ll * (0.5 * tx)
        cyk = w * (0.5 * ty)
        czk = h * (0.5 * tz)
        rx = cxk * cy - cyk * sy + x
        ry = cxk * sy + cyk * cy + y
        rz = czk + z
        out_ref[3 * kk + 0:3 * kk + 1, :] = rx
        out_ref[3 * kk + 1:3 * kk + 2, :] = ry
        out_ref[3 * kk + 2:3 * kk + 3, :] = rz


def _corners_stage(center_t, ox, oy):
    return pl.pallas_call(
        _corners_body,
        out_shape=jax.ShapeDtypeStruct((24, N), jnp.float32),
    )(center_t, ox.reshape(1, N), oy.reshape(1, N))


def kernel(center_past1, center_past2, time_diff):
    cp1 = center_past1[:, :2]
    cp2 = center_past2[:, :2]
    cost, costt, m2, m1 = _cost_stage(cp1, cp2)
    tl = time_diff[0] - time_diff[1]
    tl = jnp.where(tl == 0, jnp.float32(1.0), tl)
    scal = jnp.zeros((16,), jnp.float32).at[0].set(tl).at[1].set(time_diff[0])
    outx, outy = _sc_matcher(
        cost, costt, m2.reshape(N), m1.reshape(N),
        cp1[:, 0], cp1[:, 1], cp2[:, 0], cp2[:, 1], scal)
    center_out = jnp.concatenate(
        [outx[:, None], outy[:, None], center_past1[:, 2:]], axis=1)
    out24 = _corners_stage(center_out.T, outx, outy)
    corners = out24.reshape(8, 3, N).transpose(2, 0, 1)
    return center_out, corners

# --- scband reference (transcript-rebuilt; emitter-appended) ---
"""Pipeline reference for scband-matcher-33045478375583 (READ-ONLY COPY).

The authoritative reference and input builder live on the scoring server;
editing this copy changes nothing except your own understanding.
"""

import jax, jax.numpy as jnp
import numpy as np

THRE = 20.0


def hungarian(cost):
    cost = np.asarray(cost, dtype=np.float64)
    transposed = False
    if cost.shape[0] > cost.shape[1]:
        cost = cost.T
        transposed = True
    n, m = cost.shape
    INF = 1e18
    u = np.zeros(n + 1)
    v = np.zeros(m + 1)
    p = np.zeros(m + 1, dtype=np.int64)
    way = np.zeros(m + 1, dtype=np.int64)
    for i in range(1, n + 1):
        p[0] = i
        j0 = 0
        minv = np.full(m + 1, INF)
        used = np.zeros(m + 1, dtype=bool)
        while True:
            used[j0] = True
            i0 = p[j0]
            cur = cost[i0 - 1, :] - u[i0] - v[1:]
            free = ~used[1:]
            minv1 = minv[1:]
            way1 = way[1:]
            upd = free & (cur < minv1)
            minv1[upd] = cur[upd]
            way1[upd] = j0
            cand = np.where(free, minv1, INF)
            j1 = int(np.argmin(cand)) + 1
            delta = cand[j1 - 1]
            idx_used = np.where(used)[0]
            u[p[idx_used]] += delta
            v[idx_used] -= delta
            minv1[free] -= delta
            j0 = j1
            if p[j0] == 0:
                break
        while j0 != 0:
            j1 = way[j0]
            p[j0] = p[j1]
            j0 = j1
    row = np.arange(n, dtype=np.int64)
    col = np.zeros(n, dtype=np.int64)
    for j in range(1, m + 1):
        if p[j] > 0:
            col[p[j] - 1] = j - 1
    if transposed:
        order = np.argsort(col)
        return col[order], row[order]
    return row, col


def hungarian_jax(C, n, m):
    N = C.shape[0]
    Np1 = N + 1
    INF = jnp.asarray(1e18, dtype=C.dtype)
    jidx = jnp.arange(Np1)

    u0 = jnp.zeros(Np1, dtype=C.dtype)
    v0 = jnp.zeros(Np1, dtype=C.dtype)
    p0 = jnp.zeros(Np1, dtype=jnp.int32)
    way0 = jnp.zeros(Np1, dtype=jnp.int32)

    def row_step(i, state):
        def do(st):
            u, v, p, way = st
            p = p.at[0].set(i)
            minv1 = jnp.full(N, INF, dtype=C.dtype)
            used = jidx > m

            def cond_fn(carry):
                return ~carry[7]

            def body_fn(carry):
                j0, minv1, used, u, v, p, way, done = carry
                used = used.at[j0].set(True)
                i0 = p[j0]
                cur = C[i0 - 1, :] - u[i0] - v[1:]
                free = ~used[1:]
                upd = free & (cur < minv1)
                minv1 = jnp.where(upd, cur, minv1)
                way = way.at[1:].set(jnp.where(upd, j0, way[1:]))
                cand = jnp.where(free, minv1, INF)
                j1 = (jnp.argmin(cand) + 1).astype(jnp.int32)
                delta = cand[j1 - 1]
                zero = jnp.zeros((), dtype=C.dtype)
                u = u.at[p].add(jnp.where(used, delta, zero))
                v = v - jnp.where(used, delta, zero)
                minv1 = jnp.where(free, minv1 - delta, minv1)
                done = p[j1] == jnp.int32(0)
                return j1, minv1, used, u, v, p, way, done

            carry = (jnp.int32(0), minv1, used, u, v, p, way, jnp.bool_(False))
            j0, minv1, used, u, v, p, way, done = jax.lax.while_loop(cond_fn, body_fn, carry)

            def acond(carry):
                return carry[0] != 0

            def abody(carry):
                j0, p = carry
                j1 = way[j0]
                p = p.at[j0].set(p[j1])
                return j1, p

            j0, p = jax.lax.while_loop(acond, abody, (j0, p))
            return u, v, p, way

        return jax.lax.cond(i <= n, do, lambda st: st, state)

    u, v, p, way = jax.lax.fori_loop(1, Np1, row_step, (u0, v0, p0, way0))
    jj = jnp.arange(1, Np1)
    pj = p[1:]
    ok = (pj > 0) & (jj <= m)
    tgt = jnp.where(ok, pj - 1, N)
    col = jnp.zeros(N, dtype=jnp.int32).at[tgt].set((jj - 1).astype(jnp.int32), mode='drop')
    return col


def boxes_to_corners_3d(boxes):
    # order='hwl': dims at [:,3:6] are h, w, l
    x, y, z = boxes[:, 0], boxes[:, 1], boxes[:, 2]
    h, w, l = boxes[:, 3], boxes[:, 4], boxes[:, 5]
    yaw = boxes[:, 6]
    template = jnp.array([[1, -1, -1], [1, 1, -1], [-1, 1, -1], [-1, -1, -1],
                          [1, -1, 1], [1, 1, 1], [-1, 1, 1], [-1, -1, 1]], dtype=jnp.float32) / 2.0
    dims = jnp.stack([l, w, h], axis=1)
    corners = template[None, :, :] * dims[:, None, :]
    c, s = jnp.cos(yaw), jnp.sin(yaw)
    rx = corners[..., 0] * c[:, None] - corners[..., 1] * s[:, None]
    ry = corners[..., 0] * s[:, None] + corners[..., 1] * c[:, None]
    corners = jnp.stack([rx, ry, corners[..., 2]], axis=-1)
    center = jnp.stack([x, y, z], axis=1)
    return corners + center[:, None, :]


def setup_inputs(seed: int = 0) -> dict:
    key = jax.random.key(seed)
    k1, k2, k3 = jax.random.split(key, 3)
    center_past1 = jax.random.normal(k1, (512, 7), dtype=jnp.float32)
    center_past2 = jax.random.normal(k2, (512, 7), dtype=jnp.float32)
    time_diff = jax.random.normal(k3, (2,), dtype=jnp.float32)
    return {"center_past1": center_past1, "center_past2": center_past2, "time_diff": time_diff}


def reference(center_past1, center_past2, time_diff):
    N = center_past1.shape[0]
    cp1 = center_past1[:, :2]
    cp2 = center_past2[:, :2]
    diff = cp2[:, None, :] - cp1[None, :, :]
    cost = jnp.sqrt(jnp.sum(diff * diff, axis=-1))
    mask2 = (cost > THRE).sum(axis=1) < cp1.shape[0]
    mask1 = (cost > THRE).sum(axis=0) < cp2.shape[0]
    n2 = jnp.sum(mask2).astype(jnp.int32)
    n1 = jnp.sum(mask1).astype(jnp.int32)
    idx2 = jnp.sort(jnp.where(mask2, jnp.arange(N), N))
    idx1 = jnp.sort(jnp.where(mask1, jnp.arange(N), N))
    g2 = jnp.clip(idx2, 0, N - 1)
    g1 = jnp.clip(idx1, 0, N - 1)
    sub = cost[g2[:, None], g1[None, :]]
    t = n2 > n1
    C = jnp.where(t, sub.T, sub)
    n = jnp.where(t, n1, n2)
    m = jnp.where(t, n2, n1)
    colA = hungarian_jax(C, n, m)
    lane = jnp.arange(N)
    valid_row = lane < n
    colx = jnp.where(valid_row, colA, N)
    order = jnp.argsort(colx).astype(jnp.int32)
    r = jnp.where(t, colx[order], lane)
    c = jnp.where(t, order, colA)
    past2_ids = idx2[jnp.clip(r, 0, N - 1)]
    past1_ids = idx1[jnp.clip(c, 0, N - 1)]
    matched_past2 = cp2[jnp.clip(past2_ids, 0, N - 1)]
    matched_past1 = cp1[jnp.clip(past1_ids, 0, N - 1)]
    tl = time_diff[0] - time_diff[1]
    tl = jnp.where(tl == 0, jnp.float32(1.0), tl)
    flow = (matched_past1 - matched_past2) / tl
    estimate_position = matched_past1 + flow * (0.0 - time_diff[0])
    scatter_idx = jnp.where(valid_row, past1_ids, N)
    estimated_box_center_current = center_past1.at[scatter_idx, :2].set(estimate_position, mode='drop')
    estimated_box_3dcorner_current = boxes_to_corners_3d(estimated_box_center_current)
    return estimated_box_center_current, estimated_box_3dcorner_current

if __name__ == "__main__":
    import jax
    _d = setup_inputs()
    print(jax.jit(kernel)(*tuple(_d.values())))

</pallas_src>

<mosaic_0001>
#map = affine_map<(d0, d1) -> (0, 0)>
#map1 = affine_map<(d0, d1) -> (0)>
module attributes {stable_mosaic.version = 14 : i64} {
  func.func @k(%arg0: i32, %arg1: i32, %arg2: memref<512x512xf32, #tpu.memory_space<hbm>>, %arg3: memref<512x512xf32, #tpu.memory_space<hbm>>, %arg4: memref<512xf32, #tpu.memory_space<hbm>>, %arg5: memref<512xf32, #tpu.memory_space<hbm>>, %arg6: memref<512xf32, #tpu.memory_space<hbm>>, %arg7: memref<512xf32, #tpu.memory_space<hbm>>, %arg8: memref<512xf32, #tpu.memory_space<hbm>>, %arg9: memref<512xf32, #tpu.memory_space<hbm>>, %arg10: memref<16xf32, #tpu.memory_space<hbm>>, %arg11: memref<512xf32, #tpu.memory_space<hbm>>, %arg12: memref<512xf32, #tpu.memory_space<hbm>>, %arg13: memref<32xf32, #tpu.memory_space<vmem>>, %arg14: memref<32xf32, #tpu.memory_space<vmem>>, %arg15: memref<512xi32, #tpu.memory_space<vmem>>, %arg16: memref<512xi32, #tpu.memory_space<vmem>>, %arg17: memref<512x32xf32, #tpu.memory_space<vmem>>, %arg18: memref<528xi32, #tpu.memory_space<vmem>>, %arg19: memref<528xi32, #tpu.memory_space<vmem>>, %arg20: memref<512xf32, #tpu.memory_space<vmem>>, %arg21: memref<512xf32, #tpu.memory_space<vmem>>, %arg22: memref<32xf32, #tpu.memory_space<vmem>>, %arg23: memref<512xi32, #tpu.memory_space<vmem>>, %arg24: memref<512xf32, #tpu.memory_space<vmem>>, %arg25: memref<512xf32, #tpu.memory_space<vmem>>, %arg26: memref<2x16x128xf32, #tpu.memory_space<vmem_shared>>, %arg27: memref<128xf32, #tpu.memory_space<vmem>>, %arg28: memref<512xi32, #tpu.memory_space<vmem>>, %arg29: memref<64x512xf32, #tpu.memory_space<vmem>>, %arg30: memref<512xi32, #tpu.memory_space<vmem>>, %arg31: memref<512xi32, #tpu.memory_space<vmem>>, %arg32: memref<16xf32, #tpu.memory_space<vmem>>, %arg33: memref<!tpu.dma_semaphore, #tpu.memory_space<semaphore_mem>>, %arg34: memref<512xf32, #tpu.memory_space<vmem>>, %arg35: memref<32xf32, #tpu.memory_space<vmem>>, %arg36: memref<128xi32, #tpu.memory_space<vmem>>, %arg37: memref<16x128xi32, #tpu.memory_space<vmem>>, %arg38: memref<16x128xi32, #tpu.memory_space<vmem_shared>>, %arg39: memref<32xi32, #tpu.memory_space<vmem>>, %arg40: memref<512xf32, #tpu.memory_space<vmem>>, %arg41: memref<512xf32, #tpu.memory_space<vmem>>, %arg42: memref<16x128xf32, #tpu.memory_space<vmem>>, %arg43: memref<512xf32, #tpu.memory_space<vmem>>, %arg44: memref<512xf32, #tpu.memory_space<vmem>>) attributes {dimension_semantics = [#tpu.dimension_semantics<core_parallel>, #tpu.dimension_semantics<subcore_parallel>], iteration_bounds = array<i64: 2, 16>, scalar_prefetch = 0 : i64, scratch_operands = 32 : i64, tpu.core_type = #tpu.core_type<sc_vector_subcore>, window_params = [{transform_indices = #map}, {transform_indices = #map}, {transform_indices = #map1}, {transform_indices = #map1}, {transform_indices = #map1}, {transform_indices = #map1}, {transform_indices = #map1}, {transform_indices = #map1}, {transform_indices = #map1}, {transform_indices = #map1}, {transform_indices = #map1}]} {
    %iota3A = tpu.iota {dimensions = array<i32: 0>} : vector<16xi32>
    %eq3A = arith.constant 0 : i32
    %eq3A_0 = arith.cmpi eq, %arg0, %eq3A : i32
    %convert_element_type3A = arith.extui %eq3A_0 : i1 to i32
    %cond3A = arith.constant 0 : i32
    %cond3A_1 = arith.cmpi ne, %convert_element_type3A, %cond3A : i32
    scf.if %cond3A_1 {
      "tpu.region"() ({
        %run_scoped3A = tpu.sem_alloc : memref<!tpu.dma_semaphore, #tpu.memory_space<semaphore_mem>>
        tpu.enqueue_dma source(%arg4 : memref<512xf32, #tpu.memory_space<hbm>>) target(%arg21 : memref<512xf32, #tpu.memory_space<vmem>>) target_semaphore(%run_scoped3A : memref<!tpu.dma_semaphore, #tpu.memory_space<semaphore_mem>>)
        tpu.wait_dma2 semaphore(%run_scoped3A : memref<!tpu.dma_semaphore, #tpu.memory_space<semaphore_mem>>) src(%arg4 : memref<512xf32, #tpu.memory_space<hbm>>) dst(%arg21 : memref<512xf32, #tpu.memory_space<vmem>>)
        tpu.yield
      }) : () -> ()
      "tpu.region"() ({
        %run_scoped3A = tpu.sem_alloc : memref<!tpu.dma_semaphore, #tpu.memory_space<semaphore_mem>>
        tpu.enqueue_dma source(%arg5 : memref<512xf32, #tpu.memory_space<hbm>>) target(%arg20 : memref<512xf32, #tpu.memory_space<vmem>>) target_semaphore(%run_scoped3A : memref<!tpu.dma_semaphore, #tpu.memory_space<semaphore_mem>>)
        tpu.wait_dma2 semaphore(%run_scoped3A : memref<!tpu.dma_semaphore, #tpu.memory_space<semaphore_mem>>) src(%arg5 : memref<512xf32, #tpu.memory_space<hbm>>) dst(%arg20 : memref<512xf32, #tpu.memory_space<vmem>>)
        tpu.yield
      }) : () -> ()
      %scan3A = arith.constant 0 : i32
      %scan3A_2 = arith.constant 0 : i32
      %scan3A_3 = arith.constant 33 : i32
      %scan3A_4 = arith.addi %scan3A_2, %scan3A_3 : i32
      %scan3A_5 = arith.constant 1 : i32
      %scan3A_6 = scf.for %scan3A_190 = %scan3A_2 to %scan3A_4 step %scan3A_5 iter_args(%scan3A_191 = %scan3A) -> (i32)  : i32 {
        %mul3A_192 = arith.constant 16 : i32
        %mul3A_193 = arith.muli %scan3A_190, %mul3A_192 : i32
        %broadcast_in_dim3A_194 = arith.constant 512 : i32
        %broadcast_in_dim3A_195 = vector.broadcast %broadcast_in_dim3A_194 : i32 to vector<16xi32>
        %swap3A_196 = arith.index_cast %mul3A_193 : i32 to index
        %swap3A_197 = tpu.vector_load %arg18[%swap3A_196] {strides = array<i32>} : memref<528xi32, #tpu.memory_space<vmem>>, vector<16xi32>,
        tpu.vector_store %arg18[%swap3A_196], %broadcast_in_dim3A_195 {strides = array<i32>} : memref<528xi32, #tpu.memory_space<vmem>>, vector<16xi32>,
        %broadcast_in_dim3A_198 = arith.constant 512 : i32
        %broadcast_in_dim3A_199 = vector.broadcast %broadcast_in_dim3A_198 : i32 to vector<16xi32>
        %swap3A_200 = arith.index_cast %mul3A_193 : i32 to index
        %swap3A_201 = tpu.vector_load %arg19[%swap3A_200] {strides = array<i32>} : memref<528xi32, #tpu.memory_space<vmem>>, vector<16xi32>,
        tpu.vector_store %arg19[%swap3A_200], %broadcast_in_dim3A_199 {strides = array<i32>} : memref<528xi32, #tpu.memory_space<vmem>>, vector<16xi32>,
        %scan3A_202 = arith.constant 0 : i32
        scf.yield %scan3A_202 : i32
      }
      %scan3A_7 = arith.constant 33 : i32
      %scan3A_8 = arith.constant 0 : i32
      %scan3A_9 = arith.constant 0 : i32
      %scan3A_10 = arith.constant 0 : i32
      %scan3A_11 = arith.constant 32 : i32
      %scan3A_12 = arith.addi %scan3A_10, %scan3A_11 : i32
      %scan3A_13 = arith.constant 1 : i32
      %scan3A_14:2 = scf.for %scan3A_190 = %scan3A_10 to %scan3A_12 step %scan3A_13 iter_args(%scan3A_191 = %scan3A_8, %scan3A_192 = %scan3A_9) -> (i32, i32)  : i32 {
        %mul3A_193 = arith.constant 16 : i32
        %mul3A_194 = arith.muli %scan3A_190, %mul3A_193 : i32
        %mul3A_195 = arith.constant 16 : i32
        %mul3A_196 = arith.muli %scan3A_190, %mul3A_195 : i32
        %add3A_197 = vector.broadcast %mul3A_196 : i32 to vector<16xi32>
        %add3A_198 = arith.addi %iota3A, %add3A_197 : vector<16xi32>
        %get3A_199 = arith.index_cast %mul3A_194 : i32 to index
        %get3A_200 = tpu.vector_load %arg20[%get3A_199] {strides = array<i32>} : memref<512xf32, #tpu.memory_space<vmem>>, vector<16xf32>,
        %gt3A_201 = arith.constant 5.000000e-01 : f32
        %gt3A_202 = vector.broadcast %gt3A_201 : f32 to vector<16xf32>
        %gt3A_203 = arith.cmpf ogt, %get3A_200, %gt3A_202 : vector<16xf32>
        %get3A_204 = arith.index_cast %mul3A_194 : i32 to index
        %get3A_205 = tpu.vector_load %arg21[%get3A_204] {strides = array<i32>} : memref<512xf32, #tpu.memory_space<vmem>>, vector<16xf32>,
        %gt3A_206 = arith.constant 5.000000e-01 : f32
        %gt3A_207 = vector.broadcast %gt3A_206 : f32 to vector<16xf32>
        %gt3A_208 = arith.cmpf ogt, %get3A_205, %gt3A_207 : vector<16xf32>
        %swap3A_209 = arith.index_cast %scan3A_191 : i32 to index
        %swap3A_210 = tpu.vector_load %arg18[%swap3A_209] masked %gt3A_203 {strides = array<i32>} : memref<528xi32, #tpu.memory_space<vmem>>, vector<16xi32>, vector<16xi1>
        tpu.vector_store %arg18[%swap3A_209], %add3A_198 masked %gt3A_203 {strides = array<i32>} : memref<528xi32, #tpu.memory_space<vmem>>, vector<16xi32>, vector<16xi1>
        %swap3A_211 = arith.index_cast %scan3A_192 : i32 to index
        %swap3A_212 = tpu.vector_load %arg19[%swap3A_211] masked %gt3A_208 {strides = array<i32>} : memref<528xi32, #tpu.memory_space<vmem>>, vector<16xi32>, vector<16xi1>
        tpu.vector_store %arg19[%swap3A_211], %add3A_198 masked %gt3A_208 {strides = array<i32>} : memref<528xi32, #tpu.memory_space<vmem>>, vector<16xi32>, vector<16xi1>
        %convert_element_type3A_213 = arith.extui %gt3A_203 : vector<16xi1> to vector<16xi32>
        %reduce_sum3A = arith.constant true
        %reduce_sum3A_214 = vector.broadcast %reduce_sum3A : i1 to vector<16xi1>
        %reduce_sum3A_215 = tpu.scan <sum>, %convert_element_type3A_213 masked %reduce_sum3A_214 : vector<16xi32>, vector<16xi1> -> vector<16xi32>
        %reduce_sum3A_216 = vector.extract %reduce_sum3A_215[15] : i32 from vector<16xi32>
        %add3A_217 = arith.addi %scan3A_191, %reduce_sum3A_216 : i32
        %convert_element_type3A_218 = arith.extui %gt3A_208 : vector<16xi1> to vector<16xi32>
        %reduce_sum3A_219 = arith.constant true
        %reduce_sum3A_220 = vector.broadcast %reduce_sum3A_219 : i1 to vector<16xi1>
        %reduce_sum3A_221 = tpu.scan <sum>, %convert_element_type3A_218 masked %reduce_sum3A_220 : vector<16xi32>, vector<16xi1> -> vector<16xi32>
        %reduce_sum3A_222 = vector.extract %reduce_sum3A_221[15] : i32 from vector<16xi32>
        %add3A_223 = arith.addi %scan3A_192, %reduce_sum3A_222 : i32
        scf.yield %add3A_217, %add3A_223 : i32, i32
      }
      %scan3A_15 = arith.constant 32 : i32
      %gt3A = arith.cmpi sgt, %scan3A_14#1, %scan3A_14#0 : i32
      %select_n3A = arith.select %gt3A, %scan3A_14#0, %scan3A_14#1 : i32
      %select_n3A_16 = arith.select %gt3A, %scan3A_14#1, %scan3A_14#0 : i32
      %scan3A_17 = arith.constant 0 : i32
      %scan3A_18 = arith.constant 0 : i32
      %scan3A_19 = arith.constant 32 : i32
      %scan3A_20 = arith.addi %scan3A_18, %scan3A_19 : i32
      %scan3A_21 = arith.constant 1 : i32
      %scan3A_22 = scf.for %scan3A_190 = %scan3A_18 to %scan3A_20 step %scan3A_21 iter_args(%scan3A_191 = %scan3A_17) -> (i32)  : i32 {
        %mul3A_192 = arith.constant 16 : i32
        %mul3A_193 = arith.muli %scan3A_190, %mul3A_192 : i32
        %get3A_194 = arith.index_cast %mul3A_193 : i32 to index
        %get3A_195 = tpu.vector_load %arg18[%get3A_194] {strides = array<i32>} : memref<528xi32, #tpu.memory_space<vmem>>, vector<16xi32>,
        %jit3A = arith.constant 0 : i32
        %jit3A_196 = arith.constant 511 : i32
        %max3A = vector.broadcast %jit3A : i32 to vector<16xi32>
        %max3A_197 = arith.maxsi %max3A, %get3A_195 : vector<16xi32>
        %min3A = vector.broadcast %jit3A_196 : i32 to vector<16xi32>
        %min3A_198 = arith.minsi %min3A, %max3A_197 : vector<16xi32>
        %get3A_199 = arith.index_cast %mul3A_193 : i32 to index
        %get3A_200 = tpu.vector_load %arg19[%get3A_199] {strides = array<i32>} : memref<528xi32, #tpu.memory_space<vmem>>, vector<16xi32>,
        %jit3A_201 = arith.constant 0 : i32
        %jit3A_202 = arith.constant 511 : i32
        %max3A_203 = vector.broadcast %jit3A_201 : i32 to vector<16xi32>
        %max3A_204 = arith.maxsi %max3A_203, %get3A_200 : vector<16xi32>
        %min3A_205 = vector.broadcast %jit3A_202 : i32 to vector<16xi32>
        %min3A_206 = arith.minsi %min3A_205, %max3A_204 : vector<16xi32>
        %select_n3A_207 = arith.select %gt3A, %min3A_198, %min3A_206 : vector<16xi32>
        %swap3A_208 = arith.index_cast %mul3A_193 : i32 to index
        %swap3A_209 = tpu.vector_load %arg30[%swap3A_208] {strides = array<i32>} : memref<512xi32, #tpu.memory_space<vmem>>, vector<16xi32>,
        tpu.vector_store %arg30[%swap3A_208], %select_n3A_207 {strides = array<i32>} : memref<512xi32, #tpu.memory_space<vmem>>, vector<16xi32>,
        %select_n3A_210 = arith.select %gt3A, %min3A_206, %min3A_198 : vector<16xi32>
        %swap3A_211 = arith.index_cast %mul3A_193 : i32 to index
        %swap3A_212 = tpu.vector_load %arg16[%swap3A_211] {strides = array<i32>} : memref<512xi32, #tpu.memory_space<vmem>>, vector<16xi32>,
        tpu.vector_store %arg16[%swap3A_211], %select_n3A_210 {strides = array<i32>} : memref<512xi32, #tpu.memory_space<vmem>>, vector<16xi32>,
        %broadcast_in_dim3A_213 = arith.constant 0 : i32
        %broadcast_in_dim3A_214 = vector.broadcast %broadcast_in_dim3A_213 : i32 to vector<16xi32>
        %swap3A_215 = arith.index_cast %mul3A_193 : i32 to index
        %swap3A_216 = tpu.vector_load %arg28[%swap3A_215] {strides = array<i32>} : memref<512xi32, #tpu.memory_space<vmem>>, vector<16xi32>,
        tpu.vector_store %arg28[%swap3A_215], %broadcast_in_dim3A_214 {strides = array<i32>} : memref<512xi32, #tpu.memory_space<vmem>>, vector<16xi32>,
        %broadcast_in_dim3A_217 = arith.constant 0.000000e+00 : f32
        %broadcast_in_dim3A_218 = vector.broadcast %broadcast_in_dim3A_217 : f32 to vector<16xf32>
        %swap3A_219 = arith.index_cast %mul3A_193 : i32 to index
        %swap3A_220 = tpu.vector_load %arg34[%swap3A_219] {strides = array<i32>} : memref<512xf32, #tpu.memory_space<vmem>>, vector<16xf32>,
        tpu.vector_store %arg34[%swap3A_219], %broadcast_in_dim3A_218 {strides = array<i32>} : memref<512xf32, #tpu.memory_space<vmem>>, vector<16xf32>,
        %broadcast_in_dim3A_221 = arith.constant 0 : i32
        %broadcast_in_dim3A_222 = vector.broadcast %broadcast_in_dim3A_221 : i32 to vector<16xi32>
        %swap3A_223 = arith.index_cast %mul3A_193 : i32 to index
        %swap3A_224 = tpu.vector_load %arg15[%swap3A_223] {strides = array<i32>} : memref<512xi32, #tpu.memory_space<vmem>>, vector<16xi32>,
        tpu.vector_store %arg15[%swap3A_223], %broadcast_in_dim3A_222 {strides = array<i32>} : memref<512xi32, #tpu.memory_space<vmem>>, vector<16xi32>,
        %broadcast_in_dim3A_225 = arith.constant 1073741824 : i32
        %broadcast_in_dim3A_226 = vector.broadcast %broadcast_in_dim3A_225 : i32 to vector<16xi32>
        %swap3A_227 = arith.index_cast %mul3A_193 : i32 to index
        %swap3A_228 = tpu.vector_load %arg31[%swap3A_227] {strides = array<i32>} : memref<512xi32, #tpu.memory_space<vmem>>, vector<16xi32>,
        tpu.vector_store %arg31[%swap3A_227], %broadcast_in_dim3A_226 {strides = array<i32>} : memref<512xi32, #tpu.memory_space<vmem>>, vector<16xi32>,
        %scan3A_229 = arith.constant 0 : i32
        scf.yield %scan3A_229 : i32
      }
      %scan3A_23 = arith.constant 32 : i32
      %mul3A = arith.constant 32 : i32
      %mul3A_24 = arith.muli %arg1, %mul3A : i32
      %get3A = arith.index_cast %mul3A_24 : i32 to index
      %get3A_25 = tpu.vector_load %arg16[%get3A] {strides = array<i32>} : memref<512xi32, #tpu.memory_space<vmem>>, vector<16xi32>,
      %mul3A_26 = arith.constant 32 : i32
      %mul3A_27 = arith.muli %arg1, %mul3A_26 : i32
      %add3A = arith.constant 16 : i32
      %add3A_28 = arith.addi %mul3A_27, %add3A : i32
      %get3A_29 = arith.index_cast %add3A_28 : i32 to index
      %get3A_30 = tpu.vector_load %arg16[%get3A_29] {strides = array<i32>} : memref<512xi32, #tpu.memory_space<vmem>>, vector<16xi32>,
      %broadcast_in_dim3A = arith.constant 0.000000e+00 : f32
      %broadcast_in_dim3A_31 = vector.broadcast %broadcast_in_dim3A : f32 to vector<16xf32>
      %swap3A = arith.constant 0 : index
      %swap3A_32 = tpu.vector_load %arg35[%swap3A] {strides = array<i32>} : memref<32xf32, #tpu.memory_space<vmem>>, vector<16xf32>,
      tpu.vector_store %arg35[%swap3A], %broadcast_in_dim3A_31 {strides = array<i32>} : memref<32xf32, #tpu.memory_space<vmem>>, vector<16xf32>,
      %broadcast_in_dim3A_33 = arith.constant 0.000000e+00 : f32
      %broadcast_in_dim3A_34 = vector.broadcast %broadcast_in_dim3A_33 : f32 to vector<16xf32>
      %swap3A_35 = arith.constant 16 : index
      %swap3A_36 = tpu.vector_load %arg35[%swap3A_35] {strides = array<i32>} : memref<32xf32, #tpu.memory_space<vmem>>, vector<16xf32>,
      tpu.vector_store %arg35[%swap3A_35], %broadcast_in_dim3A_34 {strides = array<i32>} : memref<32xf32, #tpu.memory_space<vmem>>, vector<16xf32>,
      %broadcast_in_dim3A_37 = arith.constant 0 : i32
      %broadcast_in_dim3A_38 = vector.broadcast %broadcast_in_dim3A_37 : i32 to vector<16xi32>
      %swap3A_39 = arith.constant 0 : index
      %swap3A_40 = tpu.vector_load %arg39[%swap3A_39] {strides = array<i32>} : memref<32xi32, #tpu.memory_space<vmem>>, vector<16xi32>,
      tpu.vector_store %arg39[%swap3A_39], %broadcast_in_dim3A_38 {strides = array<i32>} : memref<32xi32, #tpu.memory_space<vmem>>, vector<16xi32>,
      %broadcast_in_dim3A_41 = arith.constant 0 : i32
      %broadcast_in_dim3A_42 = vector.broadcast %broadcast_in_dim3A_41 : i32 to vector<16xi32>
      %swap3A_43 = arith.constant 16 : index
      %swap3A_44 = tpu.vector_load %arg39[%swap3A_43] {strides = array<i32>} : memref<32xi32, #tpu.memory_space<vmem>>, vector<16xi32>,
      tpu.vector_store %arg39[%swap3A_43], %broadcast_in_dim3A_42 {strides = array<i32>} : memref<32xi32, #tpu.memory_space<vmem>>, vector<16xi32>,
      %scan3A_45 = arith.constant 0 : i32
      %scan3A_46 = arith.constant 0 : i32
      %scan3A_47 = arith.constant 16 : i32
      %scan3A_48 = arith.addi %scan3A_46, %scan3A_47 : i32
      %scan3A_49 = arith.constant 1 : i32
      %scan3A_50 = scf.for %scan3A_190 = %scan3A_46 to %scan3A_48 step %scan3A_49 iter_args(%scan3A_191 = %scan3A_45) -> (i32)  : i32 {
        %broadcast_in_dim3A_192 = arith.constant 0 : i32
        %broadcast_in_dim3A_193 = vector.broadcast %broadcast_in_dim3A_192 : i32 to vector<16xi32>
        %swap3A_194 = arith.index_cast %scan3A_190 : i32 to index
        %swap3A_195 = arith.constant 0 : index
        %swap3A_196 = tpu.vector_load %arg37[%swap3A_194, %swap3A_195] {strides = array<i32>} : memref<16x128xi32, #tpu.memory_space<vmem>>, vector<16xi32>,
        tpu.vector_store %arg37[%swap3A_194, %swap3A_195], %broadcast_in_dim3A_193 {strides = array<i32>} : memref<16x128xi32, #tpu.memory_space<vmem>>, vector<16xi32>,
        %broadcast_in_dim3A_197 = arith.constant 0 : i32
        %broadcast_in_dim3A_198 = vector.broadcast %broadcast_in_dim3A_197 : i32 to vector<16xi32>
        %swap3A_199 = arith.index_cast %scan3A_190 : i32 to index
        %swap3A_200 = arith.constant 16 : index
        %swap3A_201 = tpu.vector_load %arg37[%swap3A_199, %swap3A_200] {strides = array<i32>} : memref<16x128xi32, #tpu.memory_space<vmem>>, vector<16xi32>,
        tpu.vector_store %arg37[%swap3A_199, %swap3A_200], %broadcast_in_dim3A_198 {strides = array<i32>} : memref<16x128xi32, #tpu.memory_space<vmem>>, vector<16xi32>,
        %broadcast_in_dim3A_202 = arith.constant 0 : i32
        %broadcast_in_dim3A_203 = vector.broadcast %broadcast_in_dim3A_202 : i32 to vector<16xi32>
        %swap3A_204 = arith.index_cast %scan3A_190 : i32 to index
        %swap3A_205 = arith.constant 32 : index
        %swap3A_206 = tpu.vector_load %arg37[%swap3A_204, %swap3A_205] {strides = array<i32>} : memref<16x128xi32, #tpu.memory_space<vmem>>, vector<16xi32>,
        tpu.vector_store %arg37[%swap3A_204, %swap3A_205], %broadcast_in_dim3A_203 {strides = array<i32>} : memref<16x128xi32, #tpu.memory_space<vmem>>, vector<16xi32>,
        %broadcast_in_dim3A_207 = arith.constant 0 : i32
        %broadcast_in_dim3A_208 = vector.broadcast %broadcast_in_dim3A_207 : i32 to vector<16xi32>
        %swap3A_209 = arith.index_cast %scan3A_190 : i32 to index
        %swap3A_210 = arith.constant 48 : index
        %swap3A_211 = tpu.vector_load %arg37[%swap3A_209, %swap3A_210] {strides = array<i32>} : memref<16x128xi32, #tpu.memory_space<vmem>>, vector<16xi32>,
        tpu.vector_store %arg37[%swap3A_209, %swap3A_210], %broadcast_in_dim3A_208 {strides = array<i32>} : memref<16x128xi32, #tpu.memory_space<vmem>>, vector<16xi32>,
        %scan3A_212 = arith.constant 0 : i32
        scf.yield %scan3A_212 : i32
      }
      %scan3A_51 = arith.constant 16 : i32
      %convert_element_type3A_52 = arith.extui %gt3A : i1 to i32
      %cond3A_53 = arith.constant 0 : i32
      %cond3A_54 = arith.cmpi ne, %convert_element_type3A_52, %cond3A_53 : i32
      scf.if %cond3A_54 {
        %dma_start3A = arith.constant 0 : i32
        %dma_start3A_190 = tpu.memref_slice %arg30[%dma_start3A] : memref<512xi32, #tpu.memory_space<vmem>> -> memref<64xi32, #tpu.memory_space<vmem>>
        %dma_start3A_191 = arith.constant 0 : i32
        %dma_start3A_192 = arith.constant 0 : i32
        %dma_start3A_193 = tpu.memref_slice %arg3[%dma_start3A_191, %dma_start3A_192] : memref<512x512xf32, #tpu.memory_space<hbm>> -> memref<512x512xf32, #tpu.memory_space<hbm>>
        tpu.enqueue_indirect_dma source(%dma_start3A_193 : memref<512x512xf32, #tpu.memory_space<hbm>>) target(%arg29 : memref<64x512xf32, #tpu.memory_space<vmem>>) offsets(%dma_start3A_190 : memref<64xi32, #tpu.memory_space<vmem>>) semaphore(%arg33 : memref<!tpu.dma_semaphore, #tpu.memory_space<semaphore_mem>>)
        %dma_wait3A = arith.constant 0 : i32
        %dma_wait3A_194 = tpu.memref_slice %arg30[%dma_wait3A] : memref<512xi32, #tpu.memory_space<vmem>> -> memref<64xi32, #tpu.memory_space<vmem>>
        %dma_wait3A_195 = arith.constant 0 : i32
        %dma_wait3A_196 = arith.constant 0 : i32
        %dma_wait3A_197 = tpu.memref_slice %arg3[%dma_wait3A_195, %dma_wait3A_196] : memref<512x512xf32, #tpu.memory_space<hbm>> -> memref<512x512xf32, #tpu.memory_space<hbm>>
        tpu.wait_indirect_dma semaphore(%arg33 : memref<!tpu.dma_semaphore, #tpu.memory_space<semaphore_mem>>) src(%dma_wait3A_197 : memref<512x512xf32, #tpu.memory_space<hbm>>) dst(%arg29 : memref<64x512xf32, #tpu.memory_space<vmem>>)
      } else {
      }
      %not3A = arith.constant true
      %not3A_55 = arith.xori %gt3A, %not3A : i1
      %convert_element_type3A_56 = arith.extui %not3A_55 : i1 to i32
      %cond3A_57 = arith.constant 0 : i32
      %cond3A_58 = arith.cmpi ne, %convert_element_type3A_56, %cond3A_57 : i32
      scf.if %cond3A_58 {
        %dma_start3A = arith.constant 0 : i32
        %dma_start3A_190 = tpu.memref_slice %arg30[%dma_start3A] : memref<512xi32, #tpu.memory_space<vmem>> -> memref<64xi32, #tpu.memory_space<vmem>>
        %dma_start3A_191 = arith.constant 0 : i32
        %dma_start3A_192 = arith.constant 0 : i32
        %dma_start3A_193 = tpu.memref_slice %arg2[%dma_start3A_191, %dma_start3A_192] : memref<512x512xf32, #tpu.memory_space<hbm>> -> memref<512x512xf32, #tpu.memory_space<hbm>>
        tpu.enqueue_indirect_dma source(%dma_start3A_193 : memref<512x512xf32, #tpu.memory_space<hbm>>) target(%arg29 : memref<64x512xf32, #tpu.memory_space<vmem>>) offsets(%dma_start3A_190 : memref<64xi32, #tpu.memory_space<vmem>>) semaphore(%arg33 : memref<!tpu.dma_semaphore, #tpu.memory_space<semaphore_mem>>)
        %dma_wait3A = arith.constant 0 : i32
        %dma_wait3A_194 = tpu.memref_slice %arg30[%dma_wait3A] : memref<512xi32, #tpu.memory_space<vmem>> -> memref<64xi32, #tpu.memory_space<vmem>>
        %dma_wait3A_195 = arith.constant 0 : i32
        %dma_wait3A_196 = arith.constant 0 : i32
        %dma_wait3A_197 = tpu.memref_slice %arg2[%dma_wait3A_195, %dma_wait3A_196] : memref<512x512xf32, #tpu.memory_space<hbm>> -> memref<512x512xf32, #tpu.memory_space<hbm>>
        tpu.wait_indirect_dma semaphore(%arg33 : memref<!tpu.dma_semaphore, #tpu.memory_space<semaphore_mem>>) src(%dma_wait3A_197 : memref<512x512xf32, #tpu.memory_space<hbm>>) dst(%arg29 : memref<64x512xf32, #tpu.memory_space<vmem>>)
      } else {
      }
      %scan3A_59 = arith.constant 0 : i32
      %scan3A_60 = arith.constant 0 : i32
      %scan3A_61 = arith.constant 64 : i32
      %scan3A_62 = arith.addi %scan3A_60, %scan3A_61 : i32
      %scan3A_63 = arith.constant 1 : i32
      %scan3A_64 = scf.for %scan3A_190 = %scan3A_60 to %scan3A_62 step %scan3A_63 iter_args(%scan3A_191 = %scan3A_59) -> (i32)  : i32 {
        %broadcast_in_dim3A_192 = vector.broadcast %scan3A_190 : i32 to vector<16xi32>
        %gather3A = tpu.vector_load_idx %arg29[%broadcast_in_dim3A_192, %get3A_25] : memref<64x512xf32, #tpu.memory_space<vmem>>[vector<16xi32>, vector<16xi32>], vector<16xf32>,
        %gather3A_193 = tpu.vector_load_idx %arg29[%broadcast_in_dim3A_192, %get3A_30] : memref<64x512xf32, #tpu.memory_space<vmem>>[vector<16xi32>, vector<16xi32>], vector<16xf32>,
        %add3A_194 = arith.constant 0 : i32
        %add3A_195 = arith.addi %add3A_194, %scan3A_190 : i32
        %swap3A_196 = arith.index_cast %add3A_195 : i32 to index
        %swap3A_197 = arith.constant 0 : index
        %swap3A_198 = tpu.vector_load %arg17[%swap3A_196, %swap3A_197] {strides = array<i32>} : memref<512x32xf32, #tpu.memory_space<vmem>>, vector<16xf32>,
        tpu.vector_store %arg17[%swap3A_196, %swap3A_197], %gather3A {strides = array<i32>} : memref<512x32xf32, #tpu.memory_space<vmem>>, vector<16xf32>,
        %swap3A_199 = arith.index_cast %add3A_195 : i32 to index
        %swap3A_200 = arith.constant 16 : index
        %swap3A_201 = tpu.vector_load %arg17[%swap3A_199, %swap3A_200] {strides = array<i32>} : memref<512x32xf32, #tpu.memory_space<vmem>>, vector<16xf32>,
        tpu.vector_store %arg17[%swap3A_199, %swap3A_200], %gather3A_193 {strides = array<i32>} : memref<512x32xf32, #tpu.memory_space<vmem>>, vector<16xf32>,
        %scan3A_202 = arith.constant 0 : i32
        scf.yield %scan3A_202 : i32
      }
      %scan3A_65 = arith.constant 64 : i32
      %convert_element_type3A_66 = arith.extui %gt3A : i1 to i32
      %cond3A_67 = arith.constant 0 : i32
      %cond3A_68 = arith.cmpi ne, %convert_element_type3A_66, %cond3A_67 : i32
      scf.if %cond3A_68 {
        %dma_start3A = arith.constant 64 : i32
        %dma_start3A_190 = tpu.memref_slice %arg30[%dma_start3A] : memref<512xi32, #tpu.memory_space<vmem>> -> memref<64xi32, #tpu.memory_space<vmem>>
        %dma_start3A_191 = arith.constant 0 : i32
        %dma_start3A_192 = arith.constant 0 : i32
        %dma_start3A_193 = tpu.memref_slice %arg3[%dma_start3A_191, %dma_start3A_192] : memref<512x512xf32, #tpu.memory_space<hbm>> -> memref<512x512xf32, #tpu.memory_space<hbm>>
        tpu.enqueue_indirect_dma source(%dma_start3A_193 : memref<512x512xf32, #tpu.memory_space<hbm>>) target(%arg29 : memref<64x512xf32, #tpu.memory_space<vmem>>) offsets(%dma_start3A_190 : memref<64xi32, #tpu.memory_space<vmem>>) semaphore(%arg33 : memref<!tpu.dma_semaphore, #tpu.memory_space<semaphore_mem>>)
        %dma_wait3A = arith.constant 64 : i32
        %dma_wait3A_194 = tpu.memref_slice %arg30[%dma_wait3A] : memref<512xi32, #tpu.memory_space<vmem>> -> memref<64xi32, #tpu.memory_space<vmem>>
        %dma_wait3A_195 = arith.constant 0 : i32
        %dma_wait3A_196 = arith.constant 0 : i32
        %dma_wait3A_197 = tpu.memref_slice %arg3[%dma_wait3A_195, %dma_wait3A_196] : memref<512x512xf32, #tpu.memory_space<hbm>> -> memref<512x512xf32, #tpu.memory_space<hbm>>
        tpu.wait_indirect_dma semaphore(%arg33 : memref<!tpu.dma_semaphore, #tpu.memory_space<semaphore_mem>>) src(%dma_wait3A_197 : memref<512x512xf32, #tpu.memory_space<hbm>>) dst(%arg29 : memref<64x512xf32, #tpu.memory_space<vmem>>)
      } else {
      }
      %not3A_69 = arith.constant true
      %not3A_70 = arith.xori %gt3A, %not3A_69 : i1
      %convert_element_type3A_71 = arith.extui %not3A_70 : i1 to i32
      %cond3A_72 = arith.constant 0 : i32
      %cond3A_73 = arith.cmpi ne, %convert_element_type3A_71, %cond3A_72 : i32
      scf.if %cond3A_73 {
        %dma_start3A = arith.constant 64 : i32
        %dma_start3A_190 = tpu.memref_slice %arg30[%dma_start3A] : memref<512xi32, #tpu.memory_space<vmem>> -> memref<64xi32, #tpu.memory_space<vmem>>
        %dma_start3A_191 = arith.constant 0 : i32
        %dma_start3A_192 = arith.constant 0 : i32
        %dma_start3A_193 = tpu.memref_slice %arg2[%dma_start3A_191, %dma_start3A_192] : memref<512x512xf32, #tpu.memory_space<hbm>> -> memref<512x512xf32, #tpu.memory_space<hbm>>
        tpu.enqueue_indirect_dma source(%dma_start3A_193 : memref<512x512xf32, #tpu.memory_space<hbm>>) target(%arg29 : memref<64x512xf32, #tpu.memory_space<vmem>>) offsets(%dma_start3A_190 : memref<64xi32, #tpu.memory_space<vmem>>) semaphore(%arg33 : memref<!tpu.dma_semaphore, #tpu.memory_space<semaphore_mem>>)
        %dma_wait3A = arith.constant 64 : i32
        %dma_wait3A_194 = tpu.memref_slice %arg30[%dma_wait3A] : memref<512xi32, #tpu.memory_space<vmem>> -> memref<64xi32, #tpu.memory_space<vmem>>
        %dma_wait3A_195 = arith.constant 0 : i32
        %dma_wait3A_196 = arith.constant 0 : i32
        %dma_wait3A_197 = tpu.memref_slice %arg2[%dma_wait3A_195, %dma_wait3A_196] : memref<512x512xf32, #tpu.memory_space<hbm>> -> memref<512x512xf32, #tpu.memory_space<hbm>>
        tpu.wait_indirect_dma semaphore(%arg33 : memref<!tpu.dma_semaphore, #tpu.memory_space<semaphore_mem>>) src(%dma_wait3A_197 : memref<512x512xf32, #tpu.memory_space<hbm>>) dst(%arg29 : memref<64x512xf32, #tpu.memory_space<vmem>>)
      } else {
      }
      %scan3A_74 = arith.constant 0 : i32
      %scan3A_75 = arith.constant 0 : i32
      %scan3A_76 = arith.constant 64 : i32
      %scan3A_77 = arith.addi %scan3A_75, %scan3A_76 : i32
      %scan3A_78 = arith.constant 1 : i32
      %scan3A_79 = scf.for %scan3A_190 = %scan3A_75 to %scan3A_77 step %scan3A_78 iter_args(%scan3A_191 = %scan3A_74) -> (i32)  : i32 {
        %broadcast_in_dim3A_192 = vector.broadcast %scan3A_190 : i32 to vector<16xi32>
        %gather3A = tpu.vector_load_idx %arg29[%broadcast_in_dim3A_192, %get3A_25] : memref<64x512xf32, #tpu.memory_space<vmem>>[vector<16xi32>, vector<16xi32>], vector<16xf32>,
        %gather3A_193 = tpu.vector_load_idx %arg29[%broadcast_in_dim3A_192, %get3A_30] : memref<64x512xf32, #tpu.memory_space<vmem>>[vector<16xi32>, vector<16xi32>], vector<16xf32>,
        %add3A_194 = arith.constant 64 : i32
        %add3A_195 = arith.addi %add3A_194, %scan3A_190 : i32
        %swap3A_196 = arith.index_cast %add3A_195 : i32 to index
        %swap3A_197 = arith.constant 0 : index
        %swap3A_198 = tpu.vector_load %arg17[%swap3A_196, %swap3A_197] {strides = array<i32>} : memref<512x32xf32, #tpu.memory_space<vmem>>, vector<16xf32>,
        tpu.vector_store %arg17[%swap3A_196, %swap3A_197], %gather3A {strides = array<i32>} : memref<512x32xf32, #tpu.memory_space<vmem>>, vector<16xf32>,
        %swap3A_199 = arith.index_cast %add3A_195 : i32 to index
        %swap3A_200 = arith.constant 16 : index
        %swap3A_201 = tpu.vector_load %arg17[%swap3A_199, %swap3A_200] {strides = array<i32>} : memref<512x32xf32, #tpu.memory_space<vmem>>, vector<16xf32>,
        tpu.vector_store %arg17[%swap3A_199, %swap3A_200], %gather3A_193 {strides = array<i32>} : memref<512x32xf32, #tpu.memory_space<vmem>>, vector<16xf32>,
        %scan3A_202 = arith.constant 0 : i32
        scf.yield %scan3A_202 : i32
      }
      %scan3A_80 = arith.constant 64 : i32
      %convert_element_type3A_81 = arith.extui %gt3A : i1 to i32
      %cond3A_82 = arith.constant 0 : i32
      %cond3A_83 = arith.cmpi ne, %convert_element_type3A_81, %cond3A_82 : i32
      scf.if %cond3A_83 {
        %dma_start3A = arith.constant 128 : i32
        %dma_start3A_190 = tpu.memref_slice %arg30[%dma_start3A] : memref<512xi32, #tpu.memory_space<vmem>> -> memref<64xi32, #tpu.memory_space<vmem>>
        %dma_start3A_191 = arith.constant 0 : i32
        %dma_start3A_192 = arith.constant 0 : i32
        %dma_start3A_193 = tpu.memref_slice %arg3[%dma_start3A_191, %dma_start3A_192] : memref<512x512xf32, #tpu.memory_space<hbm>> -> memref<512x512xf32, #tpu.memory_space<hbm>>
        tpu.enqueue_indirect_dma source(%dma_start3A_193 : memref<512x512xf32, #tpu.memory_space<hbm>>) target(%arg29 : memref<64x512xf32, #tpu.memory_space<vmem>>) offsets(%dma_start3A_190 : memref<64xi32, #tpu.memory_space<vmem>>) semaphore(%arg33 : memref<!tpu.dma_semaphore, #tpu.memory_space<semaphore_mem>>)
        %dma_wait3A = arith.constant 128 : i32
        %dma_wait3A_194 = tpu.memref_slice %arg30[%dma_wait3A] : memref<512xi32, #tpu.memory_space<vmem>> -> memref<64xi32, #tpu.memory_space<vmem>>
        %dma_wait3A_195 = arith.constant 0 : i32
        %dma_wait3A_196 = arith.constant 0 : i32
        %dma_wait3A_197 = tpu.memref_slice %arg3[%dma_wait3A_195, %dma_wait3A_196] : memref<512x512xf32, #tpu.memory_space<hbm>> -> memref<512x512xf32, #tpu.memory_space<hbm>>
        tpu.wait_indirect_dma semaphore(%arg33 : memref<!tpu.dma_semaphore, #tpu.memory_space<semaphore_mem>>) src(%dma_wait3A_197 : memref<512x512xf32, #tpu.memory_space<hbm>>) dst(%arg29 : memref<64x512xf32, #tpu.memory_space<vmem>>)
      } else {
      }
      %not3A_84 = arith.constant true
      %not3A_85 = arith.xori %gt3A, %not3A_84 : i1
      %convert_element_type3A_86 = arith.extui %not3A_85 : i1 to i32
      %cond3A_87 = arith.constant 0 : i32
      %cond3A_88 = arith.cmpi ne, %convert_element_type3A_86, %cond3A_87 : i32
      scf.if %cond3A_88 {
        %dma_start3A = arith.constant 128 : i32
        %dma_start3A_190 = tpu.memref_slice %arg30[%dma_start3A] : memref<512xi32, #tpu.memory_space<vmem>> -> memref<64xi32, #tpu.memory_space<vmem>>
        %dma_start3A_191 = arith.constant 0 : i32
        %dma_start3A_192 = arith.constant 0 : i32
        %dma_start3A_193 = tpu.memref_slice %arg2[%dma_start3A_191, %dma_start3A_192] : memref<512x512xf32, #tpu.memory_space<hbm>> -> memref<512x512xf32, #tpu.memory_space<hbm>>
        tpu.enqueue_indirect_dma source(%dma_start3A_193 : memref<512x512xf32, #tpu.memory_space<hbm>>) target(%arg29 : memref<64x512xf32, #tpu.memory_space<vmem>>) offsets(%dma_start3A_190 : memref<64xi32, #tpu.memory_space<vmem>>) semaphore(%arg33 : memref<!tpu.dma_semaphore, #tpu.memory_space<semaphore_mem>>)
        %dma_wait3A = arith.constant 128 : i32
        %dma_wait3A_194 = tpu.memref_slice %arg30[%dma_wait3A] : memref<512xi32, #tpu.memory_space<vmem>> -> memref<64xi32, #tpu.memory_space<vmem>>
        %dma_wait3A_195 = arith.constant 0 : i32
        %dma_wait3A_196 = arith.constant 0 : i32
        %dma_wait3A_197 = tpu.memref_slice %arg2[%dma_wait3A_195, %dma_wait3A_196] : memref<512x512xf32, #tpu.memory_space<hbm>> -> memref<512x512xf32, #tpu.memory_space<hbm>>
        tpu.wait_indirect_dma semaphore(%arg33 : memref<!tpu.dma_semaphore, #tpu.memory_space<semaphore_mem>>) src(%dma_wait3A_197 : memref<512x512xf32, #tpu.memory_space<hbm>>) dst(%arg29 : memref<64x512xf32, #tpu.memory_space<vmem>>)
      } else {
      }
      %scan3A_89 = arith.constant 0 : i32
      %scan3A_90 = arith.constant 0 : i32
      %scan3A_91 = arith.constant 64 : i32
      %scan3A_92 = arith.addi %scan3A_90, %scan3A_91 : i32
      %scan3A_93 = arith.constant 1 : i32
      %scan3A_94 = scf.for %scan3A_190 = %scan3A_90 to %scan3A_92 step %scan3A_93 iter_args(%scan3A_191 = %scan3A_89) -> (i32)  : i32 {
        %broadcast_in_dim3A_192 = vector.broadcast %scan3A_190 : i32 to vector<16xi32>
        %gather3A = tpu.vector_load_idx %arg29[%broadcast_in_dim3A_192, %get3A_25] : memref<64x512xf32, #tpu.memory_space<vmem>>[vector<16xi32>, vector<16xi32>], vector<16xf32>,
        %gather3A_193 = tpu.vector_load_idx %arg29[%broadcast_in_dim3A_192, %get3A_30] : memref<64x512xf32, #tpu.memory_space<vmem>>[vector<16xi32>, vector<16xi32>], vector<16xf32>,
        %add3A_194 = arith.constant 128 : i32
        %add3A_195 = arith.addi %add3A_194, %scan3A_190 : i32
        %swap3A_196 = arith.index_cast %add3A_195 : i32 to index
        %swap3A_197 = arith.constant 0 : index
        %swap3A_198 = tpu.vector_load %arg17[%swap3A_196, %swap3A_197] {strides = array<i32>} : memref<512x32xf32, #tpu.memory_space<vmem>>, vector<16xf32>,
        tpu.vector_store %arg17[%swap3A_196, %swap3A_197], %gather3A {strides = array<i32>} : memref<512x32xf32, #tpu.memory_space<vmem>>, vector<16xf32>,
        %swap3A_199 = arith.index_cast %add3A_195 : i32 to index
        %swap3A_200 = arith.constant 16 : index
        %swap3A_201 = tpu.vector_load %arg17[%swap3A_199, %swap3A_200] {strides = array<i32>} : memref<512x32xf32, #tpu.memory_space<vmem>>, vector<16xf32>,
        tpu.vector_store %arg17[%swap3A_199, %swap3A_200], %gather3A_193 {strides = array<i32>} : memref<512x32xf32, #tpu.memory_space<vmem>>, vector<16xf32>,
        %scan3A_202 = arith.constant 0 : i32
        scf.yield %scan3A_202 : i32
      }
      %scan3A_95 = arith.constant 64 : i32
      %convert_element_type3A_96 = arith.extui %gt3A : i1 to i32
      %cond3A_97 = arith.constant 0 : i32
      %cond3A_98 = arith.cmpi ne, %convert_element_type3A_96, %cond3A_97 : i32
      scf.if %cond3A_98 {
        %dma_start3A = arith.constant 192 : i32
        %dma_start3A_190 = tpu.memref_slice %arg30[%dma_start3A] : memref<512xi32, #tpu.memory_space<vmem>> -> memref<64xi32, #tpu.memory_space<vmem>>
        %dma_start3A_191 = arith.constant 0 : i32
        %dma_start3A_192 = arith.constant 0 : i32
        %dma_start3A_193 = tpu.memref_slice %arg3[%dma_start3A_191, %dma_start3A_192] : memref<512x512xf32, #tpu.memory_space<hbm>> -> memref<512x512xf32, #tpu.memory_space<hbm>>
        tpu.enqueue_indirect_dma source(%dma_start3A_193 : memref<512x512xf32, #tpu.memory_space<hbm>>) target(%arg29 : memref<64x512xf32, #tpu.memory_space<vmem>>) offsets(%dma_start3A_190 : memref<64xi32, #tpu.memory_space<vmem>>) semaphore(%arg33 : memref<!tpu.dma_semaphore, #tpu.memory_space<semaphore_mem>>)
        %dma_wait3A = arith.constant 192 : i32
        %dma_wait3A_194 = tpu.memref_slice %arg30[%dma_wait3A] : memref<512xi32, #tpu.memory_space<vmem>> -> memref<64xi32, #tpu.memory_space<vmem>>
        %dma_wait3A_195 = arith.constant 0 : i32
        %dma_wait3A_196 = arith.constant 0 : i32
        %dma_wait3A_197 = tpu.memref_slice %arg3[%dma_wait3A_195, %dma_wait3A_196] : memref<512x512xf32, #tpu.memory_space<hbm>> -> memref<512x512xf32, #tpu.memory_space<hbm>>
        tpu.wait_indirect_dma semaphore(%arg33 : memref<!tpu.dma_semaphore, #tpu.memory_space<semaphore_mem>>) src(%dma_wait3A_197 : memref<512x512xf32, #tpu.memory_space<hbm>>) dst(%arg29 : memref<64x512xf32, #tpu.memory_space<vmem>>)
      } else {
      }
      %not3A_99 = arith.constant true
      %not3A_100 = arith.xori %gt3A, %not3A_99 : i1
      %convert_element_type3A_101 = arith.extui %not3A_100 : i1 to i32
      %cond3A_102 = arith.constant 0 : i32
      %cond3A_103 = arith.cmpi ne, %convert_element_type3A_101, %cond3A_102 : i32
      scf.if %cond3A_103 {
        %dma_start3A = arith.constant 192 : i32
        %dma_start3A_190 = tpu.memref_slice %arg30[%dma_start3A] : memref<512xi32, #tpu.memory_space<vmem>> -> memref<64xi32, #tpu.memory_space<vmem>>
        %dma_start3A_191 = arith.constant 0 : i32
        %dma_start3A_192 = arith.constant 0 : i32
        %dma_start3A_193 = tpu.memref_slice %arg2[%dma_start3A_191, %dma_start3A_192] : memref<512x512xf32, #tpu.memory_space<hbm>> -> memref<512x512xf32, #tpu.memory_space<hbm>>
        tpu.enqueue_indirect_dma source(%dma_start3A_193 : memref<512x512xf32, #tpu.memory_space<hbm>>) target(%arg29 : memref<64x512xf32, #tpu.memory_space<vmem>>) offsets(%dma_start3A_190 : memref<64xi32, #tpu.memory_space<vmem>>) semaphore(%arg33 : memref<!tpu.dma_semaphore, #tpu.memory_space<semaphore_mem>>)
        %dma_wait3A = arith.constant 192 : i32
        %dma_wait3A_194 = tpu.memref_slice %arg30[%dma_wait3A] : memref<512xi32, #tpu.memory_space<vmem>> -> memref<64xi32, #tpu.memory_space<vmem>>
        %dma_wait3A_195 = arith.constant 0 : i32
        %dma_wait3A_196 = arith.constant 0 : i32
        %dma_wait3A_197 = tpu.memref_slice %arg2[%dma_wait3A_195, %dma_wait3A_196] : memref<512x512xf32, #tpu.memory_space<hbm>> -> memref<512x512xf32, #tpu.memory_space<hbm>>
        tpu.wait_indirect_dma semaphore(%arg33 : memref<!tpu.dma_semaphore, #tpu.memory_space<semaphore_mem>>) src(%dma_wait3A_197 : memref<512x512xf32, #tpu.memory_space<hbm>>) dst(%arg29 : memref<64x512xf32, #tpu.memory_space<vmem>>)
      } else {
      }
      %scan3A_104 = arith.constant 0 : i32
      %scan3A_105 = arith.constant 0 : i32
      %scan3A_106 = arith.constant 64 : i32
      %scan3A_107 = arith.addi %scan3A_105, %scan3A_106 : i32
      %scan3A_108 = arith.constant 1 : i32
      %scan3A_109 = scf.for %scan3A_190 = %scan3A_105 to %scan3A_107 step %scan3A_108 iter_args(%scan3A_191 = %scan3A_104) -> (i32)  : i32 {
        %broadcast_in_dim3A_192 = vector.broadcast %scan3A_190 : i32 to vector<16xi32>
        %gather3A = tpu.vector_load_idx %arg29[%broadcast_in_dim3A_192, %get3A_25] : memref<64x512xf32, #tpu.memory_space<vmem>>[vector<16xi32>, vector<16xi32>], vector<16xf32>,
        %gather3A_193 = tpu.vector_load_idx %arg29[%broadcast_in_dim3A_192, %get3A_30] : memref<64x512xf32, #tpu.memory_space<vmem>>[vector<16xi32>, vector<16xi32>], vector<16xf32>,
        %add3A_194 = arith.constant 192 : i32
        %add3A_195 = arith.addi %add3A_194, %scan3A_190 : i32
        %swap3A_196 = arith.index_cast %add3A_195 : i32 to index
        %swap3A_197 = arith.constant 0 : index
        %swap3A_198 = tpu.vector_load %arg17[%swap3A_196, %swap3A_197] {strides = array<i32>} : memref<512x32xf32, #tpu.memory_space<vmem>>, vector<16xf32>,
        tpu.vector_store %arg17[%swap3A_196, %swap3A_197], %gather3A {strides = array<i32>} : memref<512x32xf32, #tpu.memory_space<vmem>>, vector<16xf32>,
        %swap3A_199 = arith.index_cast %add3A_195 : i32 to index
        %swap3A_200 = arith.constant 16 : index
        %swap3A_201 = tpu.vector_load %arg17[%swap3A_199, %swap3A_200] {strides = array<i32>} : memref<512x32xf32, #tpu.memory_space<vmem>>, vector<16xf32>,
        tpu.vector_store %arg17[%swap3A_199, %swap3A_200], %gather3A_193 {strides = array<i32>} : memref<512x32xf32, #tpu.memory_space<vmem>>, vector<16xf32>,
        %scan3A_202 = arith.constant 0 : i32
        scf.yield %scan3A_202 : i32
      }
      %scan3A_110 = arith.constant 64 : i32
      %convert_element_type3A_111 = arith.extui %gt3A : i1 to i32
      %cond3A_112 = arith.constant 0 : i32
      %cond3A_113 = arith.cmpi ne, %convert_element_type3A_111, %cond3A_112 : i32
      scf.if %cond3A_113 {
        %dma_start3A = arith.constant 256 : i32
        %dma_start3A_190 = tpu.memref_slice %arg30[%dma_start3A] : memref<512xi32, #tpu.memory_space<vmem>> -> memref<64xi32, #tpu.memory_space<vmem>>
        %dma_start3A_191 = arith.constant 0 : i32
        %dma_start3A_192 = arith.constant 0 : i32
        %dma_start3A_193 = tpu.memref_slice %arg3[%dma_start3A_191, %dma_start3A_192] : memref<512x512xf32, #tpu.memory_space<hbm>> -> memref<512x512xf32, #tpu.memory_space<hbm>>
        tpu.enqueue_indirect_dma source(%dma_start3A_193 : memref<512x512xf32, #tpu.memory_space<hbm>>) target(%arg29 : memref<64x512xf32, #tpu.memory_space<vmem>>) offsets(%dma_start3A_190 : memref<64xi32, #tpu.memory_space<vmem>>) semaphore(%arg33 : memref<!tpu.dma_semaphore, #tpu.memory_space<semaphore_mem>>)
        %dma_wait3A = arith.constant 256 : i32
        %dma_wait3A_194 = tpu.memref_slice %arg30[%dma_wait3A] : memref<512xi32, #tpu.memory_space<vmem>> -> memref<64xi32, #tpu.memory_space<vmem>>
        %dma_wait3A_195 = arith.constant 0 : i32
        %dma_wait3A_196 = arith.constant 0 : i32
        %dma_wait3A_197 = tpu.memref_slice %arg3[%dma_wait3A_195, %dma_wait3A_196] : memref<512x512xf32, #tpu.memory_space<hbm>> -> memref<512x512xf32, #tpu.memory_space<hbm>>
        tpu.wait_indirect_dma semaphore(%arg33 : memref<!tpu.dma_semaphore, #tpu.memory_space<semaphore_mem>>) src(%dma_wait3A_197 : memref<512x512xf32, #tpu.memory_space<hbm>>) dst(%arg29 : memref<64x512xf32, #tpu.memory_space<vmem>>)
      } else {
      }
      %not3A_114 = arith.constant true
      %not3A_115 = arith.xori %gt3A, %not3A_114 : i1
      %convert_element_type3A_116 = arith.extui %not3A_115 : i1 to i32
      %cond3A_117 = arith.constant 0 : i32
      %cond3A_118 = arith.cmpi ne, %convert_element_type3A_116, %cond3A_117 : i32
      scf.if %cond3A_118 {
        %dma_start3A = arith.constant 256 : i32
        %dma_start3A_190 = tpu.memref_slice %arg30[%dma_start3A] : memref<512xi32, #tpu.memory_space<vmem>> -> memref<64xi32, #tpu.memory_space<vmem>>
        %dma_start3A_191 = arith.constant 0 : i32
        %dma_start3A_192 = arith.constant 0 : i32
        %dma_start3A_193 = tpu.memref_slice %arg2[%dma_start3A_191, %dma_start3A_192] : memref<512x512xf32, #tpu.memory_space<hbm>> -> memref<512x512xf32, #tpu.memory_space<hbm>>
        tpu.enqueue_indirect_dma source(%dma_start3A_193 : memref<512x512xf32, #tpu.memory_space<hbm>>) target(%arg29 : memref<64x512xf32, #tpu.memory_space<vmem>>) offsets(%dma_start3A_190 : memref<64xi32, #tpu.memory_space<vmem>>) semaphore(%arg33 : memref<!tpu.dma_semaphore, #tpu.memory_space<semaphore_mem>>)
        %dma_wait3A = arith.constant 256 : i32
        %dma_wait3A_194 = tpu.memref_slice %arg30[%dma_wait3A] : memref<512xi32, #tpu.memory_space<vmem>> -> memref<64xi32, #tpu.memory_space<vmem>>
        %dma_wait3A_195 = arith.constant 0 : i32
        %dma_wait3A_196 = arith.constant 0 : i32
        %dma_wait3A_197 = tpu.memref_slice %arg2[%dma_wait3A_195, %dma_wait3A_196] : memref<512x512xf32, #tpu.memory_space<hbm>> -> memref<512x512xf32, #tpu.memory_space<hbm>>
        tpu.wait_indirect_dma semaphore(%arg33 : memref<!tpu.dma_semaphore, #tpu.memory_space<semaphore_mem>>) src(%dma_wait3A_197 : memref<512x512xf32, #tpu.memory_space<hbm>>) dst(%arg29 : memref<64x512xf32, #tpu.memory_space<vmem>>)
      } else {
      }
      %scan3A_119 = arith.constant 0 : i32
      %scan3A_120 = arith.constant 0 : i32
      %scan3A_121 = arith.constant 64 : i32
      %scan3A_122 = arith.addi %scan3A_120, %scan3A_121 : i32
      %scan3A_123 = arith.constant 1 : i32
      %scan3A_124 = scf.for %scan3A_190 = %scan3A_120 to %scan3A_122 step %scan3A_123 iter_args(%scan3A_191 = %scan3A_119) -> (i32)  : i32 {
        %broadcast_in_dim3A_192 = vector.broadcast %scan3A_190 : i32 to vector<16xi32>
        %gather3A = tpu.vector_load_idx %arg29[%broadcast_in_dim3A_192, %get3A_25] : memref<64x512xf32, #tpu.memory_space<vmem>>[vector<16xi32>, vector<16xi32>], vector<16xf32>,
        %gather3A_193 = tpu.vector_load_idx %arg29[%broadcast_in_dim3A_192, %get3A_30] : memref<64x512xf32, #tpu.memory_space<vmem>>[vector<16xi32>, vector<16xi32>], vector<16xf32>,
        %add3A_194 = arith.constant 256 : i32
        %add3A_195 = arith.addi %add3A_194, %scan3A_190 : i32
        %swap3A_196 = arith.index_cast %add3A_195 : i32 to index
        %swap3A_197 = arith.constant 0 : index
        %swap3A_198 = tpu.vector_load %arg17[%swap3A_196, %swap3A_197] {strides = array<i32>} : memref<512x32xf32, #tpu.memory_space<vmem>>, vector<16xf32>,
        tpu.vector_store %arg17[%swap3A_196, %swap3A_197], %gather3A {strides = array<i32>} : memref<512x32xf32, #tpu.memory_space<vmem>>, vector<16xf32>,
        %swap3A_199 = arith.index_cast %add3A_195 : i32 to index
        %swap3A_200 = arith.constant 16 : index
        %swap3A_201 = tpu.vector_load %arg17[%swap3A_199, %swap3A_200] {strides = array<i32>} : memref<512x32xf32, #tpu.memory_space<vmem>>, vector<16xf32>,
        tpu.vector_store %arg17[%swap3A_199, %swap3A_200], %gather3A_193 {strides = array<i32>} : memref<512x32xf32, #tpu.memory_space<vmem>>, vector<16xf32>,
        %scan3A_202 = arith.constant 0 : i32
        scf.yield %scan3A_202 : i32
      }
      %scan3A_125 = arith.constant 64 : i32
      %convert_element_type3A_126 = arith.extui %gt3A : i1 to i32
      %cond3A_127 = arith.constant 0 : i32
      %cond3A_128 = arith.cmpi ne, %convert_element_type3A_126, %cond3A_127 : i32
      scf.if %cond3A_128 {
        %dma_start3A = arith.constant 320 : i32
        %dma_start3A_190 = tpu.memref_slice %arg30[%dma_start3A] : memref<512xi32, #tpu.memory_space<vmem>> -> memref<64xi32, #tpu.memory_space<vmem>>
        %dma_start3A_191 = arith.constant 0 : i32
        %dma_start3A_192 = arith.constant 0 : i32
        %dma_start3A_193 = tpu.memref_slice %arg3[%dma_start3A_191, %dma_start3A_192] : memref<512x512xf32, #tpu.memory_space<hbm>> -> memref<512x512xf32, #tpu.memory_space<hbm>>
        tpu.enqueue_indirect_dma source(%dma_start3A_193 : memref<512x512xf32, #tpu.memory_space<hbm>>) target(%arg29 : memref<64x512xf32, #tpu.memory_space<vmem>>) offsets(%dma_start3A_190 : memref<64xi32, #tpu.memory_space<vmem>>) semaphore(%arg33 : memref<!tpu.dma_semaphore, #tpu.memory_space<semaphore_mem>>)
        %dma_wait3A = arith.constant 320 : i32
        %dma_wait3A_194 = tpu.memref_slice %arg30[%dma_wait3A] : memref<512xi32, #tpu.memory_space<vmem>> -> memref<64xi32, #tpu.memory_space<vmem>>
        %dma_wait3A_195 = arith.constant 0 : i32
        %dma_wait3A_196 = arith.constant 0 : i32
        %dma_wait3A_197 = tpu.memref_slice %arg3[%dma_wait3A_195, %dma_wait3A_196] : memref<512x512xf32, #tpu.memory_space<hbm>> -> memref<512x512xf32, #tpu.memory_space<hbm>>
        tpu.wait_indirect_dma semaphore(%arg33 : memref<!tpu.dma_semaphore, #tpu.memory_space<semaphore_mem>>) src(%dma_wait3A_197 : memref<512x512xf32, #tpu.memory_space<hbm>>) dst(%arg29 : memref<64x512xf32, #tpu.memory_space<vmem>>)
      } else {
      }
      %not3A_129 = arith.constant true
      %not3A_130 = arith.xori %gt3A, %not3A_129 : i1
      %convert_element_type3A_131 = arith.extui %not3A_130 : i1 to i32
      %cond3A_132 = arith.constant 0 : i32
      %cond3A_133 = arith.cmpi ne, %convert_element_type3A_131, %cond3A_132 : i32
      scf.if %cond3A_133 {
        %dma_start3A = arith.constant 320 : i32
        %dma_start3A_190 = tpu.memref_slice %arg30[%dma_start3A] : memref<512xi32, #tpu.memory_space<vmem>> -> memref<64xi32, #tpu.memory_space<vmem>>
        %dma_start3A_191 = arith.constant 0 : i32
        %dma_start3A_192 = arith.constant 0 : i32
        %dma_start3A_193 = tpu.memref_slice %arg2[%dma_start3A_191, %dma_start3A_192] : memref<512x512xf32, #tpu.memory_space<hbm>> -> memref<512x512xf32, #tpu.memory_space<hbm>>
        tpu.enqueue_indirect_dma source(%dma_start3A_193 : memref<512x512xf32, #tpu.memory_space<hbm>>) target(%arg29 : memref<64x512xf32, #tpu.memory_space<vmem>>) offsets(%dma_start3A_190 : memref<64xi32, #tpu.memory_space<vmem>>) semaphore(%arg33 : memref<!tpu.dma_semaphore, #tpu.memory_space<semaphore_mem>>)
        %dma_wait3A = arith.constant 320 : i32
        %dma_wait3A_194 = tpu.memref_slice %arg30[%dma_wait3A] : memref<512xi32, #tpu.memory_space<vmem>> -> memref<64xi32, #tpu.memory_space<vmem>>
        %dma_wait3A_195 = arith.constant 0 : i32
        %dma_wait3A_196 = arith.constant 0 : i32
        %dma_wait3A_197 = tpu.memref_slice %arg2[%dma_wait3A_195, %dma_wait3A_196] : memref<512x512xf32, #tpu.memory_space<hbm>> -> memref<512x512xf32, #tpu.memory_space<hbm>>
        tpu.wait_indirect_dma semaphore(%arg33 : memref<!tpu.dma_semaphore, #tpu.memory_space<semaphore_mem>>) src(%dma_wait3A_197 : memref<512x512xf32, #tpu.memory_space<hbm>>) dst(%arg29 : memref<64x512xf32, #tpu.memory_space<vmem>>)
      } else {
      }
      %scan3A_134 = arith.constant 0 : i32
      %scan3A_135 = arith.constant 0 : i32
      %scan3A_136 = arith.constant 64 : i32
      %scan3A_137 = arith.addi %scan3A_135, %scan3A_136 : i32
      %scan3A_138 = arith.constant 1 : i32
      %scan3A_139 = scf.for %scan3A_190 = %scan3A_135 to %scan3A_137 step %scan3A_138 iter_args(%scan3A_191 = %scan3A_134) -> (i32)  : i32 {
        %broadcast_in_dim3A_192 = vector.broadcast %scan3A_190 : i32 to vector<16xi32>
        %gather3A = tpu.vector_load_idx %arg29[%broadcast_in_dim3A_192, %get3A_25] : memref<64x512xf32, #tpu.memory_space<vmem>>[vector<16xi32>, vector<16xi32>], vector<16xf32>,
        %gather3A_193 = tpu.vector_load_idx %arg29[%broadcast_in_dim3A_192, %get3A_30] : memref<64x512xf32, #tpu.memory_space<vmem>>[vector<16xi32>, vector<16xi32>], vector<16xf32>,
        %add3A_194 = arith.constant 320 : i32
        %add3A_195 = arith.addi %add3A_194, %scan3A_190 : i32
        %swap3A_196 = arith.index_cast %add3A_195 : i32 to index
        %swap3A_197 = arith.constant 0 : index
        %swap3A_198 = tpu.vector_load %arg17[%swap3A_196, %swap3A_197] {strides = array<i32>} : memref<512x32xf32, #tpu.memory_space<vmem>>, vector<16xf32>,
        tpu.vector_store %arg17[%swap3A_196, %swap3A_197], %gather3A {strides = array<i32>} : memref<512x32xf32, #tpu.memory_space<vmem>>, vector<16xf32>,
        %swap3A_199 = arith.index_cast %add3A_195 : i32 to index
        %swap3A_200 = arith.constant 16 : index
        %swap3A_201 = tpu.vector_load %arg17[%swap3A_199, %swap3A_200] {strides = array<i32>} : memref<512x32xf32, #tpu.memory_space<vmem>>, vector<16xf32>,
        tpu.vector_store %arg17[%swap3A_199, %swap3A_200], %gather3A_193 {strides = array<i32>} : memref<512x32xf32, #tpu.memory_space<vmem>>, vector<16xf32>,
        %scan3A_202 = arith.constant 0 : i32
        scf.yield %scan3A_202 : i32
      }
      %scan3A_140 = arith.constant 64 : i32
      %convert_element_type3A_141 = arith.extui %gt3A : i1 to i32
      %cond3A_142 = arith.constant 0 : i32
      %cond3A_143 = arith.cmpi ne, %convert_element_type3A_141, %cond3A_142 : i32
      scf.if %cond3A_143 {
        %dma_start3A = arith.constant 384 : i32
        %dma_start3A_190 = tpu.memref_slice %arg30[%dma_start3A] : memref<512xi32, #tpu.memory_space<vmem>> -> memref<64xi32, #tpu.memory_space<vmem>>
        %dma_start3A_191 = arith.constant 0 : i32
        %dma_start3A_192 = arith.constant 0 : i32
        %dma_start3A_193 = tpu.memref_slice %arg3[%dma_start3A_191, %dma_start3A_192] : memref<512x512xf32, #tpu.memory_space<hbm>> -> memref<512x512xf32, #tpu.memory_space<hbm>>
        tpu.enqueue_indirect_dma source(%dma_start3A_193 : memref<512x512xf32, #tpu.memory_space<hbm>>) target(%arg29 : memref<64x512xf32, #tpu.memory_space<vmem>>) offsets(%dma_start3A_190 : memref<64xi32, #tpu.memory_space<vmem>>) semaphore(%arg33 : memref<!tpu.dma_semaphore, #tpu.memory_space<semaphore_mem>>)
        %dma_wait3A = arith.constant 384 : i32
        %dma_wait3A_194 = tpu.memref_slice %arg30[%dma_wait3A] : memref<512xi32, #tpu.memory_space<vmem>> -> memref<64xi32, #tpu.memory_space<vmem>>
        %dma_wait3A_195 = arith.constant 0 : i32
        %dma_wait3A_196 = arith.constant 0 : i32
        %dma_wait3A_197 = tpu.memref_slice %arg3[%dma_wait3A_195, %dma_wait3A_196] : memref<512x512xf32, #tpu.memory_space<hbm>> -> memref<512x512xf32, #tpu.memory_space<hbm>>
        tpu.wait_indirect_dma semaphore(%arg33 : memref<!tpu.dma_semaphore, #tpu.memory_space<semaphore_mem>>) src(%dma_wait3A_197 : memref<512x512xf32, #tpu.memory_space<hbm>>) dst(%arg29 : memref<64x512xf32, #tpu.memory_space<vmem>>)
      } else {
      }
      %not3A_144 = arith.constant true
      %not3A_145 = arith.xori %gt3A, %not3A_144 : i1
      %convert_element_type3A_146 = arith.extui %not3A_145 : i1 to i32
      %cond3A_147 = arith.constant 0 : i32
      %cond3A_148 = arith.cmpi ne, %convert_element_type3A_146, %cond3A_147 : i32
      scf.if %cond3A_148 {
        %dma_start3A = arith.constant 384 : i32
        %dma_start3A_190 = tpu.memref_slice %arg30[%dma_start3A] : memref<512xi32, #tpu.memory_space<vmem>> -> memref<64xi32, #tpu.memory_space<vmem>>
        %dma_start3A_191 = arith.constant 0 : i32
        %dma_start3A_192 = arith.constant 0 : i32
        %dma_start3A_193 = tpu.memref_slice %arg2[%dma_start3A_191, %dma_start3A_192] : memref<512x512xf32, #tpu.memory_space<hbm>> -> memref<512x512xf32, #tpu.memory_space<hbm>>
        tpu.enqueue_indirect_dma source(%dma_start3A_193 : memref<512x512xf32, #tpu.memory_space<hbm>>) target(%arg29 : memref<64x512xf32, #tpu.memory_space<vmem>>) offsets(%dma_start3A_190 : memref<64xi32, #tpu.memory_space<vmem>>) semaphore(%arg33 : memref<!tpu.dma_semaphore, #tpu.memory_space<semaphore_mem>>)
        %dma_wait3A = arith.constant 384 : i32
        %dma_wait3A_194 = tpu.memref_slice %arg30[%dma_wait3A] : memref<512xi32, #tpu.memory_space<vmem>> -> memref<64xi32, #tpu.memory_space<vmem>>
        %dma_wait3A_195 = arith.constant 0 : i32
        %dma_wait3A_196 = arith.constant 0 : i32
        %dma_wait3A_197 = tpu.memref_slice %arg2[%dma_wait3A_195, %dma_wait3A_196] : memref<512x512xf32, #tpu.memory_space<hbm>> -> memref<512x512xf32, #tpu.memory_space<hbm>>
        tpu.wait_indirect_dma semaphore(%arg33 : memref<!tpu.dma_semaphore, #tpu.memory_space<semaphore_mem>>) src(%dma_wait3A_197 : memref<512x512xf32, #tpu.memory_space<hbm>>) dst(%arg29 : memref<64x512xf32, #tpu.memory_space<vmem>>)
      } else {
      }
      %scan3A_149 = arith.constant 0 : i32
      %scan3A_150 = arith.constant 0 : i32
      %scan3A_151 = arith.constant 64 : i32
      %scan3A_152 = arith.addi %scan3A_150, %scan3A_151 : i32
      %scan3A_153 = arith.constant 1 : i32
      %scan3A_154 = scf.for %scan3A_190 = %scan3A_150 to %scan3A_152 step %scan3A_153 iter_args(%scan3A_191 = %scan3A_149) -> (i32)  : i32 {
        %broadcast_in_dim3A_192 = vector.broadcast %scan3A_190 : i32 to vector<16xi32>
        %gather3A = tpu.vector_load_idx %arg29[%broadcast_in_dim3A_192, %get3A_25] : memref<64x512xf32, #tpu.memory_space<vmem>>[vector<16xi32>, vector<16xi32>], vector<16xf32>,
        %gather3A_193 = tpu.vector_load_idx %arg29[%broadcast_in_dim3A_192, %get3A_30] : memref<64x512xf32, #tpu.memory_space<vmem>>[vector<16xi32>, vector<16xi32>], vector<16xf32>,
        %add3A_194 = arith.constant 384 : i32
        %add3A_195 = arith.addi %add3A_194, %scan3A_190 : i32
        %swap3A_196 = arith.index_cast %add3A_195 : i32 to index
        %swap3A_197 = arith.constant 0 : index
        %swap3A_198 = tpu.vector_load %arg17[%swap3A_196, %swap3A_197] {strides = array<i32>} : memref<512x32xf32, #tpu.memory_space<vmem>>, vector<16xf32>,
        tpu.vector_store %arg17[%swap3A_196, %swap3A_197], %gather3A {strides = array<i32>} : memref<512x32xf32, #tpu.memory_space<vmem>>, vector<16xf32>,
        %swap3A_199 = arith.index_cast %add3A_195 : i32 to index
        %swap3A_200 = arith.constant 16 : index
        %swap3A_201 = tpu.vector_load %arg17[%swap3A_199, %swap3A_200] {strides = array<i32>} : memref<512x32xf32, #tpu.memory_space<vmem>>, vector<16xf32>,
        tpu.vector_store %arg17[%swap3A_199, %swap3A_200], %gather3A_193 {strides = array<i32>} : memref<512x32xf32, #tpu.memory_space<vmem>>, vector<16xf32>,
        %scan3A_202 = arith.constant 0 : i32
        scf.yield %scan3A_202 : i32
      }
      %scan3A_155 = arith.constant 64 : i32
      %convert_element_type3A_156 = arith.extui %gt3A : i1 to i32
      %cond3A_157 = arith.constant 0 : i32
      %cond3A_158 = arith.cmpi ne, %convert_element_type3A_156, %cond3A_157 : i32
      scf.if %cond3A_158 {
        %dma_start3A = arith.constant 448 : i32
        %dma_start3A_190 = tpu.memref_slice %arg30[%dma_start3A] : memref<512xi32, #tpu.memory_space<vmem>> -> memref<64xi32, #tpu.memory_space<vmem>>
        %dma_start3A_191 = arith.constant 0 : i32
        %dma_start3A_192 = arith.constant 0 : i32
        %dma_start3A_193 = tpu.memref_slice %arg3[%dma_start3A_191, %dma_start3A_192] : memref<512x512xf32, #tpu.memory_space<hbm>> -> memref<512x512xf32, #tpu.memory_space<hbm>>
        tpu.enqueue_indirect_dma source(%dma_start3A_193 : memref<512x512xf32, #tpu.memory_space<hbm>>) target(%arg29 : memref<64x512xf32, #tpu.memory_space<vmem>>) offsets(%dma_start3A_190 : memref<64xi32, #tpu.memory_space<vmem>>) semaphore(%arg33 : memref<!tpu.dma_semaphore, #tpu.memory_space<semaphore_mem>>)
        %dma_wait3A = arith.constant 448 : i32
        %dma_wait3A_194 = tpu.memref_slice %arg30[%dma_wait3A] : memref<512xi32, #tpu.memory_space<vmem>> -> memref<64xi32, #tpu.memory_space<vmem>>
        %dma_wait3A_195 = arith.constant 0 : i32
        %dma_wait3A_196 = arith.constant 0 : i32
        %dma_wait3A_197 = tpu.memref_slice %arg3[%dma_wait3A_195, %dma_wait3A_196] : memref<512x512xf32, #tpu.memory_space<hbm>> -> memref<512x512xf32, #tpu.memory_space<hbm>>
        tpu.wait_indirect_dma semaphore(%arg33 : memref<!tpu.dma_semaphore, #tpu.memory_space<semaphore_mem>>) src(%dma_wait3A_197 : memref<512x512xf32, #tpu.memory_space<hbm>>) dst(%arg29 : memref<64x512xf32, #tpu.memory_space<vmem>>)
      } else {
      }
      %not3A_159 = arith.constant true
      %not3A_160 = arith.xori %gt3A, %not3A_159 : i1
      %convert_element_type3A_161 = arith.extui %not3A_160 : i1 to i32
      %cond3A_162 = arith.constant 0 : i32
      %cond3A_163 = arith.cmpi ne, %convert_element_type3A_161, %cond3A_162 : i32
      scf.if %cond3A_163 {
        %dma_start3A = arith.constant 448 : i32
        %dma_start3A_190 = tpu.memref_slice %arg30[%dma_start3A] : memref<512xi32, #tpu.memory_space<vmem>> -> memref<64xi32, #tpu.memory_space<vmem>>
        %dma_start3A_191 = arith.constant 0 : i32
        %dma_start3A_192 = arith.constant 0 : i32
        %dma_start3A_193 = tpu.memref_slice %arg2[%dma_start3A_191, %dma_start3A_192] : memref<512x512xf32, #tpu.memory_space<hbm>> -> memref<512x512xf32, #tpu.memory_space<hbm>>
        tpu.enqueue_indirect_dma source(%dma_start3A_193 : memref<512x512xf32, #tpu.memory_space<hbm>>) target(%arg29 : memref<64x512xf32, #tpu.memory_space<vmem>>) offsets(%dma_start3A_190 : memref<64xi32, #tpu.memory_space<vmem>>) semaphore(%arg33 : memref<!tpu.dma_semaphore, #tpu.memory_space<semaphore_mem>>)
        %dma_wait3A = arith.constant 448 : i32
        %dma_wait3A_194 = tpu.memref_slice %arg30[%dma_wait3A] : memref<512xi32, #tpu.memory_space<vmem>> -> memref<64xi32, #tpu.memory_space<vmem>>
        %dma_wait3A_195 = arith.constant 0 : i32
        %dma_wait3A_196 = arith.constant 0 : i32
        %dma_wait3A_197 = tpu.memref_slice %arg2[%dma_wait3A_195, %dma_wait3A_196] : memref<512x512xf32, #tpu.memory_space<hbm>> -> memref<512x512xf32, #tpu.memory_space<hbm>>
        tpu.wait_indirect_dma semaphore(%arg33 : memref<!tpu.dma_semaphore, #tpu.memory_space<semaphore_mem>>) src(%dma_wait3A_197 : memref<512x512xf32, #tpu.memory_space<hbm>>) dst(%arg29 : memref<64x512xf32, #tpu.memory_space<vmem>>)
      } else {
      }
      %scan3A_164 = arith.constant 0 : i32
      %scan3A_165 = arith.constant 0 : i32
      %scan3A_166 = arith.constant 64 : i32
      %scan3A_167 = arith.addi %scan3A_165, %scan3A_166 : i32
      %scan3A_168 = arith.constant 1 : i32
      %scan3A_169 = scf.for %scan3A_190 = %scan3A_165 to %scan3A_167 step %scan3A_168 iter_args(%scan3A_191 = %scan3A_164) -> (i32)  : i32 {
        %broadcast_in_dim3A_192 = vector.broadcast %scan3A_190 : i32 to vector<16xi32>
        %gather3A = tpu.vector_load_idx %arg29[%broadcast_in_dim3A_192, %get3A_25] : memref<64x512xf32, #tpu.memory_space<vmem>>[vector<16xi32>, vector<16xi32>], vector<16xf32>,
        %gather3A_193 = tpu.vector_load_idx %arg29[%broadcast_in_dim3A_192, %get3A_30] : memref<64x512xf32, #tpu.memory_space<vmem>>[vector<16xi32>, vector<16xi32>], vector<16xf32>,
        %add3A_194 = arith.constant 448 : i32
        %add3A_195 = arith.addi %add3A_194, %scan3A_190 : i32
        %swap3A_196 = arith.index_cast %add3A_195 : i32 to index
        %swap3A_197 = arith.constant 0 : index
        %swap3A_198 = tpu.vector_load %arg17[%swap3A_196, %swap3A_197] {strides = array<i32>} : memref<512x32xf32, #tpu.memory_space<vmem>>, vector<16xf32>,
        tpu.vector_store %arg17[%swap3A_196, %swap3A_197], %gather3A {strides = array<i32>} : memref<512x32xf32, #tpu.memory_space<vmem>>, vector<16xf32>,
        %swap3A_199 = arith.index_cast %add3A_195 : i32 to index
        %swap3A_200 = arith.constant 16 : index
        %swap3A_201 = tpu.vector_load %arg17[%swap3A_199, %swap3A_200] {strides = array<i32>} : memref<512x32xf32, #tpu.memory_space<vmem>>, vector<16xf32>,
        tpu.vector_store %arg17[%swap3A_199, %swap3A_200], %gather3A_193 {strides = array<i32>} : memref<512x32xf32, #tpu.memory_space<vmem>>, vector<16xf32>,
        %scan3A_202 = arith.constant 0 : i32
        scf.yield %scan3A_202 : i32
      }
      %scan3A_170 = arith.constant 64 : i32
      %mul3A_171 = arith.constant 32 : i32
      %mul3A_172 = arith.muli %arg1, %mul3A_171 : i32
      %add3A_173 = vector.broadcast %mul3A_172 : i32 to vector<16xi32>
      %add3A_174 = arith.addi %iota3A, %add3A_173 : vector<16xi32>
      %add3A_175 = arith.constant 16 : i32
      %add3A_176 = vector.broadcast %add3A_175 : i32 to vector<16xi32>
      %add3A_177 = arith.addi %add3A_174, %add3A_176 : vector<16xi32>
      %scan3A_178 = arith.constant 0 : i32
      %scan3A_179 = arith.constant 1 : i32
      %scan3A_180 = arith.constant 512 : i32
      %scan3A_181 = arith.addi %scan3A_179, %scan3A_180 : i32
      %scan3A_182 = arith.constant 1 : i32
      %scan3A_183 = scf.for %scan3A_190 = %scan3A_179 to %scan3A_181 step %scan3A_182 iter_args(%scan3A_191 = %scan3A_178) -> (i32)  : i32 {
        %le3A = arith.cmpi sle, %scan3A_190, %select_n3A : i32
        %convert_element_type3A_192 = arith.extui %le3A : i1 to i32
        %cond3A_193 = arith.constant 0 : i32
        %cond3A_194 = arith.cmpi ne, %convert_element_type3A_192, %cond3A_193 : i32
        %cond3A_195 = scf.if %cond3A_194 -> (i32) {
          %broadcast_in_dim3A_196 = arith.constant 9.99999984E+17 : f32
          %broadcast_in_dim3A_197 = vector.broadcast %broadcast_in_dim3A_196 : f32 to vector<16xf32>
          %swap3A_198 = arith.constant 0 : index
          %swap3A_199 = tpu.vector_load %arg22[%swap3A_198] {strides = array<i32>} : memref<32xf32, #tpu.memory_space<vmem>>, vector<16xf32>,
          tpu.vector_store %arg22[%swap3A_198], %broadcast_in_dim3A_197 {strides = array<i32>} : memref<32xf32, #tpu.memory_space<vmem>>, vector<16xf32>,
          %broadcast_in_dim3A_200 = arith.constant 9.99999984E+17 : f32
          %broadcast_in_dim3A_201 = vector.broadcast %broadcast_in_dim3A_200 : f32 to vector<16xf32>
          %swap3A_202 = arith.constant 16 : index
          %swap3A_203 = tpu.vector_load %arg22[%swap3A_202] {strides = array<i32>} : memref<32xf32, #tpu.memory_space<vmem>>, vector<16xf32>,
          tpu.vector_store %arg22[%swap3A_202], %broadcast_in_dim3A_201 {strides = array<i32>} : memref<32xf32, #tpu.memory_space<vmem>>, vector<16xf32>,
          %lt3A = vector.broadcast %select_n3A_16 : i32 to vector<16xi32>
          %lt3A_204 = arith.cmpi slt, %add3A_174, %lt3A : vector<16xi32>
          %jit3A = arith.constant 9.99999984E+17 : f32
          %jit3A_205 = arith.constant 0.000000e+00 : f32
          %broadcast_in_dim3A_206 = vector.broadcast %jit3A : f32 to vector<16xf32>
          %broadcast_in_dim3A_207 = vector.broadcast %jit3A_205 : f32 to vector<16xf32>
          %select_n3A_208 = arith.select %lt3A_204, %broadcast_in_dim3A_206, %broadcast_in_dim3A_207 : vector<16xi1>, vector<16xf32>
          %swap3A_209 = arith.constant 0 : index
          %swap3A_210 = tpu.vector_load %arg14[%swap3A_209] {strides = array<i32>} : memref<32xf32, #tpu.memory_space<vmem>>, vector<16xf32>,
          tpu.vector_store %arg14[%swap3A_209], %select_n3A_208 {strides = array<i32>} : memref<32xf32, #tpu.memory_space<vmem>>, vector<16xf32>,
          %lt3A_211 = vector.broadcast %select_n3A_16 : i32 to vector<16xi32>
          %lt3A_212 = arith.cmpi slt, %add3A_177, %lt3A_211 : vector<16xi32>
          %jit3A_213 = arith.constant 9.99999984E+17 : f32
          %jit3A_214 = arith.constant 0.000000e+00 : f32
          %broadcast_in_dim3A_215 = vector.broadcast %jit3A_213 : f32 to vector<16xf32>
          %broadcast_in_dim3A_216 = vector.broadcast %jit3A_214 : f32 to vector<16xf32>
          %select_n3A_217 = arith.select %lt3A_212, %broadcast_in_dim3A_215, %broadcast_in_dim3A_216 : vector<16xi1>, vector<16xf32>
          %swap3A_218 = arith.constant 16 : index
          %swap3A_219 = tpu.vector_load %arg14[%swap3A_218] {strides = array<i32>} : memref<32xf32, #tpu.memory_space<vmem>>, vector<16xf32>,
          tpu.vector_store %arg14[%swap3A_218], %select_n3A_217 {strides = array<i32>} : memref<32xf32, #tpu.memory_space<vmem>>, vector<16xf32>,
          %while3A = arith.constant 0 : i32
          %while3A_220 = arith.constant 0.000000e+00 : f32
          %while3A_221 = arith.constant 0.000000e+00 : f32
          %while3A_222 = arith.constant false
          %while3A_223 = arith.constant 0 : i32
          %while3A_224:6 = scf.while (%while3A_301 = %while3A, %while3A_302 = %while3A_220, %while3A_303 = %while3A_221, %while3A_304 = %scan3A_191, %while3A_305 = %while3A_222, %while3A_306 = %while3A_223) : (i32, f32, f32, i32, i1, i32) -> (i32, f32, f32, i32, i1, i32) {
            %not3A_307 = arith.constant true
            %not3A_308 = arith.xori %while3A_305, %not3A_307 : i1
            %lt3A_309 = arith.constant 1048576 : i32
            %lt3A_310 = arith.cmpi slt, %while3A_306, %lt3A_309 : i32
            %and3A_311 = arith.andi %not3A_308, %lt3A_310 : i1
            scf.condition(%and3A_311) %while3A_301, %while3A_302, %while3A_303, %while3A_304, %while3A_305, %while3A_306 : i32, f32, f32, i32, i1, i32
          } do {
          ^bb0(%while3A_301: i32, %while3A_302: f32, %while3A_303: f32, %while3A_304: i32, %while3A_305: i1, %while3A_306: i32):
            %sub3A_307 = arith.constant 1 : i32
            %sub3A_308 = arith.subi %while3A_301, %sub3A_307 : i32
            %jit3A_309 = arith.constant 32 : i32
            %div3A = arith.divsi %sub3A_308, %jit3A_309 : i32
            %sign3A = arith.constant 0 : i32
            %sign3A_310 = arith.cmpi sgt, %sub3A_308, %sign3A : i32
            %sign3A_311 = arith.extui %sign3A_310 : i1 to i32
            %sign3A_312 = arith.constant 0 : i32
            %sign3A_313 = arith.cmpi slt, %sub3A_308, %sign3A_312 : i32
            %sign3A_314 = arith.extui %sign3A_313 : i1 to i32
            %sign3A_315 = arith.subi %sign3A_311, %sign3A_314 : i32
            %sign3A_316 = arith.constant 0 : i32
            %sign3A_317 = arith.cmpi sgt, %jit3A_309, %sign3A_316 : i32
            %sign3A_318 = arith.extui %sign3A_317 : i1 to i32
            %sign3A_319 = arith.constant 0 : i32
            %sign3A_320 = arith.cmpi slt, %jit3A_309, %sign3A_319 : i32
            %sign3A_321 = arith.extui %sign3A_320 : i1 to i32
            %sign3A_322 = arith.subi %sign3A_318, %sign3A_321 : i32
            %ne3A = arith.cmpi ne, %sign3A_315, %sign3A_322 : i32
            %rem3A = arith.remsi %sub3A_308, %jit3A_309 : i32
            %ne3A_323 = arith.constant 0 : i32
            %ne3A_324 = arith.cmpi ne, %rem3A, %ne3A_323 : i32
            %and3A_325 = arith.andi %ne3A, %ne3A_324 : i1
            %sub3A_326 = arith.constant 1 : i32
            %sub3A_327 = arith.subi %div3A, %sub3A_326 : i32
            %select_n3A_328 = arith.select %and3A_325, %sub3A_327, %div3A : i32
            %gt3A_329 = arith.constant 0 : i32
            %gt3A_330 = arith.cmpi sgt, %while3A_301, %gt3A_329 : i32
            %eq3A_331 = arith.cmpi eq, %select_n3A_328, %arg1 : i32
            %and3A_332 = arith.andi %gt3A_330, %eq3A_331 : i1
            %convert_element_type3A_333 = arith.extui %and3A_332 : i1 to i32
            %cond3A_334 = arith.constant 0 : i32
            %cond3A_335 = arith.cmpi ne, %convert_element_type3A_333, %cond3A_334 : i32
            scf.if %cond3A_335 {
              %sub3A_481 = arith.constant 1 : i32
              %sub3A_482 = arith.subi %while3A_301, %sub3A_481 : i32
              %jit3A_483 = arith.constant 32 : i32
              %eq3A_484 = arith.constant 0 : i32
              %eq3A_485 = arith.cmpi eq, %jit3A_483, %eq3A_484 : i32
              %jit3A_486 = arith.constant 1 : i32
              %select_n3A_487 = arith.select %eq3A_485, %jit3A_486, %jit3A_483 : i32
              %rem3A_488 = arith.remsi %sub3A_482, %select_n3A_487 : i32
              %ne3A_489 = arith.constant 0 : i32
              %ne3A_490 = arith.cmpi ne, %rem3A_488, %ne3A_489 : i32
              %lt3A_491 = arith.constant 0 : i32
              %lt3A_492 = arith.cmpi slt, %rem3A_488, %lt3A_491 : i32
              %lt3A_493 = arith.constant 0 : i32
              %lt3A_494 = arith.cmpi slt, %select_n3A_487, %lt3A_493 : i32
              %ne3A_495 = arith.xori %lt3A_492, %lt3A_494 : i1
              %and3A_496 = arith.andi %ne3A_495, %ne3A_490 : i1
              %add3A_497 = arith.addi %rem3A_488, %select_n3A_487 : i32
              %select_n3A_498 = arith.select %and3A_496, %add3A_497, %rem3A_488 : i32
              %broadcast_in_dim3A_499 = vector.broadcast %select_n3A_498 : i32 to vector<16xi32>
              %broadcast_in_dim3A_500 = vector.broadcast %while3A_303 : f32 to vector<16xf32>
              %lt3A_501 = arith.constant 1 : i32
              %lt3A_502 = vector.broadcast %lt3A_501 : i32 to vector<16xi32>
              %lt3A_503 = arith.cmpi slt, %iota3A, %lt3A_502 : vector<16xi32>
              tpu.vector_store_idx %arg14[%broadcast_in_dim3A_499], %broadcast_in_dim3A_500 masked %lt3A_503 : memref<32xf32, #tpu.memory_space<vmem>>[vector<16xi32>], vector<16xf32>, vector<16xi1>
            } else {
            }
            %gt3A_336 = arith.constant 0 : i32
            %gt3A_337 = arith.cmpi sgt, %while3A_301, %gt3A_336 : i32
            %sub3A_338 = arith.constant 1 : i32
            %sub3A_339 = arith.subi %while3A_301, %sub3A_338 : i32
            %max3A = arith.constant 0 : i32
            %max3A_340 = arith.maxsi %sub3A_339, %max3A : i32
            %broadcast_in_dim3A_341 = vector.broadcast %max3A_340 : i32 to vector<16xi32>
            %gather3A = tpu.vector_load_idx %arg28[%broadcast_in_dim3A_341] : memref<512xi32, #tpu.memory_space<vmem>>[vector<16xi32>], vector<16xi32>,
            %slice3A = vector.extract_strided_slice %gather3A {offsets = [0], sizes = [1], strides = [1]} : vector<16xi32> to vector<1xi32>
            %squeeze3A = vector.extract %slice3A[0] : i32 from vector<1xi32>
            %select_n3A_342 = arith.select %gt3A_337, %squeeze3A, %scan3A_190 : i32
            %sub3A_343 = arith.constant 1 : i32
            %sub3A_344 = arith.subi %select_n3A_342, %sub3A_343 : i32
            %broadcast_in_dim3A_345 = vector.broadcast %sub3A_344 : i32 to vector<16xi32>
            %gather3A_346 = tpu.vector_load_idx %arg34[%broadcast_in_dim3A_345] : memref<512xf32, #tpu.memory_space<vmem>>[vector<16xi32>], vector<16xf32>,
            %slice3A_347 = vector.extract_strided_slice %gather3A_346 {offsets = [0], sizes = [1], strides = [1]} : vector<16xf32> to vector<1xf32>
            %squeeze3A_348 = vector.extract %slice3A_347[0] : f32 from vector<1xf32>
            %sub3A_349 = arith.constant 1 : i32
            %sub3A_350 = arith.subi %select_n3A_342, %sub3A_349 : i32
            %get3A_351 = arith.constant 0 : index
            %get3A_352 = tpu.vector_load %arg14[%get3A_351] {strides = array<i32>} : memref<32xf32, #tpu.memory_space<vmem>>, vector<16xf32>,
            %ge3A = arith.constant 9.99999984E+17 : f32
            %ge3A_353 = vector.broadcast %ge3A : f32 to vector<16xf32>
            %ge3A_354 = arith.cmpf oge, %get3A_352, %ge3A_353 : vector<16xf32>
            %get3A_355 = arith.index_cast %sub3A_350 : i32 to index
            %get3A_356 = arith.constant 0 : index
            %get3A_357 = tpu.vector_load %arg17[%get3A_355, %get3A_356] {strides = array<i32>} : memref<512x32xf32, #tpu.memory_space<vmem>>, vector<16xf32>,
            %sub3A_358 = vector.broadcast %squeeze3A_348 : f32 to vector<16xf32>
            %sub3A_359 = arith.subf %get3A_357, %sub3A_358 : vector<16xf32>
            %get3A_360 = arith.constant 0 : index
            %get3A_361 = tpu.vector_load %arg35[%get3A_360] {strides = array<i32>} : memref<32xf32, #tpu.memory_space<vmem>>, vector<16xf32>,
            %sub3A_362 = arith.subf %sub3A_359, %get3A_361 : vector<16xf32>
            %get3A_363 = arith.constant 0 : index
            %get3A_364 = tpu.vector_load %arg22[%get3A_363] {strides = array<i32>} : memref<32xf32, #tpu.memory_space<vmem>>, vector<16xf32>,
            %sub3A_365 = vector.broadcast %while3A_302 : f32 to vector<16xf32>
            %sub3A_366 = arith.subf %get3A_364, %sub3A_365 : vector<16xf32>
            %select_n3A_367 = arith.select %ge3A_354, %sub3A_366, %get3A_364 : vector<16xi1>, vector<16xf32>
            %lt3A_368 = arith.cmpf olt, %sub3A_362, %select_n3A_367 : vector<16xf32>
            %and3A_369 = arith.andi %ge3A_354, %lt3A_368 : vector<16xi1>
            %select_n3A_370 = arith.select %and3A_369, %sub3A_362, %select_n3A_367 : vector<16xi1>, vector<16xf32>
            %swap3A_371 = arith.constant 0 : index
            %swap3A_372 = tpu.vector_load %arg22[%swap3A_371] {strides = array<i32>} : memref<32xf32, #tpu.memory_space<vmem>>, vector<16xf32>,
            tpu.vector_store %arg22[%swap3A_371], %select_n3A_370 {strides = array<i32>} : memref<32xf32, #tpu.memory_space<vmem>>, vector<16xf32>,
            %get3A_373 = arith.constant 0 : index
            %get3A_374 = tpu.vector_load %arg39[%get3A_373] {strides = array<i32>} : memref<32xi32, #tpu.memory_space<vmem>>, vector<16xi32>,
            %broadcast_in_dim3A_375 = vector.broadcast %while3A_301 : i32 to vector<16xi32>
            %select_n3A_376 = arith.select %and3A_369, %broadcast_in_dim3A_375, %get3A_374 : vector<16xi1>, vector<16xi32>
            %swap3A_377 = arith.constant 0 : index
            %swap3A_378 = tpu.vector_load %arg39[%swap3A_377] {strides = array<i32>} : memref<32xi32, #tpu.memory_space<vmem>>, vector<16xi32>,
            tpu.vector_store %arg39[%swap3A_377], %select_n3A_376 {strides = array<i32>} : memref<32xi32, #tpu.memory_space<vmem>>, vector<16xi32>,
            %jit3A_379 = arith.constant 9.99999984E+17 : f32
            %broadcast_in_dim3A_380 = vector.broadcast %jit3A_379 : f32 to vector<16xf32>
            %select_n3A_381 = arith.select %ge3A_354, %select_n3A_370, %broadcast_in_dim3A_380 : vector<16xi1>, vector<16xf32>
            %get3A_382 = arith.constant 16 : index
            %get3A_383 = tpu.vector_load %arg14[%get3A_382] {strides = array<i32>} : memref<32xf32, #tpu.memory_space<vmem>>, vector<16xf32>,
            %ge3A_384 = arith.constant 9.99999984E+17 : f32
            %ge3A_385 = vector.broadcast %ge3A_384 : f32 to vector<16xf32>
            %ge3A_386 = arith.cmpf oge, %get3A_383, %ge3A_385 : vector<16xf32>
            %get3A_387 = arith.index_cast %sub3A_350 : i32 to index
            %get3A_388 = arith.constant 16 : index
            %get3A_389 = tpu.vector_load %arg17[%get3A_387, %get3A_388] {strides = array<i32>} : memref<512x32xf32, #tpu.memory_space<vmem>>, vector<16xf32>,
            %sub3A_390 = vector.broadcast %squeeze3A_348 : f32 to vector<16xf32>
            %sub3A_391 = arith.subf %get3A_389, %sub3A_390 : vector<16xf32>
            %get3A_392 = arith.constant 16 : index
            %get3A_393 = tpu.vector_load %arg35[%get3A_392] {strides = array<i32>} : memref<32xf32, #tpu.memory_space<vmem>>, vector<16xf32>,
            %sub3A_394 = arith.subf %sub3A_391, %get3A_393 : vector<16xf32>
            %get3A_395 = arith.constant 16 : index
            %get3A_396 = tpu.vector_load %arg22[%get3A_395] {strides = array<i32>} : memref<32xf32, #tpu.memory_space<vmem>>, vector<16xf32>,
            %sub3A_397 = vector.broadcast %while3A_302 : f32 to vector<16xf32>
            %sub3A_398 = arith.subf %get3A_396, %sub3A_397 : vector<16xf32>
            %select_n3A_399 = arith.select %ge3A_386, %sub3A_398, %get3A_396 : vector<16xi1>, vector<16xf32>
            %lt3A_400 = arith.cmpf olt, %sub3A_394, %select_n3A_399 : vector<16xf32>
            %and3A_401 = arith.andi %ge3A_386, %lt3A_400 : vector<16xi1>
            %select_n3A_402 = arith.select %and3A_401, %sub3A_394, %select_n3A_399 : vector<16xi1>, vector<16xf32>
            %swap3A_403 = arith.constant 16 : index
            %swap3A_404 = tpu.vector_load %arg22[%swap3A_403] {strides = array<i32>} : memref<32xf32, #tpu.memory_space<vmem>>, vector<16xf32>,
            tpu.vector_store %arg22[%swap3A_403], %select_n3A_402 {strides = array<i32>} : memref<32xf32, #tpu.memory_space<vmem>>, vector<16xf32>,
            %get3A_405 = arith.constant 16 : index
            %get3A_406 = tpu.vector_load %arg39[%get3A_405] {strides = array<i32>} : memref<32xi32, #tpu.memory_space<vmem>>, vector<16xi32>,
            %broadcast_in_dim3A_407 = vector.broadcast %while3A_301 : i32 to vector<16xi32>
            %select_n3A_408 = arith.select %and3A_401, %broadcast_in_dim3A_407, %get3A_406 : vector<16xi1>, vector<16xi32>
            %swap3A_409 = arith.constant 16 : index
            %swap3A_410 = tpu.vector_load %arg39[%swap3A_409] {strides = array<i32>} : memref<32xi32, #tpu.memory_space<vmem>>, vector<16xi32>,
            tpu.vector_store %arg39[%swap3A_409], %select_n3A_408 {strides = array<i32>} : memref<32xi32, #tpu.memory_space<vmem>>, vector<16xi32>,
            %jit3A_411 = arith.constant 9.99999984E+17 : f32
            %broadcast_in_dim3A_412 = vector.broadcast %jit3A_411 : f32 to vector<16xf32>
            %select_n3A_413 = arith.select %ge3A_386, %select_n3A_402, %broadcast_in_dim3A_412 : vector<16xi1>, vector<16xf32>
            %lt3A_414 = arith.cmpf olt, %select_n3A_413, %select_n3A_381 : vector<16xf32>
            %select_n3A_415 = arith.select %lt3A_414, %select_n3A_413, %select_n3A_381 : vector<16xi1>, vector<16xf32>
            %select_n3A_416 = arith.select %lt3A_414, %add3A_177, %add3A_174 : vector<16xi1>, vector<16xi32>
            %reduce_min3A = arith.constant true
            %reduce_min3A_417 = vector.broadcast %reduce_min3A : i1 to vector<16xi1>
            %reduce_min3A_418 = tpu.scan <min>, %select_n3A_415 masked %reduce_min3A_417 : vector<16xf32>, vector<16xi1> -> vector<16xf32>
            %reduce_min3A_419 = vector.extract %reduce_min3A_418[15] : f32 from vector<16xf32>
            %eq3A_420 = vector.broadcast %reduce_min3A_419 : f32 to vector<16xf32>
            %eq3A_421 = arith.cmpf oeq, %select_n3A_415, %eq3A_420 : vector<16xf32>
            %jit3A_422 = arith.constant 1073741824 : i32
            %broadcast_in_dim3A_423 = vector.broadcast %jit3A_422 : i32 to vector<16xi32>
            %select_n3A_424 = arith.select %eq3A_421, %select_n3A_416, %broadcast_in_dim3A_423 : vector<16xi1>, vector<16xi32>
            %reduce_min3A_425 = arith.constant true
            %reduce_min3A_426 = vector.broadcast %reduce_min3A_425 : i1 to vector<16xi1>
            %reduce_min3A_427 = arith.constant -2147483648 : i32
            %reduce_min3A_428 = vector.broadcast %reduce_min3A_427 : i32 to vector<16xi32>
            %reduce_min3A_429 = arith.xori %select_n3A_424, %reduce_min3A_428 : vector<16xi32>
            %reduce_min3A_430 = tpu.scan <min>, %reduce_min3A_429 masked %reduce_min3A_426 : vector<16xi32>, vector<16xi1> -> vector<16xi32>
            %reduce_min3A_431 = arith.xori %reduce_min3A_430, %reduce_min3A_428 : vector<16xi32>
            %reduce_min3A_432 = vector.extract %reduce_min3A_431[15] : i32 from vector<16xi32>
            %lt3A_433 = arith.constant 1 : i32
            %lt3A_434 = vector.broadcast %lt3A_433 : i32 to vector<16xi32>
            %lt3A_435 = arith.cmpi slt, %iota3A, %lt3A_434 : vector<16xi32>
            %broadcast_in_dim3A_436 = vector.broadcast %reduce_min3A_419 : f32 to vector<16xf32>
            %broadcast_in_dim3A_437 = vector.broadcast %reduce_min3A_432 : i32 to vector<16xi32>
            %bitcast3A_438 = vector.bitcast %broadcast_in_dim3A_437 : vector<16xi32> to vector<16xf32>
            %select_n3A_439 = arith.select %lt3A_435, %broadcast_in_dim3A_436, %bitcast3A_438 : vector<16xi1>, vector<16xf32>
            %swap3A_440 = arith.constant 0 : index
            %swap3A_441 = tpu.vector_load %arg27[%swap3A_440] {strides = array<i32>} : memref<128xf32, #tpu.memory_space<vmem>>, vector<16xf32>,
            tpu.vector_store %arg27[%swap3A_440], %select_n3A_439 {strides = array<i32>} : memref<128xf32, #tpu.memory_space<vmem>>, vector<16xf32>,
            "tpu.region"() ({
              %run_scoped3A = tpu.sem_alloc : memref<!tpu.dma_semaphore, #tpu.memory_space<semaphore_mem>>
              %dma_start3A = arith.constant 0 : i32
              %dma_start3A_481 = tpu.memref_slice %arg26[%while3A_304, %arg1, %dma_start3A] : memref<2x16x128xf32, #tpu.memory_space<vmem_shared>> -> memref<1x1x128xf32, #tpu.memory_space<vmem_shared>>
              %dma_start3A_482 = tpu.memref_squeeze %dma_start3A_481 : memref<1x1x128xf32, #tpu.memory_space<vmem_shared>> -> memref<128xf32, #tpu.memory_space<vmem_shared>>
              %dma_start3A_483 = arith.constant 0 : i32
              %dma_start3A_484 = tpu.memref_slice %arg26[%while3A_304, %arg1, %dma_start3A_483] : memref<2x16x128xf32, #tpu.memory_space<vmem_shared>> -> memref<1x1x128xf32, #tpu.memory_space<vmem_shared>>
              %dma_start3A_485 = tpu.memref_squeeze %dma_start3A_484 : memref<1x1x128xf32, #tpu.memory_space<vmem_shared>> -> memref<128xf32, #tpu.memory_space<vmem_shared>>
              tpu.enqueue_dma source(%arg27 : memref<128xf32, #tpu.memory_space<vmem>>) target(%dma_start3A_485 : memref<128xf32, #tpu.memory_space<vmem_shared>>) target_semaphore(%run_scoped3A : memref<!tpu.dma_semaphore, #tpu.memory_space<semaphore_mem>>)
              %dma_wait3A = arith.constant 0 : i32
              %dma_wait3A_486 = tpu.memref_slice %arg26[%while3A_304, %arg1, %dma_wait3A] : memref<2x16x128xf32, #tpu.memory_space<vmem_shared>> -> memref<1x1x128xf32, #tpu.memory_space<vmem_shared>>
              %dma_wait3A_487 = tpu.memref_squeeze %dma_wait3A_486 : memref<1x1x128xf32, #tpu.memory_space<vmem_shared>> -> memref<128xf32, #tpu.memory_space<vmem_shared>>
              %dma_wait3A_488 = arith.constant 0 : i32
              %dma_wait3A_489 = tpu.memref_slice %arg26[%while3A_304, %arg1, %dma_wait3A_488] : memref<2x16x128xf32, #tpu.memory_space<vmem_shared>> -> memref<1x1x128xf32, #tpu.memory_space<vmem_shared>>
              %dma_wait3A_490 = tpu.memref_squeeze %dma_wait3A_489 : memref<1x1x128xf32, #tpu.memory_space<vmem_shared>> -> memref<128xf32, #tpu.memory_space<vmem_shared>>
              tpu.wait_dma2 semaphore(%run_scoped3A : memref<!tpu.dma_semaphore, #tpu.memory_space<semaphore_mem>>) src(%arg27 : memref<128xf32, #tpu.memory_space<vmem>>) dst(%dma_wait3A_490 : memref<128xf32, #tpu.memory_space<vmem_shared>>)
              tpu.yield
            }) : () -> ()
            %barrier3A_442 = arith.constant 0 : index
            tpu.barrier barrier_id(%barrier3A_442)
            "tpu.region"() ({
              %run_scoped3A = tpu.sem_alloc : memref<!tpu.dma_semaphore, #tpu.memory_space<semaphore_mem>>
              %dma_start3A = arith.constant 0 : i32
              %dma_start3A_481 = arith.constant 0 : i32
              %dma_start3A_482 = tpu.memref_slice %arg26[%while3A_304, %dma_start3A, %dma_start3A_481] : memref<2x16x128xf32, #tpu.memory_space<vmem_shared>> -> memref<1x16x128xf32, #tpu.memory_space<vmem_shared>>
              %dma_start3A_483 = tpu.memref_squeeze %dma_start3A_482 : memref<1x16x128xf32, #tpu.memory_space<vmem_shared>> -> memref<16x128xf32, #tpu.memory_space<vmem_shared>>
              %dma_start3A_484 = arith.constant 0 : i32
              %dma_start3A_485 = arith.constant 0 : i32
              %dma_start3A_486 = tpu.memref_slice %arg26[%while3A_304, %dma_start3A_484, %dma_start3A_485] : memref<2x16x128xf32, #tpu.memory_space<vmem_shared>> -> memref<1x16x128xf32, #tpu.memory_space<vmem_shared>>
              %dma_start3A_487 = tpu.memref_squeeze %dma_start3A_486 : memref<1x16x128xf32, #tpu.memory_space<vmem_shared>> -> memref<16x128xf32, #tpu.memory_space<vmem_shared>>
              tpu.enqueue_dma source(%dma_start3A_487 : memref<16x128xf32, #tpu.memory_space<vmem_shared>>) target(%arg42 : memref<16x128xf32, #tpu.memory_space<vmem>>) target_semaphore(%run_scoped3A : memref<!tpu.dma_semaphore, #tpu.memory_space<semaphore_mem>>)
              %dma_wait3A = arith.constant 0 : i32
              %dma_wait3A_488 = arith.constant 0 : i32
              %dma_wait3A_489 = tpu.memref_slice %arg26[%while3A_304, %dma_wait3A, %dma_wait3A_488] : memref<2x16x128xf32, #tpu.memory_space<vmem_shared>> -> memref<1x16x128xf32, #tpu.memory_space<vmem_shared>>
              %dma_wait3A_490 = tpu.memref_squeeze %dma_wait3A_489 : memref<1x16x128xf32, #tpu.memory_space<vmem_shared>> -> memref<16x128xf32, #tpu.memory_space<vmem_shared>>
              %dma_wait3A_491 = arith.constant 0 : i32
              %dma_wait3A_492 = arith.constant 0 : i32
              %dma_wait3A_493 = tpu.memref_slice %arg26[%while3A_304, %dma_wait3A_491, %dma_wait3A_492] : memref<2x16x128xf32, #tpu.memory_space<vmem_shared>> -> memref<1x16x128xf32, #tpu.memory_space<vmem_shared>>
              %dma_wait3A_494 = tpu.memref_squeeze %dma_wait3A_493 : memref<1x16x128xf32, #tpu.memory_space<vmem_shared>> -> memref<16x128xf32, #tpu.memory_space<vmem_shared>>
              tpu.wait_dma2 semaphore(%run_scoped3A : memref<!tpu.dma_semaphore, #tpu.memory_space<semaphore_mem>>) src(%dma_wait3A_494 : memref<16x128xf32, #tpu.memory_space<vmem_shared>>) dst(%arg42 : memref<16x128xf32, #tpu.memory_space<vmem>>)
              tpu.yield
            }) : () -> ()
            %broadcast_in_dim3A_443 = arith.constant 0 : i32
            %broadcast_in_dim3A_444 = vector.broadcast %broadcast_in_dim3A_443 : i32 to vector<16xi32>
            %gather3A_445 = tpu.vector_load_idx %arg42[%iota3A, %broadcast_in_dim3A_444] : memref<16x128xf32, #tpu.memory_space<vmem>>[vector<16xi32>, vector<16xi32>], vector<16xf32>,
            %broadcast_in_dim3A_446 = arith.constant 1 : i32
            %broadcast_in_dim3A_447 = vector.broadcast %broadcast_in_dim3A_446 : i32 to vector<16xi32>
            %gather3A_448 = tpu.vector_load_idx %arg42[%iota3A, %broadcast_in_dim3A_447] : memref<16x128xf32, #tpu.memory_space<vmem>>[vector<16xi32>, vector<16xi32>], vector<16xf32>,
            %bitcast3A_449 = vector.bitcast %gather3A_448 : vector<16xf32> to vector<16xi32>
            %reduce_min3A_450 = arith.constant true
            %reduce_min3A_451 = vector.broadcast %reduce_min3A_450 : i1 to vector<16xi1>
            %reduce_min3A_452 = tpu.scan <min>, %gather3A_445 masked %reduce_min3A_451 : vector<16xf32>, vector<16xi1> -> vector<16xf32>
            %reduce_min3A_453 = vector.extract %reduce_min3A_452[15] : f32 from vector<16xf32>
            %eq3A_454 = vector.broadcast %reduce_min3A_453 : f32 to vector<16xf32>
            %eq3A_455 = arith.cmpf oeq, %gather3A_445, %eq3A_454 : vector<16xf32>
            %jit3A_456 = arith.constant 1073741824 : i32
            %broadcast_in_dim3A_457 = vector.broadcast %jit3A_456 : i32 to vector<16xi32>
            %select_n3A_458 = arith.select %eq3A_455, %bitcast3A_449, %broadcast_in_dim3A_457 : vector<16xi1>, vector<16xi32>
            %reduce_min3A_459 = arith.constant true
            %reduce_min3A_460 = vector.broadcast %reduce_min3A_459 : i1 to vector<16xi1>
            %reduce_min3A_461 = arith.constant -2147483648 : i32
            %reduce_min3A_462 = vector.broadcast %reduce_min3A_461 : i32 to vector<16xi32>
            %reduce_min3A_463 = arith.xori %select_n3A_458, %reduce_min3A_462 : vector<16xi32>
            %reduce_min3A_464 = tpu.scan <min>, %reduce_min3A_463 masked %reduce_min3A_460 : vector<16xi32>, vector<16xi1> -> vector<16xi32>
            %reduce_min3A_465 = arith.xori %reduce_min3A_464, %reduce_min3A_462 : vector<16xi32>
            %reduce_min3A_466 = vector.extract %reduce_min3A_465[15] : i32 from vector<16xi32>
            %add3A_467 = arith.constant 1 : i32
            %add3A_468 = arith.addi %reduce_min3A_466, %add3A_467 : i32
            %min3A = arith.constant 511 : i32
            %min3A_469 = arith.minsi %reduce_min3A_466, %min3A : i32
            %broadcast_in_dim3A_470 = vector.broadcast %min3A_469 : i32 to vector<16xi32>
            %gather3A_471 = tpu.vector_load_idx %arg28[%broadcast_in_dim3A_470] : memref<512xi32, #tpu.memory_space<vmem>>[vector<16xi32>], vector<16xi32>,
            %slice3A_472 = vector.extract_strided_slice %gather3A_471 {offsets = [0], sizes = [1], strides = [1]} : vector<16xi32> to vector<1xi32>
            %squeeze3A_473 = vector.extract %slice3A_472[0] : i32 from vector<1xi32>
            %eq3A_474 = arith.constant 0 : i32
            %eq3A_475 = arith.cmpi eq, %squeeze3A_473, %eq3A_474 : i32
            %add3A_476 = arith.addf %while3A_303, %reduce_min3A_453 : f32
            %sub3A_477 = arith.constant 1 : i32
            %sub3A_478 = arith.subi %sub3A_477, %while3A_304 : i32
            %add3A_479 = arith.constant 1 : i32
            %add3A_480 = arith.addi %while3A_306, %add3A_479 : i32
            scf.yield %add3A_468, %reduce_min3A_453, %add3A_476, %sub3A_478, %eq3A_475, %add3A_480 : i32, f32, f32, i32, i1, i32
          }
          %sub3A = arith.constant 1 : i32
          %sub3A_225 = arith.subi %scan3A_190, %sub3A : i32
          %broadcast_in_dim3A_226 = vector.broadcast %sub3A_225 : i32 to vector<16xi32>
          %broadcast_in_dim3A_227 = vector.broadcast %while3A_224#2 : f32 to vector<16xf32>
          %lt3A_228 = arith.constant 1 : i32
          %lt3A_229 = vector.broadcast %lt3A_228 : i32 to vector<16xi32>
          %lt3A_230 = arith.cmpi slt, %iota3A, %lt3A_229 : vector<16xi32>
          tpu.vector_store_idx %arg34[%broadcast_in_dim3A_226], %broadcast_in_dim3A_227 masked %lt3A_230 {add = true} : memref<512xf32, #tpu.memory_space<vmem>>[vector<16xi32>], vector<16xf32>, vector<16xi1>
          %get3A_231 = arith.constant 0 : index
          %get3A_232 = tpu.vector_load %arg14[%get3A_231] {strides = array<i32>} : memref<32xf32, #tpu.memory_space<vmem>>, vector<16xf32>,
          %lt3A_233 = arith.constant 9.99999984E+17 : f32
          %lt3A_234 = vector.broadcast %lt3A_233 : f32 to vector<16xf32>
          %lt3A_235 = arith.cmpf olt, %get3A_232, %lt3A_234 : vector<16xf32>
          %lt3A_236 = vector.broadcast %select_n3A_16 : i32 to vector<16xi32>
          %lt3A_237 = arith.cmpi slt, %add3A_174, %lt3A_236 : vector<16xi32>
          %and3A = arith.andi %lt3A_235, %lt3A_237 : vector<16xi1>
          %get3A_238 = arith.constant 0 : index
          %get3A_239 = tpu.vector_load %arg14[%get3A_238] {strides = array<i32>} : memref<32xf32, #tpu.memory_space<vmem>>, vector<16xf32>,
          %sub3A_240 = vector.broadcast %while3A_224#2 : f32 to vector<16xf32>
          %sub3A_241 = arith.subf %sub3A_240, %get3A_239 : vector<16xf32>
          %jit3A_242 = arith.constant 0.000000e+00 : f32
          %broadcast_in_dim3A_243 = vector.broadcast %jit3A_242 : f32 to vector<16xf32>
          %select_n3A_244 = arith.select %and3A, %sub3A_241, %broadcast_in_dim3A_243 : vector<16xi1>, vector<16xf32>
          %get3A_245 = arith.constant 0 : index
          %get3A_246 = tpu.vector_load %arg35[%get3A_245] {strides = array<i32>} : memref<32xf32, #tpu.memory_space<vmem>>, vector<16xf32>,
          %sub3A_247 = arith.subf %get3A_246, %select_n3A_244 : vector<16xf32>
          %swap3A_248 = arith.constant 0 : index
          %swap3A_249 = tpu.vector_load %arg35[%swap3A_248] {strides = array<i32>} : memref<32xf32, #tpu.memory_space<vmem>>, vector<16xf32>,
          tpu.vector_store %arg35[%swap3A_248], %sub3A_247 {strides = array<i32>} : memref<32xf32, #tpu.memory_space<vmem>>, vector<16xf32>,
          %swap3A_250 = arith.constant 0 : index
          %swap3A_251 = tpu.vector_load %arg13[%swap3A_250] {strides = array<i32>} : memref<32xf32, #tpu.memory_space<vmem>>, vector<16xf32>,
          tpu.vector_store %arg13[%swap3A_250], %select_n3A_244 {strides = array<i32>} : memref<32xf32, #tpu.memory_space<vmem>>, vector<16xf32>,
          %get3A_252 = arith.constant 16 : index
          %get3A_253 = tpu.vector_load %arg14[%get3A_252] {strides = array<i32>} : memref<32xf32, #tpu.memory_space<vmem>>, vector<16xf32>,
          %lt3A_254 = arith.constant 9.99999984E+17 : f32
          %lt3A_255 = vector.broadcast %lt3A_254 : f32 to vector<16xf32>
          %lt3A_256 = arith.cmpf olt, %get3A_253, %lt3A_255 : vector<16xf32>
          %lt3A_257 = vector.broadcast %select_n3A_16 : i32 to vector<16xi32>
          %lt3A_258 = arith.cmpi slt, %add3A_177, %lt3A_257 : vector<16xi32>
          %and3A_259 = arith.andi %lt3A_256, %lt3A_258 : vector<16xi1>
          %get3A_260 = arith.constant 16 : index
          %get3A_261 = tpu.vector_load %arg14[%get3A_260] {strides = array<i32>} : memref<32xf32, #tpu.memory_space<vmem>>, vector<16xf32>,
          %sub3A_262 = vector.broadcast %while3A_224#2 : f32 to vector<16xf32>
          %sub3A_263 = arith.subf %sub3A_262, %get3A_261 : vector<16xf32>
          %jit3A_264 = arith.constant 0.000000e+00 : f32
          %broadcast_in_dim3A_265 = vector.broadcast %jit3A_264 : f32 to vector<16xf32>
          %select_n3A_266 = arith.select %and3A_259, %sub3A_263, %broadcast_in_dim3A_265 : vector<16xi1>, vector<16xf32>
          %get3A_267 = arith.constant 16 : index
          %get3A_268 = tpu.vector_load %arg35[%get3A_267] {strides = array<i32>} : memref<32xf32, #tpu.memory_space<vmem>>, vector<16xf32>,
          %sub3A_269 = arith.subf %get3A_268, %select_n3A_266 : vector<16xf32>
          %swap3A_270 = arith.constant 16 : index
          %swap3A_271 = tpu.vector_load %arg35[%swap3A_270] {strides = array<i32>} : memref<32xf32, #tpu.memory_space<vmem>>, vector<16xf32>,
          tpu.vector_store %arg35[%swap3A_270], %sub3A_269 {strides = array<i32>} : memref<32xf32, #tpu.memory_space<vmem>>, vector<16xf32>,
          %swap3A_272 = arith.constant 16 : index
          %swap3A_273 = tpu.vector_load %arg13[%swap3A_272] {strides = array<i32>} : memref<32xf32, #tpu.memory_space<vmem>>, vector<16xf32>,
          tpu.vector_store %arg13[%swap3A_272], %select_n3A_266 {strides = array<i32>} : memref<32xf32, #tpu.memory_space<vmem>>, vector<16xf32>,
          %get3A_274 = arith.constant 0 : index
          %get3A_275 = tpu.vector_load %arg39[%get3A_274] {strides = array<i32>} : memref<32xi32, #tpu.memory_space<vmem>>, vector<16xi32>,
          %swap3A_276 = arith.constant 0 : index
          %swap3A_277 = tpu.vector_load %arg36[%swap3A_276] {strides = array<i32>} : memref<128xi32, #tpu.memory_space<vmem>>, vector<16xi32>,
          tpu.vector_store %arg36[%swap3A_276], %get3A_275 {strides = array<i32>} : memref<128xi32, #tpu.memory_space<vmem>>, vector<16xi32>,
          %get3A_278 = arith.constant 16 : index
          %get3A_279 = tpu.vector_load %arg39[%get3A_278] {strides = array<i32>} : memref<32xi32, #tpu.memory_space<vmem>>, vector<16xi32>,
          %swap3A_280 = arith.constant 16 : index
          %swap3A_281 = tpu.vector_load %arg36[%swap3A_280] {strides = array<i32>} : memref<128xi32, #tpu.memory_space<vmem>>, vector<16xi32>,
          tpu.vector_store %arg36[%swap3A_280], %get3A_279 {strides = array<i32>} : memref<128xi32, #tpu.memory_space<vmem>>, vector<16xi32>,
          %get3A_282 = arith.constant 0 : index
          %get3A_283 = tpu.vector_load %arg13[%get3A_282] {strides = array<i32>} : memref<32xf32, #tpu.memory_space<vmem>>, vector<16xf32>,
          %bitcast3A = vector.bitcast %get3A_283 : vector<16xf32> to vector<16xi32>
          %swap3A_284 = arith.constant 32 : index
          %swap3A_285 = tpu.vector_load %arg36[%swap3A_284] {strides = array<i32>} : memref<128xi32, #tpu.memory_space<vmem>>, vector<16xi32>,
          tpu.vector_store %arg36[%swap3A_284], %bitcast3A {strides = array<i32>} : memref<128xi32, #tpu.memory_space<vmem>>, vector<16xi32>,
          %get3A_286 = arith.constant 16 : index
          %get3A_287 = tpu.vector_load %arg13[%get3A_286] {strides = array<i32>} : memref<32xf32, #tpu.memory_space<vmem>>, vector<16xf32>,
          %bitcast3A_288 = vector.bitcast %get3A_287 : vector<16xf32> to vector<16xi32>
          %swap3A_289 = arith.constant 48 : index
          %swap3A_290 = tpu.vector_load %arg36[%swap3A_289] {strides = array<i32>} : memref<128xi32, #tpu.memory_space<vmem>>, vector<16xi32>,
          tpu.vector_store %arg36[%swap3A_289], %bitcast3A_288 {strides = array<i32>} : memref<128xi32, #tpu.memory_space<vmem>>, vector<16xi32>,
          "tpu.region"() ({
            %run_scoped3A = tpu.sem_alloc : memref<!tpu.dma_semaphore, #tpu.memory_space<semaphore_mem>>
            %dma_start3A = arith.constant 0 : i32
            %dma_start3A_301 = tpu.memref_slice %arg38[%arg1, %dma_start3A] : memref<16x128xi32, #tpu.memory_space<vmem_shared>> -> memref<1x128xi32, #tpu.memory_space<vmem_shared>>
            %dma_start3A_302 = tpu.memref_squeeze %dma_start3A_301 : memref<1x128xi32, #tpu.memory_space<vmem_shared>> -> memref<128xi32, #tpu.memory_space<vmem_shared>>
            %dma_start3A_303 = arith.constant 0 : i32
            %dma_start3A_304 = tpu.memref_slice %arg38[%arg1, %dma_start3A_303] : memref<16x128xi32, #tpu.memory_space<vmem_shared>> -> memref<1x128xi32, #tpu.memory_space<vmem_shared>>
            %dma_start3A_305 = tpu.memref_squeeze %dma_start3A_304 : memref<1x128xi32, #tpu.memory_space<vmem_shared>> -> memref<128xi32, #tpu.memory_space<vmem_shared>>
            tpu.enqueue_dma source(%arg36 : memref<128xi32, #tpu.memory_space<vmem>>) target(%dma_start3A_305 : memref<128xi32, #tpu.memory_space<vmem_shared>>) target_semaphore(%run_scoped3A : memref<!tpu.dma_semaphore, #tpu.memory_space<semaphore_mem>>)
            %dma_wait3A = arith.constant 0 : i32
            %dma_wait3A_306 = tpu.memref_slice %arg38[%arg1, %dma_wait3A] : memref<16x128xi32, #tpu.memory_space<vmem_shared>> -> memref<1x128xi32, #tpu.memory_space<vmem_shared>>
            %dma_wait3A_307 = tpu.memref_squeeze %dma_wait3A_306 : memref<1x128xi32, #tpu.memory_space<vmem_shared>> -> memref<128xi32, #tpu.memory_space<vmem_shared>>
            %dma_wait3A_308 = arith.constant 0 : i32
            %dma_wait3A_309 = tpu.memref_slice %arg38[%arg1, %dma_wait3A_308] : memref<16x128xi32, #tpu.memory_space<vmem_shared>> -> memref<1x128xi32, #tpu.memory_space<vmem_shared>>
            %dma_wait3A_310 = tpu.memref_squeeze %dma_wait3A_309 : memref<1x128xi32, #tpu.memory_space<vmem_shared>> -> memref<128xi32, #tpu.memory_space<vmem_shared>>
            tpu.wait_dma2 semaphore(%run_scoped3A : memref<!tpu.dma_semaphore, #tpu.memory_space<semaphore_mem>>) src(%arg36 : memref<128xi32, #tpu.memory_space<vmem>>) dst(%dma_wait3A_310 : memref<128xi32, #tpu.memory_space<vmem_shared>>)
            tpu.yield
          }) : () -> ()
          %barrier3A = arith.constant 0 : index
          tpu.barrier barrier_id(%barrier3A)
          "tpu.region"() ({
            %run_scoped3A = tpu.sem_alloc : memref<!tpu.dma_semaphore, #tpu.memory_space<semaphore_mem>>
            tpu.enqueue_dma source(%arg38 : memref<16x128xi32, #tpu.memory_space<vmem_shared>>) target(%arg37 : memref<16x128xi32, #tpu.memory_space<vmem>>) target_semaphore(%run_scoped3A : memref<!tpu.dma_semaphore, #tpu.memory_space<semaphore_mem>>)
            tpu.wait_dma2 semaphore(%run_scoped3A : memref<!tpu.dma_semaphore, #tpu.memory_space<semaphore_mem>>) src(%arg38 : memref<16x128xi32, #tpu.memory_space<vmem_shared>>) dst(%arg37 : memref<16x128xi32, #tpu.memory_space<vmem>>)
            tpu.yield
          }) : () -> ()
          %scan3A_291 = arith.constant 0 : i32
          %scan3A_292 = arith.constant 0 : i32
          %scan3A_293 = arith.constant 16 : i32
          %scan3A_294 = arith.addi %scan3A_292, %scan3A_293 : i32
          %scan3A_295 = arith.constant 1 : i32
          %scan3A_296 = scf.for %scan3A_301 = %scan3A_292 to %scan3A_294 step %scan3A_295 iter_args(%scan3A_302 = %scan3A_291) -> (i32)  : i32 {
            %get3A_303 = arith.index_cast %scan3A_301 : i32 to index
            %get3A_304 = arith.constant 32 : index
            %get3A_305 = tpu.vector_load %arg37[%get3A_303, %get3A_304] {strides = array<i32>} : memref<16x128xi32, #tpu.memory_space<vmem>>, vector<16xi32>,
            %bitcast3A_306 = vector.bitcast %get3A_305 : vector<16xi32> to vector<16xf32>
            %get3A_307 = arith.index_cast %scan3A_301 : i32 to index
            %get3A_308 = arith.constant 48 : index
            %get3A_309 = tpu.vector_load %arg37[%get3A_307, %get3A_308] {strides = array<i32>} : memref<16x128xi32, #tpu.memory_space<vmem>>, vector<16xi32>,
            %bitcast3A_310 = vector.bitcast %get3A_309 : vector<16xi32> to vector<16xf32>
            %mul3A_311 = arith.constant 32 : i32
            %mul3A_312 = arith.muli %scan3A_301, %mul3A_311 : i32
            %get3A_313 = arith.index_cast %mul3A_312 : i32 to index
            %get3A_314 = tpu.vector_load %arg28[%get3A_313] {strides = array<i32>} : memref<512xi32, #tpu.memory_space<vmem>>, vector<16xi32>,
            %sub3A_315 = arith.constant 1 : i32
            %sub3A_316 = vector.broadcast %sub3A_315 : i32 to vector<16xi32>
            %sub3A_317 = arith.subi %get3A_314, %sub3A_316 : vector<16xi32>
            %max3A = arith.constant 0 : i32
            %max3A_318 = vector.broadcast %max3A : i32 to vector<16xi32>
            %max3A_319 = arith.maxsi %sub3A_317, %max3A_318 : vector<16xi32>
            %mul3A_320 = arith.constant 32 : i32
            %mul3A_321 = arith.muli %scan3A_301, %mul3A_320 : i32
            %add3A_322 = arith.constant 16 : i32
            %add3A_323 = arith.addi %mul3A_321, %add3A_322 : i32
            %get3A_324 = arith.index_cast %add3A_323 : i32 to index
            %get3A_325 = tpu.vector_load %arg28[%get3A_324] {strides = array<i32>} : memref<512xi32, #tpu.memory_space<vmem>>, vector<16xi32>,
            %sub3A_326 = arith.constant 1 : i32
            %sub3A_327 = vector.broadcast %sub3A_326 : i32 to vector<16xi32>
            %sub3A_328 = arith.subi %get3A_325, %sub3A_327 : vector<16xi32>
            %max3A_329 = arith.constant 0 : i32
            %max3A_330 = vector.broadcast %max3A_329 : i32 to vector<16xi32>
            %max3A_331 = arith.maxsi %sub3A_328, %max3A_330 : vector<16xi32>
            %ne3A = arith.constant 0.000000e+00 : f32
            %ne3A_332 = vector.broadcast %ne3A : f32 to vector<16xf32>
            %ne3A_333 = arith.cmpf one, %bitcast3A_306, %ne3A_332 : vector<16xf32>
            tpu.vector_store_idx %arg34[%max3A_319], %bitcast3A_306 masked %ne3A_333 {add = true} : memref<512xf32, #tpu.memory_space<vmem>>[vector<16xi32>], vector<16xf32>, vector<16xi1>
            %ne3A_334 = arith.constant 0.000000e+00 : f32
            %ne3A_335 = vector.broadcast %ne3A_334 : f32 to vector<16xf32>
            %ne3A_336 = arith.cmpf one, %bitcast3A_310, %ne3A_335 : vector<16xf32>
            tpu.vector_store_idx %arg34[%max3A_331], %bitcast3A_310 masked %ne3A_336 {add = true} : memref<512xf32, #tpu.memory_space<vmem>>[vector<16xi32>], vector<16xf32>, vector<16xi1>
            %scan3A_337 = arith.constant 0 : i32
            scf.yield %scan3A_337 : i32
          }
          %scan3A_297 = arith.constant 16 : i32
          %while3A_298 = arith.constant 0 : i32
          %while3A_299:2 = scf.while (%while3A_301 = %while3A_224#0, %while3A_302 = %while3A_298) : (i32, i32) -> (i32, i32) {
            %ne3A = arith.constant 0 : i32
            %ne3A_303 = arith.cmpi ne, %while3A_301, %ne3A : i32
            %lt3A_304 = arith.constant 514 : i32
            %lt3A_305 = arith.cmpi slt, %while3A_302, %lt3A_304 : i32
            %and3A_306 = arith.andi %ne3A_303, %lt3A_305 : i1
            scf.condition(%and3A_306) %while3A_301, %while3A_302 : i32, i32
          } do {
          ^bb0(%while3A_301: i32, %while3A_302: i32):
            %sub3A_303 = arith.constant 1 : i32
            %sub3A_304 = arith.subi %while3A_301, %sub3A_303 : i32
            %jit3A_305 = arith.constant 0 : i32
            %jit3A_306 = arith.constant 511 : i32
            %max3A = arith.maxsi %jit3A_305, %sub3A_304 : i32
            %min3A = arith.minsi %jit3A_306, %max3A : i32
            %jit3A_307 = arith.constant 32 : i32
            %div3A = arith.divsi %min3A, %jit3A_307 : i32
            %sign3A = arith.constant 0 : i32
            %sign3A_308 = arith.cmpi sgt, %min3A, %sign3A : i32
            %sign3A_309 = arith.extui %sign3A_308 : i1 to i32
            %sign3A_310 = arith.constant 0 : i32
            %sign3A_311 = arith.cmpi slt, %min3A, %sign3A_310 : i32
            %sign3A_312 = arith.extui %sign3A_311 : i1 to i32
            %sign3A_313 = arith.subi %sign3A_309, %sign3A_312 : i32
            %sign3A_314 = arith.constant 0 : i32
            %sign3A_315 = arith.cmpi sgt, %jit3A_307, %sign3A_314 : i32
            %sign3A_316 = arith.extui %sign3A_315 : i1 to i32
            %sign3A_317 = arith.constant 0 : i32
            %sign3A_318 = arith.cmpi slt, %jit3A_307, %sign3A_317 : i32
            %sign3A_319 = arith.extui %sign3A_318 : i1 to i32
            %sign3A_320 = arith.subi %sign3A_316, %sign3A_319 : i32
            %ne3A = arith.cmpi ne, %sign3A_313, %sign3A_320 : i32
            %rem3A = arith.remsi %min3A, %jit3A_307 : i32
            %ne3A_321 = arith.constant 0 : i32
            %ne3A_322 = arith.cmpi ne, %rem3A, %ne3A_321 : i32
            %and3A_323 = arith.andi %ne3A, %ne3A_322 : i1
            %sub3A_324 = arith.constant 1 : i32
            %sub3A_325 = arith.subi %div3A, %sub3A_324 : i32
            %select_n3A_326 = arith.select %and3A_323, %sub3A_325, %div3A : i32
            %jit3A_327 = arith.constant 32 : i32
            %eq3A_328 = arith.constant 0 : i32
            %eq3A_329 = arith.cmpi eq, %jit3A_327, %eq3A_328 : i32
            %jit3A_330 = arith.constant 1 : i32
            %select_n3A_331 = arith.select %eq3A_329, %jit3A_330, %jit3A_327 : i32
            %rem3A_332 = arith.remsi %min3A, %select_n3A_331 : i32
            %ne3A_333 = arith.constant 0 : i32
            %ne3A_334 = arith.cmpi ne, %rem3A_332, %ne3A_333 : i32
            %lt3A_335 = arith.constant 0 : i32
            %lt3A_336 = arith.cmpi slt, %rem3A_332, %lt3A_335 : i32
            %lt3A_337 = arith.constant 0 : i32
            %lt3A_338 = arith.cmpi slt, %select_n3A_331, %lt3A_337 : i32
            %ne3A_339 = arith.xori %lt3A_336, %lt3A_338 : i1
            %and3A_340 = arith.andi %ne3A_339, %ne3A_334 : i1
            %add3A_341 = arith.addi %rem3A_332, %select_n3A_331 : i32
            %select_n3A_342 = arith.select %and3A_340, %add3A_341, %rem3A_332 : i32
            %broadcast_in_dim3A_343 = vector.broadcast %select_n3A_326 : i32 to vector<16xi32>
            %broadcast_in_dim3A_344 = vector.broadcast %select_n3A_342 : i32 to vector<16xi32>
            %gather3A = tpu.vector_load_idx %arg37[%broadcast_in_dim3A_343, %broadcast_in_dim3A_344] : memref<16x128xi32, #tpu.memory_space<vmem>>[vector<16xi32>, vector<16xi32>], vector<16xi32>,
            %slice3A = vector.extract_strided_slice %gather3A {offsets = [0], sizes = [1], strides = [1]} : vector<16xi32> to vector<1xi32>
            %squeeze3A = vector.extract %slice3A[0] : i32 from vector<1xi32>
            %gt3A_345 = arith.constant 0 : i32
            %gt3A_346 = arith.cmpi sgt, %squeeze3A, %gt3A_345 : i32
            %sub3A_347 = arith.constant 1 : i32
            %sub3A_348 = arith.subi %squeeze3A, %sub3A_347 : i32
            %max3A_349 = arith.constant 0 : i32
            %max3A_350 = arith.maxsi %sub3A_348, %max3A_349 : i32
            %broadcast_in_dim3A_351 = vector.broadcast %max3A_350 : i32 to vector<16xi32>
            %gather3A_352 = tpu.vector_load_idx %arg28[%broadcast_in_dim3A_351] : memref<512xi32, #tpu.memory_space<vmem>>[vector<16xi32>], vector<16xi32>,
            %slice3A_353 = vector.extract_strided_slice %gather3A_352 {offsets = [0], sizes = [1], strides = [1]} : vector<16xi32> to vector<1xi32>
            %squeeze3A_354 = vector.extract %slice3A_353[0] : i32 from vector<1xi32>
            %select_n3A_355 = arith.select %gt3A_346, %squeeze3A_354, %scan3A_190 : i32
            %broadcast_in_dim3A_356 = vector.broadcast %min3A : i32 to vector<16xi32>
            %broadcast_in_dim3A_357 = vector.broadcast %select_n3A_355 : i32 to vector<16xi32>
            %lt3A_358 = arith.constant 1 : i32
            %lt3A_359 = vector.broadcast %lt3A_358 : i32 to vector<16xi32>
            %lt3A_360 = arith.cmpi slt, %iota3A, %lt3A_359 : vector<16xi32>
            tpu.vector_store_idx %arg28[%broadcast_in_dim3A_356], %broadcast_in_dim3A_357 masked %lt3A_360 : memref<512xi32, #tpu.memory_space<vmem>>[vector<16xi32>], vector<16xi32>, vector<16xi1>
            %add3A_361 = arith.constant 1 : i32
            %add3A_362 = arith.addi %while3A_302, %add3A_361 : i32
            scf.yield %squeeze3A, %add3A_362 : i32, i32
          }
          %barrier3A_300 = arith.constant 0 : index
          tpu.barrier barrier_id(%barrier3A_300)
          scf.yield %while3A_224#3 : i32
        } else {
          scf.yield %scan3A_191 : i32
        }
        scf.yield %cond3A_195 : i32
      }
      %scan3A_184 = arith.constant 512 : i32
      %eq3A_185 = arith.constant 0 : i32
      %eq3A_186 = arith.cmpi eq, %arg1, %eq3A_185 : i32
      %convert_element_type3A_187 = arith.extui %eq3A_186 : i1 to i32
      %cond3A_188 = arith.constant 0 : i32
      %cond3A_189 = arith.cmpi ne, %convert_element_type3A_187, %cond3A_188 : i32
      scf.if %cond3A_189 {
        "tpu.region"() ({
          %run_scoped3A = tpu.sem_alloc : memref<!tpu.dma_semaphore, #tpu.memory_space<semaphore_mem>>
          tpu.enqueue_dma source(%arg6 : memref<512xf32, #tpu.memory_space<hbm>>) target(%arg40 : memref<512xf32, #tpu.memory_space<vmem>>) target_semaphore(%run_scoped3A : memref<!tpu.dma_semaphore, #tpu.memory_space<semaphore_mem>>)
          tpu.wait_dma2 semaphore(%run_scoped3A : memref<!tpu.dma_semaphore, #tpu.memory_space<semaphore_mem>>) src(%arg6 : memref<512xf32, #tpu.memory_space<hbm>>) dst(%arg40 : memref<512xf32, #tpu.memory_space<vmem>>)
          tpu.yield
        }) : () -> ()
        "tpu.region"() ({
          %run_scoped3A = tpu.sem_alloc : memref<!tpu.dma_semaphore, #tpu.memory_space<semaphore_mem>>
          tpu.enqueue_dma source(%arg7 : memref<512xf32, #tpu.memory_space<hbm>>) target(%arg43 : memref<512xf32, #tpu.memory_space<vmem>>) target_semaphore(%run_scoped3A : memref<!tpu.dma_semaphore, #tpu.memory_space<semaphore_mem>>)
          tpu.wait_dma2 semaphore(%run_scoped3A : memref<!tpu.dma_semaphore, #tpu.memory_space<semaphore_mem>>) src(%arg7 : memref<512xf32, #tpu.memory_space<hbm>>) dst(%arg43 : memref<512xf32, #tpu.memory_space<vmem>>)
          tpu.yield
        }) : () -> ()
        "tpu.region"() ({
          %run_scoped3A = tpu.sem_alloc : memref<!tpu.dma_semaphore, #tpu.memory_space<semaphore_mem>>
          tpu.enqueue_dma source(%arg8 : memref<512xf32, #tpu.memory_space<hbm>>) target(%arg41 : memref<512xf32, #tpu.memory_space<vmem>>) target_semaphore(%run_scoped3A : memref<!tpu.dma_semaphore, #tpu.memory_space<semaphore_mem>>)
          tpu.wait_dma2 semaphore(%run_scoped3A : memref<!tpu.dma_semaphore, #tpu.memory_space<semaphore_mem>>) src(%arg8 : memref<512xf32, #tpu.memory_space<hbm>>) dst(%arg41 : memref<512xf32, #tpu.memory_space<vmem>>)
          tpu.yield
        }) : () -> ()
        "tpu.region"() ({
          %run_scoped3A = tpu.sem_alloc : memref<!tpu.dma_semaphore, #tpu.memory_space<semaphore_mem>>
          tpu.enqueue_dma source(%arg9 : memref<512xf32, #tpu.memory_space<hbm>>) target(%arg44 : memref<512xf32, #tpu.memory_space<vmem>>) target_semaphore(%run_scoped3A : memref<!tpu.dma_semaphore, #tpu.memory_space<semaphore_mem>>)
          tpu.wait_dma2 semaphore(%run_scoped3A : memref<!tpu.dma_semaphore, #tpu.memory_space<semaphore_mem>>) src(%arg9 : memref<512xf32, #tpu.memory_space<hbm>>) dst(%arg44 : memref<512xf32, #tpu.memory_space<vmem>>)
          tpu.yield
        }) : () -> ()
        "tpu.region"() ({
          %run_scoped3A = tpu.sem_alloc : memref<!tpu.dma_semaphore, #tpu.memory_space<semaphore_mem>>
          tpu.enqueue_dma source(%arg10 : memref<16xf32, #tpu.memory_space<hbm>>) target(%arg32 : memref<16xf32, #tpu.memory_space<vmem>>) target_semaphore(%run_scoped3A : memref<!tpu.dma_semaphore, #tpu.memory_space<semaphore_mem>>)
          tpu.wait_dma2 semaphore(%run_scoped3A : memref<!tpu.dma_semaphore, #tpu.memory_space<semaphore_mem>>) src(%arg10 : memref<16xf32, #tpu.memory_space<hbm>>) dst(%arg32 : memref<16xf32, #tpu.memory_space<vmem>>)
          tpu.yield
        }) : () -> ()
        %scan3A_190 = arith.constant 0 : i32
        %scan3A_191 = arith.constant 0 : i32
        %scan3A_192 = arith.constant 32 : i32
        %scan3A_193 = arith.addi %scan3A_191, %scan3A_192 : i32
        %scan3A_194 = arith.constant 1 : i32
        %scan3A_195 = scf.for %scan3A_236 = %scan3A_191 to %scan3A_193 step %scan3A_194 iter_args(%scan3A_237 = %scan3A_190) -> (i32)  : i32 {
          %mul3A_238 = arith.constant 16 : i32
          %mul3A_239 = arith.muli %scan3A_236, %mul3A_238 : i32
          %mul3A_240 = arith.constant 16 : i32
          %mul3A_241 = arith.muli %scan3A_236, %mul3A_240 : i32
          %add3A_242 = vector.broadcast %mul3A_241 : i32 to vector<16xi32>
          %add3A_243 = arith.addi %iota3A, %add3A_242 : vector<16xi32>
          %get3A_244 = arith.index_cast %mul3A_239 : i32 to index
          %get3A_245 = tpu.vector_load %arg28[%get3A_244] {strides = array<i32>} : memref<512xi32, #tpu.memory_space<vmem>>, vector<16xi32>,
          %gt3A_246 = arith.constant 0 : i32
          %gt3A_247 = vector.broadcast %gt3A_246 : i32 to vector<16xi32>
          %gt3A_248 = arith.cmpi sgt, %get3A_245, %gt3A_247 : vector<16xi32>
          %lt3A = vector.broadcast %select_n3A_16 : i32 to vector<16xi32>
          %lt3A_249 = arith.cmpi slt, %add3A_243, %lt3A : vector<16xi32>
          %and3A = arith.andi %gt3A_248, %lt3A_249 : vector<16xi1>
          %sub3A = arith.constant 1 : i32
          %sub3A_250 = vector.broadcast %sub3A : i32 to vector<16xi32>
          %sub3A_251 = arith.subi %get3A_245, %sub3A_250 : vector<16xi32>
          %max3A = arith.constant 0 : i32
          %max3A_252 = vector.broadcast %max3A : i32 to vector<16xi32>
          %max3A_253 = arith.maxsi %sub3A_251, %max3A_252 : vector<16xi32>
          tpu.vector_store_idx %arg15[%max3A_253], %add3A_243 masked %and3A : memref<512xi32, #tpu.memory_space<vmem>>[vector<16xi32>], vector<16xi32>, vector<16xi1>
          %scan3A_254 = arith.constant 0 : i32
          scf.yield %scan3A_254 : i32
        }
        %scan3A_196 = arith.constant 32 : i32
        %scan3A_197 = arith.constant 0 : i32
        %scan3A_198 = arith.constant 0 : i32
        %scan3A_199 = arith.constant 32 : i32
        %scan3A_200 = arith.addi %scan3A_198, %scan3A_199 : i32
        %scan3A_201 = arith.constant 1 : i32
        %scan3A_202 = scf.for %scan3A_236 = %scan3A_198 to %scan3A_200 step %scan3A_201 iter_args(%scan3A_237 = %scan3A_197) -> (i32)  : i32 {
          %mul3A_238 = arith.constant 16 : i32
          %mul3A_239 = arith.muli %scan3A_236, %mul3A_238 : i32
          %mul3A_240 = arith.constant 16 : i32
          %mul3A_241 = arith.muli %scan3A_236, %mul3A_240 : i32
          %add3A_242 = vector.broadcast %mul3A_241 : i32 to vector<16xi32>
          %add3A_243 = arith.addi %iota3A, %add3A_242 : vector<16xi32>
          %lt3A = vector.broadcast %select_n3A : i32 to vector<16xi32>
          %lt3A_244 = arith.cmpi slt, %add3A_243, %lt3A : vector<16xi32>
          %get3A_245 = arith.index_cast %mul3A_239 : i32 to index
          %get3A_246 = tpu.vector_load %arg15[%get3A_245] {strides = array<i32>} : memref<512xi32, #tpu.memory_space<vmem>>, vector<16xi32>,
          %jit3A = arith.constant 512 : i32
          %broadcast_in_dim3A_247 = vector.broadcast %jit3A : i32 to vector<16xi32>
          %select_n3A_248 = arith.select %lt3A_244, %get3A_246, %broadcast_in_dim3A_247 : vector<16xi1>, vector<16xi32>
          %min3A = arith.constant 511 : i32
          %min3A_249 = vector.broadcast %min3A : i32 to vector<16xi32>
          %min3A_250 = arith.minsi %select_n3A_248, %min3A_249 : vector<16xi32>
          tpu.vector_store_idx %arg31[%min3A_250], %add3A_243 masked %lt3A_244 : memref<512xi32, #tpu.memory_space<vmem>>[vector<16xi32>], vector<16xi32>, vector<16xi1>
          %scan3A_251 = arith.constant 0 : i32
          scf.yield %scan3A_251 : i32
        }
        %scan3A_203 = arith.constant 32 : i32
        %scan3A_204 = arith.constant 0 : i32
        %scan3A_205 = arith.constant 0 : i32
        %scan3A_206 = arith.constant 32 : i32
        %scan3A_207 = arith.addi %scan3A_205, %scan3A_206 : i32
        %scan3A_208 = arith.constant 1 : i32
        %scan3A_209 = scf.for %scan3A_236 = %scan3A_205 to %scan3A_207 step %scan3A_208 iter_args(%scan3A_237 = %scan3A_204) -> (i32)  : i32 {
          %mul3A_238 = arith.constant 16 : i32
          %mul3A_239 = arith.muli %scan3A_236, %mul3A_238 : i32
          %mul3A_240 = arith.constant 16 : i32
          %mul3A_241 = arith.muli %scan3A_236, %mul3A_240 : i32
          %add3A_242 = vector.broadcast %mul3A_241 : i32 to vector<16xi32>
          %add3A_243 = arith.addi %iota3A, %add3A_242 : vector<16xi32>
          %swap3A_244 = arith.index_cast %mul3A_239 : i32 to index
          %swap3A_245 = tpu.vector_load %arg23[%swap3A_244] {strides = array<i32>} : memref<512xi32, #tpu.memory_space<vmem>>, vector<16xi32>,
          tpu.vector_store %arg23[%swap3A_244], %add3A_243 {strides = array<i32>} : memref<512xi32, #tpu.memory_space<vmem>>, vector<16xi32>,
          %scan3A_246 = arith.constant 0 : i32
          scf.yield %scan3A_246 : i32
        }
        %scan3A_210 = arith.constant 32 : i32
        %scan3A_211 = arith.constant 0 : i32
        %scan3A_212 = arith.constant 0 : i32
        %scan3A_213 = arith.constant 32 : i32
        %scan3A_214 = arith.addi %scan3A_212, %scan3A_213 : i32
        %scan3A_215 = arith.constant 1 : i32
        %scan3A_216 = scf.for %scan3A_236 = %scan3A_212 to %scan3A_214 step %scan3A_215 iter_args(%scan3A_237 = %scan3A_211) -> (i32)  : i32 {
          %mul3A_238 = arith.constant 16 : i32
          %mul3A_239 = arith.muli %scan3A_236, %mul3A_238 : i32
          %get3A_240 = arith.index_cast %mul3A_239 : i32 to index
          %get3A_241 = tpu.vector_load %arg31[%get3A_240] {strides = array<i32>} : memref<512xi32, #tpu.memory_space<vmem>>, vector<16xi32>,
          %ne3A = arith.constant 1073741824 : i32
          %ne3A_242 = vector.broadcast %ne3A : i32 to vector<16xi32>
          %ne3A_243 = arith.cmpi ne, %get3A_241, %ne3A_242 : vector<16xi32>
          %convert_element_type3A_244 = arith.extui %ne3A_243 : vector<16xi1> to vector<16xi32>
          %broadcast_in_dim3A_245 = arith.constant true
          %broadcast_in_dim3A_246 = vector.broadcast %broadcast_in_dim3A_245 : i1 to vector<16xi1>
          %masked_cumsum3A = tpu.scan <sum>, %convert_element_type3A_244 masked %broadcast_in_dim3A_246 : vector<16xi32>, vector<16xi1> -> vector<16xi32>
          %add3A_247 = vector.broadcast %scan3A_237 : i32 to vector<16xi32>
          %add3A_248 = arith.addi %add3A_247, %masked_cumsum3A : vector<16xi32>
          %sub3A = arith.subi %add3A_248, %convert_element_type3A_244 : vector<16xi32>
          %min3A = arith.constant 511 : i32
          %min3A_249 = vector.broadcast %min3A : i32 to vector<16xi32>
          %min3A_250 = arith.minsi %sub3A, %min3A_249 : vector<16xi32>
          tpu.vector_store_idx %arg23[%min3A_250], %get3A_241 masked %ne3A_243 : memref<512xi32, #tpu.memory_space<vmem>>[vector<16xi32>], vector<16xi32>, vector<16xi1>
          %reduce_sum3A = arith.constant true
          %reduce_sum3A_251 = vector.broadcast %reduce_sum3A : i1 to vector<16xi1>
          %reduce_sum3A_252 = tpu.scan <sum>, %convert_element_type3A_244 masked %reduce_sum3A_251 : vector<16xi32>, vector<16xi1> -> vector<16xi32>
          %reduce_sum3A_253 = vector.extract %reduce_sum3A_252[15] : i32 from vector<16xi32>
          %add3A_254 = arith.addi %scan3A_237, %reduce_sum3A_253 : i32
          scf.yield %add3A_254 : i32
        }
        %scan3A_217 = arith.constant 32 : i32
        %get3A_218 = arith.constant 0 : index
        %get3A_219 = tpu.vector_load %arg32[%get3A_218] {strides = array<i32>} : memref<16xf32, #tpu.memory_space<vmem>>, vector<16xf32>,
        %slice3A = vector.extract_strided_slice %get3A_219 {offsets = [0], sizes = [1], strides = [1]} : vector<16xf32> to vector<1xf32>
        %squeeze3A = vector.extract %slice3A[0] : f32 from vector<1xf32>
        %slice3A_220 = vector.extract_strided_slice %get3A_219 {offsets = [1], sizes = [1], strides = [1]} : vector<16xf32> to vector<1xf32>
        %squeeze3A_221 = vector.extract %slice3A_220[0] : f32 from vector<1xf32>
        %scan3A_222 = arith.constant 0 : i32
        %scan3A_223 = arith.constant 0 : i32
        %scan3A_224 = arith.constant 32 : i32
        %scan3A_225 = arith.addi %scan3A_223, %scan3A_224 : i32
        %scan3A_226 = arith.constant 1 : i32
        %scan3A_227 = scf.for %scan3A_236 = %scan3A_223 to %scan3A_225 step %scan3A_226 iter_args(%scan3A_237 = %scan3A_222) -> (i32)  : i32 {
          %mul3A_238 = arith.constant 16 : i32
          %mul3A_239 = arith.muli %scan3A_236, %mul3A_238 : i32
          %get3A_240 = arith.index_cast %mul3A_239 : i32 to index
          %get3A_241 = tpu.vector_load %arg40[%get3A_240] {strides = array<i32>} : memref<512xf32, #tpu.memory_space<vmem>>, vector<16xf32>,
          %swap3A_242 = arith.index_cast %mul3A_239 : i32 to index
          %swap3A_243 = tpu.vector_load %arg24[%swap3A_242] {strides = array<i32>} : memref<512xf32, #tpu.memory_space<vmem>>, vector<16xf32>,
          tpu.vector_store %arg24[%swap3A_242], %get3A_241 {strides = array<i32>} : memref<512xf32, #tpu.memory_space<vmem>>, vector<16xf32>,
          %get3A_244 = arith.index_cast %mul3A_239 : i32 to index
          %get3A_245 = tpu.vector_load %arg43[%get3A_244] {strides = array<i32>} : memref<512xf32, #tpu.memory_space<vmem>>, vector<16xf32>,
          %swap3A_246 = arith.index_cast %mul3A_239 : i32 to index
          %swap3A_247 = tpu.vector_load %arg25[%swap3A_246] {strides = array<i32>} : memref<512xf32, #tpu.memory_space<vmem>>, vector<16xf32>,
          tpu.vector_store %arg25[%swap3A_246], %get3A_245 {strides = array<i32>} : memref<512xf32, #tpu.memory_space<vmem>>, vector<16xf32>,
          %scan3A_248 = arith.constant 0 : i32
          scf.yield %scan3A_248 : i32
        }
        %scan3A_228 = arith.constant 32 : i32
        %scan3A_229 = arith.constant 0 : i32
        %scan3A_230 = arith.constant 0 : i32
        %scan3A_231 = arith.constant 32 : i32
        %scan3A_232 = arith.addi %scan3A_230, %scan3A_231 : i32
        %scan3A_233 = arith.constant 1 : i32
        %scan3A_234 = scf.for %scan3A_236 = %scan3A_230 to %scan3A_232 step %scan3A_233 iter_args(%scan3A_237 = %scan3A_229) -> (i32)  : i32 {
          %mul3A_238 = arith.constant 16 : i32
          %mul3A_239 = arith.muli %scan3A_236, %mul3A_238 : i32
          %mul3A_240 = arith.constant 16 : i32
          %mul3A_241 = arith.muli %scan3A_236, %mul3A_240 : i32
          %add3A_242 = vector.broadcast %mul3A_241 : i32 to vector<16xi32>
          %add3A_243 = arith.addi %iota3A, %add3A_242 : vector<16xi32>
          %lt3A = vector.broadcast %select_n3A : i32 to vector<16xi32>
          %lt3A_244 = arith.cmpi slt, %add3A_243, %lt3A : vector<16xi32>
          %get3A_245 = arith.index_cast %mul3A_239 : i32 to index
          %get3A_246 = tpu.vector_load %arg15[%get3A_245] {strides = array<i32>} : memref<512xi32, #tpu.memory_space<vmem>>, vector<16xi32>,
          %jit3A = arith.constant 512 : i32
          %broadcast_in_dim3A_247 = vector.broadcast %jit3A : i32 to vector<16xi32>
          %select_n3A_248 = arith.select %lt3A_244, %get3A_246, %broadcast_in_dim3A_247 : vector<16xi1>, vector<16xi32>
          %get3A_249 = arith.index_cast %mul3A_239 : i32 to index
          %get3A_250 = tpu.vector_load %arg23[%get3A_249] {strides = array<i32>} : memref<512xi32, #tpu.memory_space<vmem>>, vector<16xi32>,
          %min3A = arith.constant 511 : i32
          %min3A_251 = vector.broadcast %min3A : i32 to vector<16xi32>
          %min3A_252 = arith.minsi %get3A_250, %min3A_251 : vector<16xi32>
          %gather3A = tpu.vector_load_idx %arg15[%min3A_252] : memref<512xi32, #tpu.memory_space<vmem>>[vector<16xi32>], vector<16xi32>,
          %lt3A_253 = vector.broadcast %select_n3A : i32 to vector<16xi32>
          %lt3A_254 = arith.cmpi slt, %get3A_250, %lt3A_253 : vector<16xi32>
          %jit3A_255 = arith.constant 512 : i32
          %broadcast_in_dim3A_256 = vector.broadcast %jit3A_255 : i32 to vector<16xi32>
          %select_n3A_257 = arith.select %lt3A_254, %gather3A, %broadcast_in_dim3A_256 : vector<16xi1>, vector<16xi32>
          %select_n3A_258 = arith.select %gt3A, %select_n3A_257, %add3A_243 : vector<16xi32>
          %select_n3A_259 = arith.select %gt3A, %get3A_250, %select_n3A_248 : vector<16xi32>
          %jit3A_260 = arith.constant 0 : i32
          %jit3A_261 = arith.constant 511 : i32
          %max3A = vector.broadcast %jit3A_260 : i32 to vector<16xi32>
          %max3A_262 = arith.maxsi %max3A, %select_n3A_258 : vector<16xi32>
          %min3A_263 = vector.broadcast %jit3A_261 : i32 to vector<16xi32>
          %min3A_264 = arith.minsi %min3A_263, %max3A_262 : vector<16xi32>
          %gather3A_265 = tpu.vector_load_idx %arg19[%min3A_264] : memref<528xi32, #tpu.memory_space<vmem>>[vector<16xi32>], vector<16xi32>,
          %jit3A_266 = arith.constant 0 : i32
          %jit3A_267 = arith.constant 511 : i32
          %max3A_268 = vector.broadcast %jit3A_266 : i32 to vector<16xi32>
          %max3A_269 = arith.maxsi %max3A_268, %select_n3A_259 : vector<16xi32>
          %min3A_270 = vector.broadcast %jit3A_267 : i32 to vector<16xi32>
          %min3A_271 = arith.minsi %min3A_270, %max3A_269 : vector<16xi32>
          %gather3A_272 = tpu.vector_load_idx %arg18[%min3A_271] : memref<528xi32, #tpu.memory_space<vmem>>[vector<16xi32>], vector<16xi32>,
          %jit3A_273 = arith.constant 0 : i32
          %jit3A_274 = arith.constant 511 : i32
          %max3A_275 = vector.broadcast %jit3A_273 : i32 to vector<16xi32>
          %max3A_276 = arith.maxsi %max3A_275, %gather3A_265 : vector<16xi32>
          %min3A_277 = vector.broadcast %jit3A_274 : i32 to vector<16xi32>
          %min3A_278 = arith.minsi %min3A_277, %max3A_276 : vector<16xi32>
          %jit3A_279 = arith.constant 0 : i32
          %jit3A_280 = arith.constant 511 : i32
          %max3A_281 = vector.broadcast %jit3A_279 : i32 to vector<16xi32>
          %max3A_282 = arith.maxsi %max3A_281, %gather3A_272 : vector<16xi32>
          %min3A_283 = vector.broadcast %jit3A_280 : i32 to vector<16xi32>
          %min3A_284 = arith.minsi %min3A_283, %max3A_282 : vector<16xi32>
          %gather3A_285 = tpu.vector_load_idx %arg41[%min3A_278] : memref<512xf32, #tpu.memory_space<vmem>>[vector<16xi32>], vector<16xf32>,
          %gather3A_286 = tpu.vector_load_idx %arg44[%min3A_278] : memref<512xf32, #tpu.memory_space<vmem>>[vector<16xi32>], vector<16xf32>,
          %gather3A_287 = tpu.vector_load_idx %arg40[%min3A_284] : memref<512xf32, #tpu.memory_space<vmem>>[vector<16xi32>], vector<16xf32>,
          %gather3A_288 = tpu.vector_load_idx %arg43[%min3A_284] : memref<512xf32, #tpu.memory_space<vmem>>[vector<16xi32>], vector<16xf32>,
          %sub3A = arith.subf %gather3A_287, %gather3A_285 : vector<16xf32>
          %div3A = vector.broadcast %squeeze3A : f32 to vector<16xf32>
          %div3A_289 = arith.divf %sub3A, %div3A : vector<16xf32>
          %sub3A_290 = arith.constant 0.000000e+00 : f32
          %sub3A_291 = arith.subf %sub3A_290, %squeeze3A_221 : f32
          %mul3A_292 = vector.broadcast %sub3A_291 : f32 to vector<16xf32>
          %mul3A_293 = arith.mulf %div3A_289, %mul3A_292 : vector<16xf32>
          %add3A_294 = arith.addf %gather3A_287, %mul3A_293 : vector<16xf32>
          %sub3A_295 = arith.subf %gather3A_288, %gather3A_286 : vector<16xf32>
          %div3A_296 = vector.broadcast %squeeze3A : f32 to vector<16xf32>
          %div3A_297 = arith.divf %sub3A_295, %div3A_296 : vector<16xf32>
          %sub3A_298 = arith.constant 0.000000e+00 : f32
          %sub3A_299 = arith.subf %sub3A_298, %squeeze3A_221 : f32
          %mul3A_300 = vector.broadcast %sub3A_299 : f32 to vector<16xf32>
          %mul3A_301 = arith.mulf %div3A_297, %mul3A_300 : vector<16xf32>
          %add3A_302 = arith.addf %gather3A_288, %mul3A_301 : vector<16xf32>
          %lt3A_303 = arith.constant 512 : i32
          %lt3A_304 = vector.broadcast %lt3A_303 : i32 to vector<16xi32>
          %lt3A_305 = arith.cmpi slt, %gather3A_272, %lt3A_304 : vector<16xi32>
          %and3A = arith.andi %lt3A_244, %lt3A_305 : vector<16xi1>
          tpu.vector_store_idx %arg24[%min3A_284], %add3A_294 masked %and3A : memref<512xf32, #tpu.memory_space<vmem>>[vector<16xi32>], vector<16xf32>, vector<16xi1>
          tpu.vector_store_idx %arg25[%min3A_284], %add3A_302 masked %and3A : memref<512xf32, #tpu.memory_space<vmem>>[vector<16xi32>], vector<16xf32>, vector<16xi1>
          %scan3A_306 = arith.constant 0 : i32
          scf.yield %scan3A_306 : i32
        }
        %scan3A_235 = arith.constant 32 : i32
        "tpu.region"() ({
          %run_scoped3A = tpu.sem_alloc : memref<!tpu.dma_semaphore, #tpu.memory_space<semaphore_mem>>
          tpu.enqueue_dma source(%arg24 : memref<512xf32, #tpu.memory_space<vmem>>) target(%arg11 : memref<512xf32, #tpu.memory_space<hbm>>) target_semaphore(%run_scoped3A : memref<!tpu.dma_semaphore, #tpu.memory_space<semaphore_mem>>)
          tpu.wait_dma2 semaphore(%run_scoped3A : memref<!tpu.dma_semaphore, #tpu.memory_space<semaphore_mem>>) src(%arg24 : memref<512xf32, #tpu.memory_space<vmem>>) dst(%arg11 : memref<512xf32, #tpu.memory_space<hbm>>)
          tpu.yield
        }) : () -> ()
        "tpu.region"() ({
          %run_scoped3A = tpu.sem_alloc : memref<!tpu.dma_semaphore, #tpu.memory_space<semaphore_mem>>
          tpu.enqueue_dma source(%arg25 : memref<512xf32, #tpu.memory_space<vmem>>) target(%arg12 : memref<512xf32, #tpu.memory_space<hbm>>) target_semaphore(%run_scoped3A : memref<!tpu.dma_semaphore, #tpu.memory_space<semaphore_mem>>)
          tpu.wait_dma2 semaphore(%run_scoped3A : memref<!tpu.dma_semaphore, #tpu.memory_space<semaphore_mem>>) src(%arg25 : memref<512xf32, #tpu.memory_space<vmem>>) dst(%arg12 : memref<512xf32, #tpu.memory_space<hbm>>)
          tpu.yield
        }) : () -> ()
      } else {
      }
    } else {
    }
    return
  }
}

module attributes {stable_mosaic.version = 14 : i64} {
  func.func @_cost_body(%arg0: memref<2x512xf32, #tpu.memory_space<vmem>>, %arg1: memref<512x2xf32, #tpu.memory_space<vmem>>, %arg2: memref<2x512xf32, #tpu.memory_space<vmem>>, %arg3: memref<512x2xf32, #tpu.memory_space<vmem>>, %arg4: memref<512x512xf32, #tpu.memory_space<vmem>>, %arg5: memref<512x512xf32, #tpu.memory_space<vmem>>, %arg6: memref<1x512xf32, #tpu.memory_space<vmem>>, %arg7: memref<1x512xf32, #tpu.memory_space<vmem>>) attributes {dimension_semantics = [], scalar_prefetch = 0 : i64, scratch_operands = 0 : i64, tpu.core_type = #tpu.core_type<tc>} {
    %get3A = arith.constant 0 : index
    %get3A_0 = arith.constant 0 : index
    %get3A_1 = vector.load %arg0[%get3A, %get3A_0] : memref<2x512xf32, #tpu.memory_space<vmem>>, vector<1x512xf32>
    %get3A_2 = arith.constant 1 : index
    %get3A_3 = arith.constant 0 : index
    %get3A_4 = vector.load %arg0[%get3A_2, %get3A_3] : memref<2x512xf32, #tpu.memory_space<vmem>>, vector<1x512xf32>
    %get3A_5 = arith.constant 0 : index
    %get3A_6 = arith.constant 0 : index
    %get3A_7 = vector.load %arg1[%get3A_5, %get3A_6] : memref<512x2xf32, #tpu.memory_space<vmem>>, vector<512x1xf32>
    %get3A_8 = arith.constant 0 : index
    %get3A_9 = arith.constant 1 : index
    %get3A_10 = vector.load %arg1[%get3A_8, %get3A_9] : memref<512x2xf32, #tpu.memory_space<vmem>>, vector<512x1xf32>
    %sub3A = vector.broadcast %get3A_7 : vector<512x1xf32> to vector<512x512xf32>
    %sub3A_11 = vector.broadcast %get3A_1 : vector<1x512xf32> to vector<512x512xf32>
    %sub3A_12 = arith.subf %sub3A, %sub3A_11 : vector<512x512xf32>
    %sub3A_13 = vector.broadcast %get3A_10 : vector<512x1xf32> to vector<512x512xf32>
    %sub3A_14 = vector.broadcast %get3A_4 : vector<1x512xf32> to vector<512x512xf32>
    %sub3A_15 = arith.subf %sub3A_13, %sub3A_14 : vector<512x512xf32>
    %mul3A = arith.mulf %sub3A_12, %sub3A_12 : vector<512x512xf32>
    %mul3A_16 = arith.mulf %sub3A_15, %sub3A_15 : vector<512x512xf32>
    %add3A = arith.addf %mul3A, %mul3A_16 : vector<512x512xf32>
    %sqrt3A = math.sqrt %add3A : vector<512x512xf32>
    %swap3A = arith.constant 0 : index
    %swap3A_17 = arith.constant 0 : index
    %swap3A_18 = vector.load %arg4[%swap3A, %swap3A_17] : memref<512x512xf32, #tpu.memory_space<vmem>>, vector<512x512xf32>
    tpu.vector_store %arg4[%swap3A, %swap3A_17], %sqrt3A {strides = array<i32>} : memref<512x512xf32, #tpu.memory_space<vmem>>, vector<512x512xf32>,
    %get3A_19 = arith.constant 0 : index
    %get3A_20 = arith.constant 0 : index
    %get3A_21 = vector.load %arg2[%get3A_19, %get3A_20] : memref<2x512xf32, #tpu.memory_space<vmem>>, vector<1x512xf32>
    %get3A_22 = arith.constant 1 : index
    %get3A_23 = arith.constant 0 : index
    %get3A_24 = vector.load %arg2[%get3A_22, %get3A_23] : memref<2x512xf32, #tpu.memory_space<vmem>>, vector<1x512xf32>
    %get3A_25 = arith.constant 0 : index
    %get3A_26 = arith.constant 0 : index
    %get3A_27 = vector.load %arg3[%get3A_25, %get3A_26] : memref<512x2xf32, #tpu.memory_space<vmem>>, vector<512x1xf32>
    %get3A_28 = arith.constant 0 : index
    %get3A_29 = arith.constant 1 : index
    %get3A_30 = vector.load %arg3[%get3A_28, %get3A_29] : memref<512x2xf32, #tpu.memory_space<vmem>>, vector<512x1xf32>
    %sub3A_31 = vector.broadcast %get3A_27 : vector<512x1xf32> to vector<512x512xf32>
    %sub3A_32 = vector.broadcast %get3A_21 : vector<1x512xf32> to vector<512x512xf32>
    %sub3A_33 = arith.subf %sub3A_31, %sub3A_32 : vector<512x512xf32>
    %sub3A_34 = vector.broadcast %get3A_30 : vector<512x1xf32> to vector<512x512xf32>
    %sub3A_35 = vector.broadcast %get3A_24 : vector<1x512xf32> to vector<512x512xf32>
    %sub3A_36 = arith.subf %sub3A_34, %sub3A_35 : vector<512x512xf32>
    %mul3A_37 = arith.mulf %sub3A_33, %sub3A_33 : vector<512x512xf32>
    %mul3A_38 = arith.mulf %sub3A_36, %sub3A_36 : vector<512x512xf32>
    %add3A_39 = arith.addf %mul3A_37, %mul3A_38 : vector<512x512xf32>
    %sqrt3A_40 = math.sqrt %add3A_39 : vector<512x512xf32>
    %swap3A_41 = arith.constant 0 : index
    %swap3A_42 = arith.constant 0 : index
    %swap3A_43 = vector.load %arg5[%swap3A_41, %swap3A_42] : memref<512x512xf32, #tpu.memory_space<vmem>>, vector<512x512xf32>
    tpu.vector_store %arg5[%swap3A_41, %swap3A_42], %sqrt3A_40 {strides = array<i32>} : memref<512x512xf32, #tpu.memory_space<vmem>>, vector<512x512xf32>,
    %reduce_min3A = arith.constant dense<0x7F800000> : vector<512xf32>
    %reduce_min3A_44 = vector.multi_reduction <minimumf>, %sqrt3A_40, %reduce_min3A [0] : vector<512x512xf32> to vector<512xf32>
    %broadcast_in_dim3A = vector.shape_cast %reduce_min3A_44 : vector<512xf32> to vector<1x512xf32>
    %le3A = arith.constant 2.000000e+01 : f32
    %le3A_45 = vector.broadcast %le3A : f32 to vector<1x512xf32>
    %le3A_46 = arith.cmpf ole, %broadcast_in_dim3A, %le3A_45 : vector<1x512xf32>
    %convert_element_type3A = arith.extui %le3A_46 : vector<1x512xi1> to vector<1x512xi32>
    %convert_element_type3A_47 = arith.sitofp %convert_element_type3A : vector<1x512xi32> to vector<1x512xf32>
    %swap3A_48 = arith.constant 0 : index
    %swap3A_49 = arith.constant 0 : index
    %swap3A_50 = vector.load %arg6[%swap3A_48, %swap3A_49] : memref<1x512xf32, #tpu.memory_space<vmem>>, vector<1x512xf32>
    tpu.vector_store %arg6[%swap3A_48, %swap3A_49], %convert_element_type3A_47 {strides = array<i32>} : memref<1x512xf32, #tpu.memory_space<vmem>>, vector<1x512xf32>,
    %reduce_min3A_51 = arith.constant dense<0x7F800000> : vector<512xf32>
    %reduce_min3A_52 = vector.multi_reduction <minimumf>, %sqrt3A, %reduce_min3A_51 [0] : vector<512x512xf32> to vector<512xf32>
    %broadcast_in_dim3A_53 = vector.shape_cast %reduce_min3A_52 : vector<512xf32> to vector<1x512xf32>
    %le3A_54 = arith.constant 2.000000e+01 : f32
    %le3A_55 = vector.broadcast %le3A_54 : f32 to vector<1x512xf32>
    %le3A_56 = arith.cmpf ole, %broadcast_in_dim3A_53, %le3A_55 : vector<1x512xf32>
    %convert_element_type3A_57 = arith.extui %le3A_56 : vector<1x512xi1> to vector<1x512xi32>
    %convert_element_type3A_58 = arith.sitofp %convert_element_type3A_57 : vector<1x512xi32> to vector<1x512xf32>
    %swap3A_59 = arith.constant 0 : index
    %swap3A_60 = arith.constant 0 : index
    %swap3A_61 = vector.load %arg7[%swap3A_59, %swap3A_60] : memref<1x512xf32, #tpu.memory_space<vmem>>, vector<1x512xf32>
    tpu.vector_store %arg7[%swap3A_59, %swap3A_60], %convert_element_type3A_58 {strides = array<i32>} : memref<1x512xf32, #tpu.memory_space<vmem>>, vector<1x512xf32>,
    return
  }
}

module attributes {stable_mosaic.version = 14 : i64} {
  func.func @_corners_body(%arg0: memref<7x512xf32, #tpu.memory_space<vmem>>, %arg1: memref<1x512xf32, #tpu.memory_space<vmem>>, %arg2: memref<1x512xf32, #tpu.memory_space<vmem>>, %arg3: memref<24x512xf32, #tpu.memory_space<vmem>>) attributes {dimension_semantics = [], scalar_prefetch = 0 : i64, scratch_operands = 0 : i64, tpu.core_type = #tpu.core_type<tc>} {
    %get3A = arith.constant 0 : index
    %get3A_0 = arith.constant 0 : index
    %get3A_1 = vector.load %arg1[%get3A, %get3A_0] : memref<1x512xf32, #tpu.memory_space<vmem>>, vector<1x512xf32>
    %get3A_2 = arith.constant 0 : index
    %get3A_3 = arith.constant 0 : index
    %get3A_4 = vector.load %arg2[%get3A_2, %get3A_3] : memref<1x512xf32, #tpu.memory_space<vmem>>, vector<1x512xf32>
    %get3A_5 = arith.constant 2 : index
    %get3A_6 = arith.constant 0 : index
    %get3A_7 = vector.load %arg0[%get3A_5, %get3A_6] : memref<7x512xf32, #tpu.memory_space<vmem>>, vector<1x512xf32>
    %get3A_8 = arith.constant 3 : index
    %get3A_9 = arith.constant 0 : index
    %get3A_10 = vector.load %arg0[%get3A_8, %get3A_9] : memref<7x512xf32, #tpu.memory_space<vmem>>, vector<1x512xf32>
    %get3A_11 = arith.constant 4 : index
    %get3A_12 = arith.constant 0 : index
    %get3A_13 = vector.load %arg0[%get3A_11, %get3A_12] : memref<7x512xf32, #tpu.memory_space<vmem>>, vector<1x512xf32>
    %get3A_14 = arith.constant 5 : index
    %get3A_15 = arith.constant 0 : index
    %get3A_16 = vector.load %arg0[%get3A_14, %get3A_15] : memref<7x512xf32, #tpu.memory_space<vmem>>, vector<1x512xf32>
    %get3A_17 = arith.constant 6 : index
    %get3A_18 = arith.constant 0 : index
    %get3A_19 = vector.load %arg0[%get3A_17, %get3A_18] : memref<7x512xf32, #tpu.memory_space<vmem>>, vector<1x512xf32>
    %cos3A = math.cos %get3A_19 : vector<1x512xf32>
    %sin3A = math.sin %get3A_19 : vector<1x512xf32>
    %mul3A = arith.constant 5.000000e-01 : f32
    %mul3A_20 = vector.broadcast %mul3A : f32 to vector<1x512xf32>
    %mul3A_21 = arith.mulf %get3A_16, %mul3A_20 : vector<1x512xf32>
    %mul3A_22 = arith.constant -5.000000e-01 : f32
    %mul3A_23 = vector.broadcast %mul3A_22 : f32 to vector<1x512xf32>
    %mul3A_24 = arith.mulf %get3A_13, %mul3A_23 : vector<1x512xf32>
    %mul3A_25 = arith.constant -5.000000e-01 : f32
    %mul3A_26 = vector.broadcast %mul3A_25 : f32 to vector<1x512xf32>
    %mul3A_27 = arith.mulf %get3A_10, %mul3A_26 : vector<1x512xf32>
    %mul3A_28 = arith.mulf %mul3A_21, %cos3A : vector<1x512xf32>
    %mul3A_29 = arith.mulf %mul3A_24, %sin3A : vector<1x512xf32>
    %sub3A = arith.subf %mul3A_28, %mul3A_29 : vector<1x512xf32>
    %add3A = arith.addf %sub3A, %get3A_1 : vector<1x512xf32>
    %mul3A_30 = arith.mulf %mul3A_21, %sin3A : vector<1x512xf32>
    %mul3A_31 = arith.mulf %mul3A_24, %cos3A : vector<1x512xf32>
    %add3A_32 = arith.addf %mul3A_30, %mul3A_31 : vector<1x512xf32>
    %add3A_33 = arith.addf %add3A_32, %get3A_4 : vector<1x512xf32>
    %add3A_34 = arith.addf %mul3A_27, %get3A_7 : vector<1x512xf32>
    %swap3A = arith.constant 0 : index
    %swap3A_35 = arith.constant 0 : index
    %swap3A_36 = vector.load %arg3[%swap3A, %swap3A_35] : memref<24x512xf32, #tpu.memory_space<vmem>>, vector<1x512xf32>
    tpu.vector_store %arg3[%swap3A, %swap3A_35], %add3A {strides = array<i32>} : memref<24x512xf32, #tpu.memory_space<vmem>>, vector<1x512xf32>,
    %swap3A_37 = arith.constant 1 : index
    %swap3A_38 = arith.constant 0 : index
    %swap3A_39 = vector.load %arg3[%swap3A_37, %swap3A_38] : memref<24x512xf32, #tpu.memory_space<vmem>>, vector<1x512xf32>
    tpu.vector_store %arg3[%swap3A_37, %swap3A_38], %add3A_33 {strides = array<i32>} : memref<24x512xf32, #tpu.memory_space<vmem>>, vector<1x512xf32>,
    %swap3A_40 = arith.constant 2 : index
    %swap3A_41 = arith.constant 0 : index
    %swap3A_42 = vector.load %arg3[%swap3A_40, %swap3A_41] : memref<24x512xf32, #tpu.memory_space<vmem>>, vector<1x512xf32>
    tpu.vector_store %arg3[%swap3A_40, %swap3A_41], %add3A_34 {strides = array<i32>} : memref<24x512xf32, #tpu.memory_space<vmem>>, vector<1x512xf32>,
    %mul3A_43 = arith.constant 5.000000e-01 : f32
    %mul3A_44 = vector.broadcast %mul3A_43 : f32 to vector<1x512xf32>
    %mul3A_45 = arith.mulf %get3A_16, %mul3A_44 : vector<1x512xf32>
    %mul3A_46 = arith.constant 5.000000e-01 : f32
    %mul3A_47 = vector.broadcast %mul3A_46 : f32 to vector<1x512xf32>
    %mul3A_48 = arith.mulf %get3A_13, %mul3A_47 : vector<1x512xf32>
    %mul3A_49 = arith.constant -5.000000e-01 : f32
    %mul3A_50 = vector.broadcast %mul3A_49 : f32 to vector<1x512xf32>
    %mul3A_51 = arith.mulf %get3A_10, %mul3A_50 : vector<1x512xf32>
    %mul3A_52 = arith.mulf %mul3A_45, %cos3A : vector<1x512xf32>
    %mul3A_53 = arith.mulf %mul3A_48, %sin3A : vector<1x512xf32>
    %sub3A_54 = arith.subf %mul3A_52, %mul3A_53 : vector<1x512xf32>
    %add3A_55 = arith.addf %sub3A_54, %get3A_1 : vector<1x512xf32>
    %mul3A_56 = arith.mulf %mul3A_45, %sin3A : vector<1x512xf32>
    %mul3A_57 = arith.mulf %mul3A_48, %cos3A : vector<1x512xf32>
    %add3A_58 = arith.addf %mul3A_56, %mul3A_57 : vector<1x512xf32>
    %add3A_59 = arith.addf %add3A_58, %get3A_4 : vector<1x512xf32>
    %add3A_60 = arith.addf %mul3A_51, %get3A_7 : vector<1x512xf32>
    %swap3A_61 = arith.constant 3 : index
    %swap3A_62 = arith.constant 0 : index
    %swap3A_63 = vector.load %arg3[%swap3A_61, %swap3A_62] : memref<24x512xf32, #tpu.memory_space<vmem>>, vector<1x512xf32>
    tpu.vector_store %arg3[%swap3A_61, %swap3A_62], %add3A_55 {strides = array<i32>} : memref<24x512xf32, #tpu.memory_space<vmem>>, vector<1x512xf32>,
    %swap3A_64 = arith.constant 4 : index
    %swap3A_65 = arith.constant 0 : index
    %swap3A_66 = vector.load %arg3[%swap3A_64, %swap3A_65] : memref<24x512xf32, #tpu.memory_space<vmem>>, vector<1x512xf32>
    tpu.vector_store %arg3[%swap3A_64, %swap3A_65], %add3A_59 {strides = array<i32>} : memref<24x512xf32, #tpu.memory_space<vmem>>, vector<1x512xf32>,
    %swap3A_67 = arith.constant 5 : index
    %swap3A_68 = arith.constant 0 : index
    %swap3A_69 = vector.load %arg3[%swap3A_67, %swap3A_68] : memref<24x512xf32, #tpu.memory_space<vmem>>, vector<1x512xf32>
    tpu.vector_store %arg3[%swap3A_67, %swap3A_68], %add3A_60 {strides = array<i32>} : memref<24x512xf32, #tpu.memory_space<vmem>>, vector<1x512xf32>,
    %mul3A_70 = arith.constant -5.000000e-01 : f32
    %mul3A_71 = vector.broadcast %mul3A_70 : f32 to vector<1x512xf32>
    %mul3A_72 = arith.mulf %get3A_16, %mul3A_71 : vector<1x512xf32>
    %mul3A_73 = arith.constant 5.000000e-01 : f32
    %mul3A_74 = vector.broadcast %mul3A_73 : f32 to vector<1x512xf32>
    %mul3A_75 = arith.mulf %get3A_13, %mul3A_74 : vector<1x512xf32>
    %mul3A_76 = arith.constant -5.000000e-01 : f32
    %mul3A_77 = vector.broadcast %mul3A_76 : f32 to vector<1x512xf32>
    %mul3A_78 = arith.mulf %get3A_10, %mul3A_77 : vector<1x512xf32>
    %mul3A_79 = arith.mulf %mul3A_72, %cos3A : vector<1x512xf32>
    %mul3A_80 = arith.mulf %mul3A_75, %sin3A : vector<1x512xf32>
    %sub3A_81 = arith.subf %mul3A_79, %mul3A_80 : vector<1x512xf32>
    %add3A_82 = arith.addf %sub3A_81, %get3A_1 : vector<1x512xf32>
    %mul3A_83 = arith.mulf %mul3A_72, %sin3A : vector<1x512xf32>
    %mul3A_84 = arith.mulf %mul3A_75, %cos3A : vector<1x512xf32>
    %add3A_85 = arith.addf %mul3A_83, %mul3A_84 : vector<1x512xf32>
    %add3A_86 = arith.addf %add3A_85, %get3A_4 : vector<1x512xf32>
    %add3A_87 = arith.addf %mul3A_78, %get3A_7 : vector<1x512xf32>
    %swap3A_88 = arith.constant 6 : index
    %swap3A_89 = arith.constant 0 : index
    %swap3A_90 = vector.load %arg3[%swap3A_88, %swap3A_89] : memref<24x512xf32, #tpu.memory_space<vmem>>, vector<1x512xf32>
    tpu.vector_store %arg3[%swap3A_88, %swap3A_89], %add3A_82 {strides = array<i32>} : memref<24x512xf32, #tpu.memory_space<vmem>>, vector<1x512xf32>,
    %swap3A_91 = arith.constant 7 : index
    %swap3A_92 = arith.constant 0 : index
    %swap3A_93 = vector.load %arg3[%swap3A_91, %swap3A_92] : memref<24x512xf32, #tpu.memory_space<vmem>>, vector<1x512xf32>
    tpu.vector_store %arg3[%swap3A_91, %swap3A_92], %add3A_86 {strides = array<i32>} : memref<24x512xf32, #tpu.memory_space<vmem>>, vector<1x512xf32>,
    %swap3A_94 = arith.constant 8 : index
    %swap3A_95 = arith.constant 0 : index
    %swap3A_96 = vector.load %arg3[%swap3A_94, %swap3A_95] : memref<24x512xf32, #tpu.memory_space<vmem>>, vector<1x512xf32>
    tpu.vector_store %arg3[%swap3A_94, %swap3A_95], %add3A_87 {strides = array<i32>} : memref<24x512xf32, #tpu.memory_space<vmem>>, vector<1x512xf32>,
    %mul3A_97 = arith.constant -5.000000e-01 : f32
    %mul3A_98 = vector.broadcast %mul3A_97 : f32 to vector<1x512xf32>
    %mul3A_99 = arith.mulf %get3A_16, %mul3A_98 : vector<1x512xf32>
    %mul3A_100 = arith.constant -5.000000e-01 : f32
    %mul3A_101 = vector.broadcast %mul3A_100 : f32 to vector<1x512xf32>
    %mul3A_102 = arith.mulf %get3A_13, %mul3A_101 : vector<1x512xf32>
    %mul3A_103 = arith.constant -5.000000e-01 : f32
    %mul3A_104 = vector.broadcast %mul3A_103 : f32 to vector<1x512xf32>
    %mul3A_105 = arith.mulf %get3A_10, %mul3A_104 : vector<1x512xf32>
    %mul3A_106 = arith.mulf %mul3A_99, %cos3A : vector<1x512xf32>
    %mul3A_107 = arith.mulf %mul3A_102, %sin3A : vector<1x512xf32>
    %sub3A_108 = arith.subf %mul3A_106, %mul3A_107 : vector<1x512xf32>
    %add3A_109 = arith.addf %sub3A_108, %get3A_1 : vector<1x512xf32>
    %mul3A_110 = arith.mulf %mul3A_99, %sin3A : vector<1x512xf32>
    %mul3A_111 = arith.mulf %mul3A_102, %cos3A : vector<1x512xf32>
    %add3A_112 = arith.addf %mul3A_110, %mul3A_111 : vector<1x512xf32>
    %add3A_113 = arith.addf %add3A_112, %get3A_4 : vector<1x512xf32>
    %add3A_114 = arith.addf %mul3A_105, %get3A_7 : vector<1x512xf32>
    %swap3A_115 = arith.constant 9 : index
    %swap3A_116 = arith.constant 0 : index
    %swap3A_117 = vector.load %arg3[%swap3A_115, %swap3A_116] : memref<24x512xf32, #tpu.memory_space<vmem>>, vector<1x512xf32>
    tpu.vector_store %arg3[%swap3A_115, %swap3A_116], %add3A_109 {strides = array<i32>} : memref<24x512xf32, #tpu.memory_space<vmem>>, vector<1x512xf32>,
    %swap3A_118 = arith.constant 10 : index
    %swap3A_119 = arith.constant 0 : index
    %swap3A_120 = vector.load %arg3[%swap3A_118, %swap3A_119] : memref<24x512xf32, #tpu.memory_space<vmem>>, vector<1x512xf32>
    tpu.vector_store %arg3[%swap3A_118, %swap3A_119], %add3A_113 {strides = array<i32>} : memref<24x512xf32, #tpu.memory_space<vmem>>, vector<1x512xf32>,
    %swap3A_121 = arith.constant 11 : index
    %swap3A_122 = arith.constant 0 : index
    %swap3A_123 = vector.load %arg3[%swap3A_121, %swap3A_122] : memref<24x512xf32, #tpu.memory_space<vmem>>, vector<1x512xf32>
    tpu.vector_store %arg3[%swap3A_121, %swap3A_122], %add3A_114 {strides = array<i32>} : memref<24x512xf32, #tpu.memory_space<vmem>>, vector<1x512xf32>,
    %mul3A_124 = arith.constant 5.000000e-01 : f32
    %mul3A_125 = vector.broadcast %mul3A_124 : f32 to vector<1x512xf32>
    %mul3A_126 = arith.mulf %get3A_16, %mul3A_125 : vector<1x512xf32>
    %mul3A_127 = arith.constant -5.000000e-01 : f32
    %mul3A_128 = vector.broadcast %mul3A_127 : f32 to vector<1x512xf32>
    %mul3A_129 = arith.mulf %get3A_13, %mul3A_128 : vector<1x512xf32>
    %mul3A_130 = arith.constant 5.000000e-01 : f32
    %mul3A_131 = vector.broadcast %mul3A_130 : f32 to vector<1x512xf32>
    %mul3A_132 = arith.mulf %get3A_10, %mul3A_131 : vector<1x512xf32>
    %mul3A_133 = arith.mulf %mul3A_126, %cos3A : vector<1x512xf32>
    %mul3A_134 = arith.mulf %mul3A_129, %sin3A : vector<1x512xf32>
    %sub3A_135 = arith.subf %mul3A_133, %mul3A_134 : vector<1x512xf32>
    %add3A_136 = arith.addf %sub3A_135, %get3A_1 : vector<1x512xf32>
    %mul3A_137 = arith.mulf %mul3A_126, %sin3A : vector<1x512xf32>
    %mul3A_138 = arith.mulf %mul3A_129, %cos3A : vector<1x512xf32>
    %add3A_139 = arith.addf %mul3A_137, %mul3A_138 : vector<1x512xf32>
    %add3A_140 = arith.addf %add3A_139, %get3A_4 : vector<1x512xf32>
    %add3A_141 = arith.addf %mul3A_132, %get3A_7 : vector<1x512xf32>
    %swap3A_142 = arith.constant 12 : index
    %swap3A_143 = arith.constant 0 : index
    %swap3A_144 = vector.load %arg3[%swap3A_142, %swap3A_143] : memref<24x512xf32, #tpu.memory_space<vmem>>, vector<1x512xf32>
    tpu.vector_store %arg3[%swap3A_142, %swap3A_143], %add3A_136 {strides = array<i32>} : memref<24x512xf32, #tpu.memory_space<vmem>>, vector<1x512xf32>,
    %swap3A_145 = arith.constant 13 : index
    %swap3A_146 = arith.constant 0 : index
    %swap3A_147 = vector.load %arg3[%swap3A_145, %swap3A_146] : memref<24x512xf32, #tpu.memory_space<vmem>>, vector<1x512xf32>
    tpu.vector_store %arg3[%swap3A_145, %swap3A_146], %add3A_140 {strides = array<i32>} : memref<24x512xf32, #tpu.memory_space<vmem>>, vector<1x512xf32>,
    %swap3A_148 = arith.constant 14 : index
    %swap3A_149 = arith.constant 0 : index
    %swap3A_150 = vector.load %arg3[%swap3A_148, %swap3A_149] : memref<24x512xf32, #tpu.memory_space<vmem>>, vector<1x512xf32>
    tpu.vector_store %arg3[%swap3A_148, %swap3A_149], %add3A_141 {strides = array<i32>} : memref<24x512xf32, #tpu.memory_space<vmem>>, vector<1x512xf32>,
    %mul3A_151 = arith.constant 5.000000e-01 : f32
    %mul3A_152 = vector.broadcast %mul3A_151 : f32 to vector<1x512xf32>
    %mul3A_153 = arith.mulf %get3A_16, %mul3A_152 : vector<1x512xf32>
    %mul3A_154 = arith.constant 5.000000e-01 : f32
    %mul3A_155 = vector.broadcast %mul3A_154 : f32 to vector<1x512xf32>
    %mul3A_156 = arith.mulf %get3A_13, %mul3A_155 : vector<1x512xf32>
    %mul3A_157 = arith.constant 5.000000e-01 : f32
    %mul3A_158 = vector.broadcast %mul3A_157 : f32 to vector<1x512xf32>
    %mul3A_159 = arith.mulf %get3A_10, %mul3A_158 : vector<1x512xf32>
    %mul3A_160 = arith.mulf %mul3A_153, %cos3A : vector<1x512xf32>
    %mul3A_161 = arith.mulf %mul3A_156, %sin3A : vector<1x512xf32>
    %sub3A_162 = arith.subf %mul3A_160, %mul3A_161 : vector<1x512xf32>
    %add3A_163 = arith.addf %sub3A_162, %get3A_1 : vector<1x512xf32>
    %mul3A_164 = arith.mulf %mul3A_153, %sin3A : vector<1x512xf32>
    %mul3A_165 = arith.mulf %mul3A_156, %cos3A : vector<1x512xf32>
    %add3A_166 = arith.addf %mul3A_164, %mul3A_165 : vector<1x512xf32>
    %add3A_167 = arith.addf %add3A_166, %get3A_4 : vector<1x512xf32>
    %add3A_168 = arith.addf %mul3A_159, %get3A_7 : vector<1x512xf32>
    %swap3A_169 = arith.constant 15 : index
    %swap3A_170 = arith.constant 0 : index
    %swap3A_171 = vector.load %arg3[%swap3A_169, %swap3A_170] : memref<24x512xf32, #tpu.memory_space<vmem>>, vector<1x512xf32>
    tpu.vector_store %arg3[%swap3A_169, %swap3A_170], %add3A_163 {strides = array<i32>} : memref<24x512xf32, #tpu.memory_space<vmem>>, vector<1x512xf32>,
    %swap3A_172 = arith.constant 16 : index
    %swap3A_173 = arith.constant 0 : index
    %swap3A_174 = vector.load %arg3[%swap3A_172, %swap3A_173] : memref<24x512xf32, #tpu.memory_space<vmem>>, vector<1x512xf32>
    tpu.vector_store %arg3[%swap3A_172, %swap3A_173], %add3A_167 {strides = array<i32>} : memref<24x512xf32, #tpu.memory_space<vmem>>, vector<1x512xf32>,
    %swap3A_175 = arith.constant 17 : index
    %swap3A_176 = arith.constant 0 : index
    %swap3A_177 = vector.load %arg3[%swap3A_175, %swap3A_176] : memref<24x512xf32, #tpu.memory_space<vmem>>, vector<1x512xf32>
    tpu.vector_store %arg3[%swap3A_175, %swap3A_176], %add3A_168 {strides = array<i32>} : memref<24x512xf32, #tpu.memory_space<vmem>>, vector<1x512xf32>,
    %mul3A_178 = arith.constant -5.000000e-01 : f32
    %mul3A_179 = vector.broadcast %mul3A_178 : f32 to vector<1x512xf32>
    %mul3A_180 = arith.mulf %get3A_16, %mul3A_179 : vector<1x512xf32>
    %mul3A_181 = arith.constant 5.000000e-01 : f32
    %mul3A_182 = vector.broadcast %mul3A_181 : f32 to vector<1x512xf32>
    %mul3A_183 = arith.mulf %get3A_13, %mul3A_182 : vector<1x512xf32>
    %mul3A_184 = arith.constant 5.000000e-01 : f32
    %mul3A_185 = vector.broadcast %mul3A_184 : f32 to vector<1x512xf32>
    %mul3A_186 = arith.mulf %get3A_10, %mul3A_185 : vector<1x512xf32>
    %mul3A_187 = arith.mulf %mul3A_180, %cos3A : vector<1x512xf32>
    %mul3A_188 = arith.mulf %mul3A_183, %sin3A : vector<1x512xf32>
    %sub3A_189 = arith.subf %mul3A_187, %mul3A_188 : vector<1x512xf32>
    %add3A_190 = arith.addf %sub3A_189, %get3A_1 : vector<1x512xf32>
    %mul3A_191 = arith.mulf %mul3A_180, %sin3A : vector<1x512xf32>
    %mul3A_192 = arith.mulf %mul3A_183, %cos3A : vector<1x512xf32>
    %add3A_193 = arith.addf %mul3A_191, %mul3A_192 : vector<1x512xf32>
    %add3A_194 = arith.addf %add3A_193, %get3A_4 : vector<1x512xf32>
    %add3A_195 = arith.addf %mul3A_186, %get3A_7 : vector<1x512xf32>
    %swap3A_196 = arith.constant 18 : index
    %swap3A_197 = arith.constant 0 : index
    %swap3A_198 = vector.load %arg3[%swap3A_196, %swap3A_197] : memref<24x512xf32, #tpu.memory_space<vmem>>, vector<1x512xf32>
    tpu.vector_store %arg3[%swap3A_196, %swap3A_197], %add3A_190 {strides = array<i32>} : memref<24x512xf32, #tpu.memory_space<vmem>>, vector<1x512xf32>,
    %swap3A_199 = arith.constant 19 : index
    %swap3A_200 = arith.constant 0 : index
    %swap3A_201 = vector.load %arg3[%swap3A_199, %swap3A_200] : memref<24x512xf32, #tpu.memory_space<vmem>>, vector<1x512xf32>
    tpu.vector_store %arg3[%swap3A_199, %swap3A_200], %add3A_194 {strides = array<i32>} : memref<24x512xf32, #tpu.memory_space<vmem>>, vector<1x512xf32>,
    %swap3A_202 = arith.constant 20 : index
    %swap3A_203 = arith.constant 0 : index
    %swap3A_204 = vector.load %arg3[%swap3A_202, %swap3A_203] : memref<24x512xf32, #tpu.memory_space<vmem>>, vector<1x512xf32>
    tpu.vector_store %arg3[%swap3A_202, %swap3A_203], %add3A_195 {strides = array<i32>} : memref<24x512xf32, #tpu.memory_space<vmem>>, vector<1x512xf32>,
    %mul3A_205 = arith.constant -5.000000e-01 : f32
    %mul3A_206 = vector.broadcast %mul3A_205 : f32 to vector<1x512xf32>
    %mul3A_207 = arith.mulf %get3A_16, %mul3A_206 : vector<1x512xf32>
    %mul3A_208 = arith.constant -5.000000e-01 : f32
    %mul3A_209 = vector.broadcast %mul3A_208 : f32 to vector<1x512xf32>
    %mul3A_210 = arith.mulf %get3A_13, %mul3A_209 : vector<1x512xf32>
    %mul3A_211 = arith.constant 5.000000e-01 : f32
    %mul3A_212 = vector.broadcast %mul3A_211 : f32 to vector<1x512xf32>
    %mul3A_213 = arith.mulf %get3A_10, %mul3A_212 : vector<1x512xf32>
    %mul3A_214 = arith.mulf %mul3A_207, %cos3A : vector<1x512xf32>
    %mul3A_215 = arith.mulf %mul3A_210, %sin3A : vector<1x512xf32>
    %sub3A_216 = arith.subf %mul3A_214, %mul3A_215 : vector<1x512xf32>
    %add3A_217 = arith.addf %sub3A_216, %get3A_1 : vector<1x512xf32>
    %mul3A_218 = arith.mulf %mul3A_207, %sin3A : vector<1x512xf32>
    %mul3A_219 = arith.mulf %mul3A_210, %cos3A : vector<1x512xf32>
    %add3A_220 = arith.addf %mul3A_218, %mul3A_219 : vector<1x512xf32>
    %add3A_221 = arith.addf %add3A_220, %get3A_4 : vector<1x512xf32>
    %add3A_222 = arith.addf %mul3A_213, %get3A_7 : vector<1x512xf32>
    %swap3A_223 = arith.constant 21 : index
    %swap3A_224 = arith.constant 0 : index
    %swap3A_225 = vector.load %arg3[%swap3A_223, %swap3A_224] : memref<24x512xf32, #tpu.memory_space<vmem>>, vector<1x512xf32>
    tpu.vector_store %arg3[%swap3A_223, %swap3A_224], %add3A_217 {strides = array<i32>} : memref<24x512xf32, #tpu.memory_space<vmem>>, vector<1x512xf32>,
    %swap3A_226 = arith.constant 22 : index
    %swap3A_227 = arith.constant 0 : index
    %swap3A_228 = vector.load %arg3[%swap3A_226, %swap3A_227] : memref<24x512xf32, #tpu.memory_space<vmem>>, vector<1x512xf32>
    tpu.vector_store %arg3[%swap3A_226, %swap3A_227], %add3A_221 {strides = array<i32>} : memref<24x512xf32, #tpu.memory_space<vmem>>, vector<1x512xf32>,
    %swap3A_229 = arith.constant 23 : index
    %swap3A_230 = arith.constant 0 : index
    %swap3A_231 = vector.load %arg3[%swap3A_229, %swap3A_230] : memref<24x512xf32, #tpu.memory_space<vmem>>, vector<1x512xf32>
    tpu.vector_store %arg3[%swap3A_229, %swap3A_230], %add3A_222 {strides = array<i32>} : memref<24x512xf32, #tpu.memory_space<vmem>>, vector<1x512xf32>,
    return
  }
}

</mosaic_0001>

<sc_bundles>
// kernel: kernel.5.cloned.1.call-start
scs
__scs_entry_jumppad:
0x0: {  	(pc) =	sbr.rel $0x88, $3  }
0x1: {  	(tag) =	ssettag $0x0;
	lr =	simm.s32 $0x1  }
0x2: {  	[smem:$0x3F9E] =	sst lr;
	_ =	strace $0xD0000000  }
0x3: {  	_ = 	snop  }
0x4: {  	_ = 	snop  }
0x5: {  	_ = 	snop  }
0x6: {  	_ = 	snop  }
0x7: {  	_ = 	snop  }
__scs_overlays_trampoline_lowered:
0x8: {  	[smem:$0x3FAD] =	sst s0  }
0x9: {  	[smem:$0x3FAE] =	sst s1  }
0xa: {  	[smem:$0x3FAF] =	sst s2  }
0xb: {  	[smem:$0x3FB0] =	sst s3  }
0xc: {  	[smem:$0x3FB1] =	sst s4  }
0xd: {  	[smem:$0x3FB2] =	sst s5  }
0xe: {  	[smem:$0x3FB3] =	sst s6  }
0xf: {  	[smem:$0x3FB4] =	sst s7  }
0x10: {  	[smem:$0x3FB5] =	sst s8  }
0x11: {  	[smem:$0x3FB6] =	sst s9;
	s0 =	simm.s32 @!p0 $0x0  }
0x12: {  	s1 =	sld [smem:$0x3F9C];
	s0 =	simm.s32 @p0 $0x1  }
0x13: {  	[smem:$0x3FB7] =	sst s0;
	s0 =	simm.s32 @!p1 $0x0  }
0x14: {  	s2 =	sld [smem:$0x3F9B];
	s0 =	simm.s32 @p1 $0x1  }
0x15: {  	[smem:$0x3FB8] =	sst s0;
	s0 =	simm.s32 @!p2 $0x0  }
0x16: {  	s3 =	sld [smem:$0x3FDB];
	s0 =	simm.s32 @p2 $0x1  }
0x17: {  	s4 =	simm.s32 $0x1BF5;
	[smem:$0x3FBA] =	sst s0  }
0x18: {  	s0 =	sld [smem:$0x3F9D];
	_ =	swait.ge [sflag:s4], $0x0  }
0x19: {  	s7 =	sld [smem:$0x3F9E]  }
0x1a: {  	s8 =	sadd.s32 $0xFFFFE003, lr  }
0x1b: {  	s9 =	sadd.s32 $0xFFFFFEF7, lr;
	s5 =	simm.s32 $0xFFFFFFFF;
	p2 =	slt.u32 s8, $0xFFFFF086  }
0x1c: {  	p1 =	slt.u32 s9, $0xF7A;
	s5 =	simm.s32 @!p2 $0x0  }
0x1d: {  	s5 =	simm.s32 @p1 $0x1;
	p0 =	seq.s32 s7, s2  }
0x1e: {  	s7 =	smul.u32 @!p0 $0xF7A, s2;
	p2 =	seq.s32 @!p0 s5, $0x0  }
0x1f: {  	s9 =	smul.u32 $0xF7A, s1;
	s8 =	simm.s32 @!p0 $0x1BF5;
	p2 =	por !p2, p0  }
0x20: {  	[sflag:s8] =	ssyncset.s32 @!p0 $0xFFFFF086;
	s6 =	sadd.s32 @!p0 s3, s7;
	s7 =	simm.s32 @!p0 $0x108  }
0x21: {  	s3 =	sadd.s32 s3, s9;
	s6 =	sadd.s32 @!p0 $0x88, s6;
	s7 =	simm.s32 @p2 $0x1082  }
0x22: {  	[simem:s7], [sflag:s8] =	dma.local @!p0 [hbm:s6], $0xF7A  }
0x23: {  	s9 =	sor.u32 $0xD0000000, s2;
	s6 =	simm.s32 $0x108;
	_ =	swait.ge @!p0 [sflag:s8], $0x0  }
0x24: {  	s3 =	sadd.s32 $0x88, s3;
	s6 =	simm.s32 @!p1 $0x1082;
	[sflag:s4] =	ssyncset.s32 $0xFFFFF086  }
0x25: {  	[simem:s6], [sflag:s4] =	dma.local [hbm:s3], $0xF7A  }
0x26: {  	[smem:$0x3F9E] =	sst s1;
	(tag) =	ssettag s2;
	_ =	strace s9  }
0x27: {  	s1 =	sld [smem:$0x3FAE]  }
0x28: {  	s2 =	sld [smem:$0x3FAF]  }
0x29: {  	s4 =	sld [smem:$0x3FB1]  }
0x2a: {  	p0 =	seq.s32 s5, $0x0;
	s5 =	sld [smem:$0x3FB2]  }
0x2b: {  	s6 =	sld [smem:$0x3FB3]  }
0x2c: {  	s7 =	sld [smem:$0x3FB4]  }
0x2d: {  	s3 =	simm.s32 $0x108;
	s8 =	sld [smem:$0x3FB5]  }
0x2e: {  	s3 =	simm.s32 @!p0 $0x1082;
	s9 =	sld [smem:$0x3FB6]  }
0x2f: {  	lr =	sadd.s32 s0, s3;
	s0 =	sld [smem:$0x3FAD]  }
0x30: {  	s3 =	sld [smem:$0x3FB0]  }
0x31: {  	[smem:$0x3FB9] =	sst s10  }
0x32: {  	s10 =	sld [smem:$0x3FB7];
	_ =	sdelay $0x3  }
0x33: {  	p0 =	seq.s32 s10, $0x1;
	s10 =	sld [smem:$0x3FB9];
	_ =	sdelay $0x3  }
0x34: {  	[smem:$0x3FB9] =	sst s10  }
0x35: {  	s10 =	sld [smem:$0x3FB8];
	_ =	sdelay $0x3  }
0x36: {  	p1 =	seq.s32 s10, $0x1;
	s10 =	sld [smem:$0x3FB9];
	_ =	sdelay $0x3  }
0x37: {  	[smem:$0x3FB9] =	sst s10  }
0x38: {  	s10 =	sld [smem:$0x3FBA]  }
0x39: {  	_ = 	snop;
	(pc) =	sbr.ind lr, $3  }
0x3a: {  	_ = 	snop  }
0x3b: {  	_ = 	snop  }
0x3c: {  	p2 =	seq.s32 s10, $0x1;
	s10 =	sld [smem:$0x3FB9]  }
0x3d: {  	_ =	shalt  }
0x3e: {  	_ =	shalt  }
0x3f: {  	_ =	shalt  }
0x40: {  	_ =	shalt  }
0x41: {  	_ =	shalt  }
0x42: {  	_ =	shalt  }
0x43: {  	_ =	shalt  }
0x44: {  	_ =	shalt  }
0x45: {  	_ =	shalt  }
0x46: {  	_ =	shalt  }
0x47: {  	_ =	shalt  }
0x48: {  	_ =	shalt  }
0x49: {  	_ =	shalt  }
0x4a: {  	_ =	shalt  }
0x4b: {  	_ =	shalt  }
0x4c: {  	_ =	shalt  }
0x4d: {  	_ =	shalt  }
0x4e: {  	_ =	shalt  }
0x4f: {  	_ =	shalt  }
0x50: {  	_ =	shalt  }
0x51: {  	_ =	shalt  }
0x52: {  	_ =	shalt  }
0x53: {  	_ =	shalt  }
0x54: {  	_ =	shalt  }
0x55: {  	_ =	shalt  }
0x56: {  	_ =	shalt  }
0x57: {  	_ =	shalt  }
0x58: {  	_ =	shalt  }
0x59: {  	_ =	shalt  }
0x5a: {  	_ =	shalt  }
0x5b: {  	_ =	shalt  }
0x5c: {  	_ =	shalt  }
0x5d: {  	_ =	shalt  }
0x5e: {  	_ =	shalt  }
0x5f: {  	_ =	shalt  }
0x60: {  	_ =	shalt  }
0x61: {  	_ =	shalt  }
0x62: {  	_ =	shalt  }
0x63: {  	_ =	shalt  }
0x64: {  	_ =	shalt  }
0x65: {  	_ =	shalt  }
0x66: {  	_ =	shalt  }
0x67: {  	_ =	shalt  }
0x68: {  	_ =	shalt  }
0x69: {  	_ =	shalt  }
0x6a: {  	_ =	shalt  }
0x6b: {  	_ =	shalt  }
0x6c: {  	_ =	shalt  }
0x6d: {  	_ =	shalt  }
0x6e: {  	_ =	shalt  }
0x6f: {  	_ =	shalt  }
0x70: {  	_ =	shalt  }
0x71: {  	_ =	shalt  }
0x72: {  	_ =	shalt  }
0x73: {  	_ =	shalt  }
0x74: {  	_ =	shalt  }
0x75: {  	_ =	shalt  }
0x76: {  	_ =	shalt  }
0x77: {  	_ =	shalt  }
0x78: {  	_ =	shalt  }
0x79: {  	_ =	shalt  }
0x7a: {  	_ =	shalt  }
0x7b: {  	_ =	shalt  }
0x7c: {  	_ =	shalt  }
0x7d: {  	_ =	shalt  }
0x7e: {  	_ =	shalt  }
0x7f: {  	_ =	shalt  }
0x80: {  	_ =	shalt  }
0x81: {  	_ =	shalt  }
0x82: {  	_ =	shalt  }
0x83: {  	_ =	shalt  }
0x84: {  	_ =	shalt  }
0x85: {  	_ =	shalt  }
0x86: {  	_ =	shalt  }
0x87: {  	_ =	shalt  }
.Lfunc_end0:
.L_simem_size_0:
called_computation_lowered:
.L_overlay_start_0:
0x88: {  	s2 =	sld [smem:$0x3FD9]  }
0x89: {  	s3 =	sld [smem:$0x3FFE];
	_ =	sdelay $0x1  }
0x8a: {  	s1 =	srdreg.scid  }
0x8b: {  	s0 =	sand.u32 $0x1, s1  }
0x8c: {  	s14 =	sshll.u32 s0, $0xA;
	s2 =	sadd.s32 s3, s2  }
0x8d: {  	s2 =	sadd.s32 s2, s14  }
0x8e: {  	[smem:$0x3FC5] =	sst s2  }
0x8f: {  	_ = 	snop  }
0x90: {  	s2 =	sld [smem:$0x3FD0];
	_ =	sdelay $0x2  }
0x91: {  	s15 =	simm.s32 $0xA;
	s4 =	simm.s32 $0x10  }
0x92: {  	[smem:s4], [sflag:s15] =	dma.local [hbm:s2], $0x1  }
0x93: {  	_ =	swait.eq [sflag:s15], $0x1  }
0x94: {  	[sflag:s15] =	ssyncset.done $0x0  }
0x95: {  	s16 =	sld [smem:$0x10];
	[sflag:s15] =	ssyncadd.s32 $0xFFFFFFFF  }
0x96: {  	s17 =	sld [smem:$0x11];
	(tm) =	ssettm $0x1  }
0x97: {  	s18 =	sld [smem:$0x3FFB];
	_ =	sdelay $0x3  }
0x98: {  	_ =	strace s18  }
0x99: {  	s4 =	sld [smem:$0x3FFC];
	_ =	sdelay $0x3  }
0x9a: {  	_ =	strace s4  }
0x9b: {  	s4 =	sld [smem:$0x3FFD];
	_ =	sdelay $0x3  }
0x9c: {  	_ =	strace s4  }
0x9d: {  	_ =	strace $0x8FFFFFFF  }
0x9e: {  	s19 =	sld [smem:$0x3FDB];
	_ =	sdelay $0x1  }
0x9f: {  	s5 =	simm.s32 $_scs_section_size  }
0xa0: {  	s6 =	simm.s32 $_size__tile_overlayer_lowered;
	s7 =	simm.s32 $_tile_overlayer_lowered  }
0xa1: {  	s22 =	simm.s32 $0x1BFF;
	s21 =	sshll.u32 s7, $0x1;
	s4 =	sadd.s32 s5, s19  }
0xa2: {  	s8 =	simm.s32 $0x0;
	s20 =	sshll.u32 s6, $0x1;
	s6 =	sadd.s32 s21, s4  }
0xa3: {  	[timem:s8], [sflag:s22] =	dma.local [hbm:s6], s20  }
0xa4: {  	_ =	swait.ge [sflag:s22], s20  }
0xa5: {  	s5 =	ssub.s32 $0x0, s20;
	[sflag:s22] =	ssyncset.done $0x0  }
0xa6: {  	[sflag:s22] =	ssyncadd.s32 s5;
	_ =	sdelay $0x1  }
0xa7: {  	s23 =	simm.s32 $0x1B8B  }
0xa8: {  	_ =	swait.ge [sflag:s23], $0x1  }
0xa9: {  	[sflag:s23] =	ssyncset.done $0x0  }
0xaa: {  	s25 =	simm.s32 $0x1B8E;
	s24 =	sld [smem:$0x3FFE];
	[sflag:s23] =	ssyncadd.s32 $0xFFFFFFFF  }
0xab: {  	s26 =	simm.s32 $execute0_lowered;
	[smem:$0x3FD2] =	sst s25  }
0xac: {  	s6 =	sshll.u32 s26, $0x1;
	_ =	strace $0x80000046;
	[dreg:$0x1] =	wrdreg $0xFFFFFFFF  }
0xad: {  	s28 =	simm.s32 $_size_execute0_lowered;
	s4 =	sadd.s32 s4, s6;
	[dreg:$0x0] =	wrdreg $0x0  }
0xae: {  	s6 =	sshll.u32 s28, $0x1;
	[dreg:$0x2] =	wrdreg s4  }
0xaf: {  	[dreg:$0x3] =	wrdreg s6  }
0xb0: {  	[dreg:$0x4] =	wrdreg $0xC0  }
0xb1: {  	_ =	task [dreg:s8], $0x5FFFF  }
0xb2: {  	[dreg:$0x1] =	wrdreg $0xFFFFFFFF  }
0xb3: {  	[dreg:$0x0] =	wrdreg $0x60  }
0xb4: {  	[dreg:$0x2] =	wrdreg s24  }
0xb5: {  	[dreg:$0x3] =	wrdreg s16  }
0xb6: {  	[dreg:$0x4] =	wrdreg s17  }
0xb7: {  	[dreg:$0x5] =	wrdreg $0x114800  }
0xb8: {  	[dreg:$0x6] =	wrdreg $0x1A7800  }
0xb9: {  	[dreg:$0x7] =	wrdreg $0x9  }
0xba: {  	_ =	task.clear_ibuf [dreg:s8], $0x8FFFF;
	_ =	strace $0x90000046  }
0xbb: {  	s29 =	simm.s32 $0x9;
	_ =	strace $0x80000048  }
0xbc: {  	_ =	swait.ge [sflag:s29], $0x1  }
0xbd: {  	[sflag:s29] =	ssyncadd.s32 $0xFFFFFFFF  }
0xbe: {  	_ =	strace $0x90000048  }
0xbf: {  	_ =	sfence  }
0xc0: {  	s30 =	sld [smem:$0x0];
	_ =	sdelay $0x2  }
0xc1: {  	s31 =	sshll.u32 s1, $0xD;
	s1 =	sshrl.u32 s1, $0x2  }
0xc2: {  	s3 =	sand.u32 $0x4000, s31;
	s1 =	sadd.s32 s1, s30  }
0xc3: {  	s0 =	sor.u32 s3, s0;
	s1 =	sshll.u32 s1, $0x11  }
0xc4: {  	s0 =	sor.u32 s1, s0  }
0xc5: {  	s0 =	sadd.s32 $0x8F2B, s0  }
0xc6: {  	[sflag:s0] =	ssyncadd.remote.s32 $0x1  }
0xc7: {  	_ =	sfence.sel $0xFFFF  }
0xc8: {  	[dreg:$0x0] =	wrdreg $0xFFFFFFFF;
	(pc) =	sbr.abs _section_cstart, $3  }
0xc9: {  	[dreg:$0x1] =	wrdreg $0xFFFFFFFF  }
0xca: {  	_ =	task.clear_ibuf [dreg:s8], $0x2FFFF;
	_ =	strace $0x9FFFFFFF  }
0xcb: {  	(tm) =	ssettm $0x7FFFFFFF  }
tec
execute0_lowered:
.L_overlay_start_1:
0x0: {  	(tag) =	ssettag $0x1  }
0x1: {  	s0 =	srdreg.scid  }
0x2: {  	s1 =	sand.u32 $0x1, s0  }
0x3: {  	s2 =	rddreg [dreg:$0x0];
	p0 =	seq.s32 s1, $0x1  }
.Ltmp0:
0x4: {  	s3 =	rddreg [dreg:$0x1];
	(pc) =	sbr.rel @p0 .LBB2_47-.Ltmp0, $4  }
0x5: {  	s11 =	rddreg [dreg:$0x2]  }
0x6: {  	s6 =	rddreg [dreg:$0x3]  }
0x7: {  	s8 =	rddreg [dreg:$0x4]  }
0x8: {  	s0 =	rddreg [dreg:$0x5];
	_ =	strace $0x80000047;
	s1 =	stileid.u32  }
0x9: {  	s14 =	sadd.s32 $0x3400, s2;
	s15 =	simm.s32 $0x0;
	s17 =	simm.s32 $0x10C00  }
0xa: {  	s13 =	sadd.s32 $0xB400, s2;
	s10 =	sadd.s32 $0x2C00, s2;
	s19 =	simm.s32 $0x2  }
0xb: {  	[tilespmem:s17], [sflag:$0x2] =	stream.linear.gather [hbm4b:s3+s15], $0x200, $0x38;
	[tilespmem:$0x1B880] =	vst v63  }
0xc: {  	s9 =	sadd.s32 $0x2A00, s2;
	s7 =	sadd.s32 $0x3000, s2;
	_ =	swait.ge [sflag:s19], $0x200  }
0xd: {  	s5 =	sadd.s32 $0x2E00, s2;
	s4 =	sadd.s32 $0x3200, s2;
	[sflag:s19] =	ssyncset.done $0x0  }
0xe: {  	s18 =	simm.s32 $0x10A00;
	s31 =	sshll.u32 s1, $0x9;
	[sflag:s19] =	ssyncadd.s32 $0xFFFFFE00  }
0xf: {  	[tilespmem:s18], [sflag:$0x2] =	stream.linear.gather [hbm4b:s11+s15], $0x200, $0x38;
	[tilespmem:$0x1B880] =	vst v63  }
0x10: {  	v0 =	vlaneseq.u32;
	s16 =	sshll.u32 s1, $0x5;
	s3 =	sadd.s32 $0x13600, s2;
	_ =	swait.ge [sflag:s19], $0x200  }
0x11: {  	s2 =	sadd.s32 $0x13400, s2;
	v1 =	vor.u32 $0x10, v0;
	s11 =	sshrl.u32 s31, $0x2;
	[sflag:s19] =	ssyncset.done $0x0  }
0x12: {  	v2 =	vimm.s32 $0x200;
	v0 =	vor.u32 s16, v0;
	v1 =	vor.u32 s16, v1;
	s12 =	sadd.s32 s11, s8;
	[sflag:s19] =	ssyncadd.s32 $0xFFFFFE00;
	s19 =	simm.s32 $0x0  }
.LBB2_2:
0x13: {  	p0 =	sne.s32 s19, $0x800  }
.Ltmp1:
0x14: {  	_ = 	snop;
	(pc) =	sbr.rel @p0 .LBB2_2-.Ltmp1, $4  }
0x15: {  	_ = 	snop  }
0x16: {  	s20 =	sshra.s32 s19, $0x2  }
0x17: {  	[tilespmem:s20+$0x10500] =	vst v2  }
0x18: {  	s19 =	sadd.s32 $0x40, s19;
	[tilespmem:s20+$0x10780] =	vst v2  }
0x19: {  	v3 =	vld [tilespmem:s17+$0x0];
	_ =	sdelay $0x1  }
0x1a: {  	v4 =	vld [tilespmem:s18+$0x0];
	_ =	sdelay $0x2  }
0x1b: {  	v2 =	vimm.s32 $0x0;
	vm0 =	vgt.f32 v3, $5.000000000e-01  }
0x1c: {  	v3 =	vsel vm0, $0x1, v2  }
0x1d: {  	vm1 =	vgt.f32 v4, $5.000000000e-01;
	(xrf0) =	vadd.scan.msk.s32 $0xffff, v3  }
0x1e: {  	v4 =	vsel vm1, $0x1, v2  }
0x1f: {  	(xrf0) =	vadd.scan.msk.s32 $0xffff, v4  }
0x20: {  	v3 =	vlaneseq.u32  }
0x21: {  	v5 =	vor.u32 s15, v3  }
0x22: {  	[tilespmem:s15+$0x10500] =	vst.msk vm1, v5  }
0x23: {  	s18 =	simm.s32 $0x10C10;
	[tilespmem:s15+$0x10780] =	vst.msk vm0, v5;
	v4, _, _ =	vpop (xrf0)  }
0x24: {  	(v2sf) =	vpush v4, $0xF;
	v4 =	vld [tilespmem:s18+$0x0]  }
0x25: {  	v6, _, _ =	vpop (xrf0)  }
0x26: {  	(v2sf) =	vpush v6, $0xF;
	_ =	sdelay $0x1  }
0x27: {  	s19 =	simm.s32 $0x10A10  }
0x28: {  	vm0 =	vgt.f32 v4, $5.000000000e-01;
	v4 =	vld [tilespmem:s19+$0x0];
	_ =	sdelay $0x4  }
0x29: {  	v5 =	vsel vm0, $0x1, v2;
	vm1 =	vgt.f32 v4, $5.000000000e-01  }
0x2a: {  	(xrf0) =	vadd.scan.msk.s32 $0xffff, v5;
	v5 =	vsel vm1, $0x1, v2  }
0x2b: {  	(xrf0) =	vadd.scan.msk.s32 $0xffff, v5;
	_ =	sdelay $0x3  }
0x2c: {  	s31 =	simm.s32 $0x10;
	s21 =	spop (v2sf)  }
0x2d: {  	s20 =	simm.s32 $0x20;
	v4 =	vor.u32 s31, v3;
	v5, _, _ =	vpop (xrf0);
	s17 =	sadd.s32 $0x0, s21;
	s21 =	spop (v2sf)  }
.LBB2_4:
0x2e: {  	v6 =	vor.u32 s20, v3;
	p0 =	sne.s32 s20, $0x1F0;
	s20 =	sadd.s32 $0x10, s20;
	v7, _, _ =	vpop (xrf0);
	(v2sf) =	vpush v5, $0xF;
	s15 =	sadd.s32 s15, s21  }
0x2f: {  	[tilespmem:s15+$0x10500] =	vst.msk vm1, v4;
	(v2sf) =	vpush v7, $0xF  }
0x30: {  	s18 =	sadd.s32 $0x10, s18;
	[tilespmem:s17+$0x10780] =	vst.msk vm0, v4;
	v4 =	vmov v6  }
0x31: {  	s19 =	sadd.s32 $0x10, s19;
	v5 =	vld [tilespmem:s18+$0x0]  }
0x32: {  	v6 =	vld [tilespmem:s19+$0x0];
	_ =	sdelay $0x3  }
0x33: {  	vm0 =	vgt.f32 v5, $5.000000000e-01  }
0x34: {  	vm1 =	vgt.f32 v6, $5.000000000e-01;
	v5 =	vsel vm0, $0x1, v2  }
0x35: {  	v6 =	vsel vm1, $0x1, v2;
	(xrf0) =	vadd.scan.msk.s32 $0xffff, v5  }
0x36: {  	(xrf0) =	vadd.scan.msk.s32 $0xffff, v6  }
.Ltmp2:
0x37: {  	(pc) =	sbr.rel @p0 .LBB2_4-.Ltmp2, $3  }
0x38: {  	_ =	sdelay $0x1  }
0x39: {  	s21 =	spop (v2sf)  }
0x3a: {  	v5, _, _ =	vpop (xrf0);
	s17 =	sadd.s32 s17, s21;
	s21 =	spop (v2sf)  }
0x3b: {  	v2, _, _ =	vpop (xrf0);
	(v2sf) =	vpush v5, $0xF  }
0x3c: {  	(v2sf) =	vpush v2, $0xF;
	_ =	sdelay $0x5  }
0x3d: {  	s15 =	sadd.s32 s15, s21  }
0x3e: {  	[tilespmem:s15+$0x10500] =	vst.msk vm1, v4  }
0x3f: {  	s18 =	simm.s32 $0x0;
	[tilespmem:s17+$0x10780] =	vst.msk vm0, v4  }
0x40: {  	v7 =	vld [tilespmem:s18+$0x10500]  }
0x41: {  	v2 =	vimm.s32 $0x0;
	v8 =	vld [tilespmem:s18+$0x10780]  }
0x42: {  	v3 =	vimm.f32 $0.0e+00;
	[tilespmem:s18+$0x11600] =	vst v2  }
0x43: {  	[tilespmem:s18+$0x19C80] =	vst v3  }
0x44: {  	v4 =	vimm.s32 $0x40000000;
	[tilespmem:s18+$0x100] =	vst v2  }
0x45: {  	s19 =	simm.s32 $0x10;
	[tilespmem:s18+$0x19A00] =	vst v4;
	s20 =	spop (v2sf)  }
0x46: {  	v5 =	vld [tilespmem:s19+$0x10500];
	[tilespmem:s19+$0x11600] =	vst v2;
	vm14 =	vgt.s32 v7, $0x0;
	vm15 =	vgt.s32 v8, $0x0;
	s31 =	spop (v2sf)  }
0x47: {  	v6 =	vld [tilespmem:s19+$0x10780];
	[tilespmem:s19+$0x19C80] =	vst v3;
	v7 =	vnsel vm14, $0x0, v7;
	v8 =	vnsel vm15, $0x0, v8;
	s17 =	sadd.s32 s17, s20;
	s15 =	sadd.s32 s15, s31  }
0x48: {  	[tilespmem:s19+$0x100] =	vst v2;
	v7 =	vmin.u32 v7, $0x1FF;
	v8 =	vmin.u32 v8, $0x1FF;
	p0 =	sgt.s32 s17, s15  }
0x49: {  	[tilespmem:s19+$0x19A00] =	vst v4;
	v9 =	vpsel p0, v8, v7  }
0x4a: {  	s20 =	simm.s32 $0x80;
	v7 =	vpsel p0, v7, v8;
	[tilespmem:s18+$0x300] =	vst v9  }
.LBB2_6:
0x4b: {  	[tilespmem:s18+$0x19800] =	vst v7;
	v7 =	vmov v5;
	s18 =	smov.u32 s19;
	s19 =	sshra.s32 s20, $0x2;
	p1 =	sne.s32 s20, $0x7C0  }
.Ltmp3:
0x4c: {  	s20 =	sadd.s32 $0x40, s20;
	v5 =	vld [tilespmem:s19+$0x10500];
	[tilespmem:s19+$0x11600] =	vst v2;
	vm0 =	vgt.s32 v7, $0x0;
	vm1 =	vgt.s32 v6, $0x0;
	(pc) =	sbr.rel @p1 .LBB2_6-.Ltmp3, $4  }
0x4d: {  	[tilespmem:s19+$0x19C80] =	vst v3;
	v7 =	vnsel vm0, $0x0, v7;
	v8 =	vnsel vm1, $0x0, v6;
	v6 =	vld [tilespmem:s19+$0x10780]  }
0x4e: {  	[tilespmem:s19+$0x100] =	vst v2;
	v9 =	vmin.u32 v7, $0x1FF;
	v8 =	vmin.u32 v8, $0x1FF  }
0x4f: {  	[tilespmem:s19+$0x19A00] =	vst v4;
	v7 =	vpsel p0, v9, v8;
	v8 =	vpsel p0, v8, v9  }
0x50: {  	[tilespmem:s18+$0x300] =	vst v8  }
0x51: {  	_ = 	snop  }
0x52: {  	vm0 =	vgt.s32 v5, $0x0;
	vm1 =	vgt.s32 v6, $0x0  }
0x53: {  	v2 =	vnsel vm0, $0x0, v5;
	v3 =	vnsel vm1, $0x0, v6  }
0x54: {  	v2 =	vmin.u32 v2, $0x1FF;
	v3 =	vmin.u32 v3, $0x1FF  }
0x55: {  	[tilespmem:s18+$0x19800] =	vst v7;
	v4 =	vpsel p0, v3, v2  }
0x56: {  	v2 =	vpsel p0, v2, v3;
	[tilespmem:s19+$0x300] =	vst v4  }
0x57: {  	[tilespmem:s19+$0x19800] =	vst v2  }
0x58: {  	v4 =	vimm.f32 $0.0e+00;
	v2 =	vld [tilespmem:s16+$0x300]  }
0x59: {  	v3 =	vld [tilespmem:s16+$0x310];
	[tilespmem:$0x19E80] =	vst v4  }
0x5a: {  	[tilespmem:$0x19E90] =	vst v4;
	v4 =	vimm.s32 $0x0  }
0x5b: {  	[tilespmem:$0x1A800] =	vst v4  }
0x5c: {  	[tilespmem:$0x1A810] =	vst v4  }
0x5d: {  	[tilespmem:$0x19F80] =	vst v4  }
0x5e: {  	[tilespmem:$0x19F90] =	vst v4  }
0x5f: {  	[tilespmem:$0x19FA0] =	vst v4  }
0x60: {  	[tilespmem:$0x19FB0] =	vst v4  }
0x61: {  	[tilespmem:$0x1A000] =	vst v4  }
0x62: {  	[tilespmem:$0x1A010] =	vst v4  }
0x63: {  	[tilespmem:$0x1A020] =	vst v4  }
0x64: {  	[tilespmem:$0x1A030] =	vst v4  }
0x65: {  	[tilespmem:$0x1A080] =	vst v4  }
0x66: {  	[tilespmem:$0x1A090] =	vst v4  }
0x67: {  	[tilespmem:$0x1A0A0] =	vst v4  }
0x68: {  	[tilespmem:$0x1A0B0] =	vst v4  }
0x69: {  	[tilespmem:$0x1A100] =	vst v4  }
0x6a: {  	[tilespmem:$0x1A110] =	vst v4  }
0x6b: {  	[tilespmem:$0x1A120] =	vst v4  }
0x6c: {  	[tilespmem:$0x1A130] =	vst v4  }
0x6d: {  	[tilespmem:$0x1A180] =	vst v4  }
0x6e: {  	[tilespmem:$0x1A190] =	vst v4  }
0x6f: {  	[tilespmem:$0x1A1A0] =	vst v4  }
0x70: {  	[tilespmem:$0x1A1B0] =	vst v4  }
0x71: {  	[tilespmem:$0x1A200] =	vst v4  }
0x72: {  	[tilespmem:$0x1A210] =	vst v4  }
0x73: {  	[tilespmem:$0x1A220] =	vst v4  }
0x74: {  	[tilespmem:$0x1A230] =	vst v4  }
0x75: {  	[tilespmem:$0x1A280] =	vst v4  }
0x76: {  	[tilespmem:$0x1A290] =	vst v4  }
0x77: {  	[tilespmem:$0x1A2A0] =	vst v4  }
0x78: {  	[tilespmem:$0x1A2B0] =	vst v4  }
0x79: {  	[tilespmem:$0x1A300] =	vst v4  }
0x7a: {  	[tilespmem:$0x1A310] =	vst v4  }
0x7b: {  	[tilespmem:$0x1A320] =	vst v4  }
0x7c: {  	[tilespmem:$0x1A330] =	vst v4  }
0x7d: {  	[tilespmem:$0x1A380] =	vst v4  }
0x7e: {  	[tilespmem:$0x1A390] =	vst v4  }
0x7f: {  	[tilespmem:$0x1A3A0] =	vst v4  }
0x80: {  	[tilespmem:$0x1A3B0] =	vst v4  }
0x81: {  	[tilespmem:$0x1A400] =	vst v4  }
0x82: {  	[tilespmem:$0x1A410] =	vst v4  }
0x83: {  	[tilespmem:$0x1A420] =	vst v4  }
0x84: {  	[tilespmem:$0x1A430] =	vst v4  }
0x85: {  	[tilespmem:$0x1A480] =	vst v4  }
0x86: {  	[tilespmem:$0x1A490] =	vst v4  }
0x87: {  	[tilespmem:$0x1A4A0] =	vst v4  }
0x88: {  	[tilespmem:$0x1A4B0] =	vst v4  }
0x89: {  	[tilespmem:$0x1A500] =	vst v4  }
0x8a: {  	[tilespmem:$0x1A510] =	vst v4  }
0x8b: {  	[tilespmem:$0x1A520] =	vst v4  }
0x8c: {  	[tilespmem:$0x1A530] =	vst v4  }
0x8d: {  	[tilespmem:$0x1A580] =	vst v4  }
0x8e: {  	v5 =	vld [tilespmem:$0x19800];
	[tilespmem:$0x1A590] =	vst v4  }
0x8f: {  	[tilespmem:$0x1A5A0] =	vst v4  }
0x90: {  	[tilespmem:$0x1A5B0] =	vst v4  }
0x91: {  	[tilespmem:$0x1A600] =	vst v4  }
0x92: {  	[tilespmem:$0x1A610] =	vst v4  }
0x93: {  	[tilespmem:$0x1A620] =	vst v4;
	v6 =	vshll.u32 v5, $0x2  }
0x94: {  	v7 =	vlaneseq.u32;
	[tilespmem:$0x1A630] =	vst v4;
	v5 =	vand.u32 $0x7, v5;
	v6 =	vand.u32 $0xFFFFFFE0, v6  }
0x95: {  	v8 =	vshrl.u32 v7, $0x3;
	[tilespmem:$0x1A680] =	vst v4;
	v5 =	vor.u32 v5, v6;
	v6 =	vand.u32 $0x7, v7  }
0x96: {  	v8 =	vmul.u32 $0x8, v8;
	[tilespmem:$0x1A690] =	vst v4;
	v9 =	vperm.xlane v5, v6  }
0x97: {  	[tilespmem:$0x1A6A0] =	vst v4  }
0x98: {  	[tilespmem:$0x1A6B0] =	vst v4;
	v9 =	vadd.s32 v8, v9  }
0x99: {  	[tilespmem:$0x1A700] =	vst v4;
	v7 =	vor.u32 $0x8, v7  }
0x9a: {  	[tilespmem:$0x1A710] =	vst v4;
	v5 =	vperm.xlane v5, v7  }
0x9b: {  	[tilespmem:$0x1A720] =	vst v4  }
0x9c: {  	s14 =	smov.u32 @p0 s13;
	s13 =	simm.s32 $0x0;
	s18 =	simm.s32 $0x11800;
	vm0 =	vmmov $0xffff;
	[tilespmem:$0x1A730] =	vst v4;
	v4 =	vadd.s32 v8, v5  }
0x9d: {  	[tilespmem:s18], [sflag:$0x1] =	stream.indirect_vreg.gather [hbm4b:s14+s13], $0x80, v9, vm0, $0xb8;
	[tilespmem:$0x1B880] =	vst v63  }
0x9e: {  	s25 =	simm.s32 $0x12000;
	s16 =	sadd.s32 $0x100, s14  }
0x9f: {  	[tilespmem:s25], [sflag:$0x1] =	stream.indirect_vreg.gather [hbm4b:s16+s13], $0x80, v9, vm0, $0xb8;
	[tilespmem:$0x1B880] =	vst v63  }
0xa0: {  	s26 =	simm.s32 $0x12800  }
0xa1: {  	[tilespmem:s26], [sflag:$0x1] =	stream.indirect_vreg.gather [hbm4b:s14+s13], $0x80, v4, vm0, $0xb8;
	[tilespmem:$0x1B880] =	vst v63  }
0xa2: {  	s28 =	simm.s32 $0x13000  }
0xa3: {  	[tilespmem:s28], [sflag:$0x1] =	stream.indirect_vreg.gather [hbm4b:s16+s13], $0x80, v4, vm0, $0xb8;
	[tilespmem:$0x1B880] =	vst v63  }
0xa4: {  	v4 =	vld [tilespmem:$0x19810];
	_ =	sdelay $0x4  }
0xa5: {  	v5 =	vshll.u32 v4, $0x2  }
0xa6: {  	v4 =	vand.u32 $0x7, v4;
	v5 =	vand.u32 $0xFFFFFFE0, v5  }
0xa7: {  	v4 =	vor.u32 v4, v5  }
0xa8: {  	v5 =	vperm.xlane v4, v6;
	_ =	sdelay $0x1  }
0xa9: {  	v5 =	vadd.s32 v8, v5;
	_ =	sdelay $0x1  }
0xaa: {  	v4 =	vperm.xlane v4, v7;
	_ =	sdelay $0x1  }
0xab: {  	s29 =	simm.s32 $0x13800;
	v4 =	vadd.s32 v8, v4  }
0xac: {  	[tilespmem:s29], [sflag:$0x1] =	stream.indirect_vreg.gather [hbm4b:s14+s13], $0x80, v5, vm0, $0xb8;
	[tilespmem:$0x1B880] =	vst v63  }
0xad: {  	s30 =	simm.s32 $0x14000  }
0xae: {  	[tilespmem:s30], [sflag:$0x1] =	stream.indirect_vreg.gather [hbm4b:s16+s13], $0x80, v5, vm0, $0xb8;
	[tilespmem:$0x1B880] =	vst v63  }
0xaf: {  	s31 =	simm.s32 $0x14800  }
0xb0: {  	[tilespmem:s31], [sflag:$0x1] =	stream.indirect_vreg.gather [hbm4b:s14+s13], $0x80, v4, vm0, $0xb8;
	[tilespmem:$0x1B880] =	vst v63  }
0xb1: {  	s20 =	simm.s32 $0x15000  }
0xb2: {  	[tilespmem:s20], [sflag:$0x1] =	stream.indirect_vreg.gather [hbm4b:s16+s13], $0x80, v4, vm0, $0xb8;
	[tilespmem:$0x1B880] =	vst v63  }
0xb3: {  	v4 =	vld [tilespmem:$0x19820];
	_ =	sdelay $0x4  }
0xb4: {  	v5 =	vshll.u32 v4, $0x2  }
0xb5: {  	v4 =	vand.u32 $0x7, v4;
	v5 =	vand.u32 $0xFFFFFFE0, v5  }
0xb6: {  	v4 =	vor.u32 v4, v5  }
0xb7: {  	v5 =	vperm.xlane v4, v6;
	_ =	sdelay $0x1  }
0xb8: {  	v5 =	vadd.s32 v8, v5;
	_ =	sdelay $0x1  }
0xb9: {  	v4 =	vperm.xlane v4, v7;
	_ =	sdelay $0x1  }
0xba: {  	s21 =	simm.s32 $0x15800;
	v4 =	vadd.s32 v8, v4  }
0xbb: {  	[tilespmem:s21], [sflag:$0x1] =	stream.indirect_vreg.gather [hbm4b:s14+s13], $0x80, v5, vm0, $0xb8;
	[tilespmem:$0x1B880] =	vst v63  }
0xbc: {  	s22 =	simm.s32 $0x16000  }
0xbd: {  	[tilespmem:s22], [sflag:$0x1] =	stream.indirect_vreg.gather [hbm4b:s16+s13], $0x80, v5, vm0, $0xb8;
	[tilespmem:$0x1B880] =	vst v63  }
0xbe: {  	s23 =	simm.s32 $0x16800  }
0xbf: {  	[tilespmem:s23], [sflag:$0x1] =	stream.indirect_vreg.gather [hbm4b:s14+s13], $0x80, v4, vm0, $0xb8;
	[tilespmem:$0x1B880] =	vst v63  }
0xc0: {  	s24 =	simm.s32 $0x17000  }
0xc1: {  	[tilespmem:s24], [sflag:$0x1] =	stream.indirect_vreg.gather [hbm4b:s16+s13], $0x80, v4, vm0, $0xb8;
	[tilespmem:$0x1B880] =	vst v63  }
0xc2: {  	v4 =	vld [tilespmem:$0x19830];
	_ =	sdelay $0x4  }
0xc3: {  	v5 =	vshll.u32 v4, $0x2  }
0xc4: {  	v4 =	vand.u32 $0x7, v4;
	v5 =	vand.u32 $0xFFFFFFE0, v5  }
0xc5: {  	v4 =	vor.u32 v4, v5  }
0xc6: {  	v5 =	vperm.xlane v4, v6;
	_ =	sdelay $0x1  }
0xc7: {  	v5 =	vadd.s32 v8, v5;
	_ =	sdelay $0x1  }
0xc8: {  	v4 =	vperm.xlane v4, v7;
	_ =	sdelay $0x1  }
0xc9: {  	s25 =	simm.s32 $0x17800;
	v4 =	vadd.s32 v8, v4  }
0xca: {  	v6 =	vshll.u32 v2, $0x3;
	[tilespmem:s25], [sflag:$0x1] =	stream.indirect_vreg.gather [hbm4b:s14+s13], $0x80, v5, vm0, $0xb8;
	[tilespmem:$0x1B880] =	vst v63  }
0xcb: {  	s26 =	simm.s32 $0x18000;
	v2 =	vand.u32 $0x7F, v2;
	v6 =	vand.u32 $0xFFFFFC00, v6  }
0xcc: {  	v2 =	vor.u32 v2, v6;
	[tilespmem:s26], [sflag:$0x1] =	stream.indirect_vreg.gather [hbm4b:s16+s13], $0x80, v5, vm0, $0xb8;
	v5 =	vmov s13;
	[tilespmem:$0x1B880] =	vst v63  }
0xcd: {  	s28 =	simm.s32 $0x18800;
	v6 =	vand.u32 $0x7F, v3;
	v3 =	vshll.u32 v3, $0x3;
	v7 =	vshll.u32 v5, $0x9  }
0xce: {  	v3 =	vand.u32 $0xFFFFFC00, v3;
	v5 =	vshll.u32 v5, $0x7;
	[tilespmem:s28], [sflag:$0x1] =	stream.indirect_vreg.gather [hbm4b:s14+s13], $0x80, v4, vm0, $0xb8;
	v7 =	vand.u32 $0x7000, v7;
	[tilespmem:$0x1B880] =	vst v63  }
0xcf: {  	s29 =	simm.s32 $0x19000;
	v3 =	vor.u32 v6, v3;
	v5 =	vand.u32 $0x380, v5;
	v6 =	vadd.s32 v2, v7  }
0xd0: {  	[tilespmem:s29], [sflag:$0x1] =	stream.indirect_vreg.gather [hbm4b:s16+s13], $0x80, v4, vm0, $0xb8;
	v4 =	vadd.s32 v3, v7;
	v6 =	vor.u32 v5, v6;
	[tilespmem:$0x1B880] =	vst v63  }
0xd1: {  	s30 =	simm.s32 $0x1;
	v5 =	vor.u32 v5, v4  }
0xd2: {  	s31 =	simm.s32 $0x1;
	_ =	swait.ge [sflag:s30], $0x8000  }
0xd3: {  	v4 =	vmov s31;
	[sflag:s30] =	ssyncset.done $0x0  }
0xd4: {  	v7 =	vshll.u32 v4, $0x9;
	[sflag:s30] =	ssyncadd.s32 $0xFFFF8000  }
0xd5: {  	p1 =	slt.s32 s17, s15;
	v8 =	vshll.u32 v4, $0x7;
	v7 =	vand.u32 $0x7000, v7;
	v4 =	vld.idx.msk [tilespmem:v6+s18+$0x0], $0xffff  }
0xd6: {  	s19 =	simm.s32 $0x510;
	s20 =	simm.s32 $0x2;
	s13 =	smov.u32 s15;
	v8 =	vand.u32 $0x380, v8;
	v63 =	vadd.s32 v2, v7;
	v10 =	vadd.s32 v3, v7;
	v6 =	vld.idx.msk [tilespmem:v5+s18+$0x0], $0xffff  }
0xd7: {  	s15 =	smov.u32 @p0 s17;
	s13 =	smov.u32 @p1 s17;
	s17 =	simm.s32 $0x510;
	v7 =	vor.u32 v8, v63;
	v5 =	vor.u32 v8, v10  }
.LBB2_8:
0xd8: {  	_ = 	snop  }
0xd9: {  	p1 =	sne.s32 s20, $0x3F  }
0xda: {  	s19 =	sadd.s32 $0x80, s19;
	s21 =	smov.u32 s20;
	s20 =	sadd.s32 $0x1, s20;
	[tilespmem:s17+$0xFFFFFFF0] =	vst v4  }
.Ltmp4:
0xdb: {  	v4 =	vmov s21;
	[tilespmem:s17+$0x0] =	vst v6;
	s17 =	smov.u32 s19;
	(pc) =	sbr.rel @p1 .LBB2_8-.Ltmp4, $4  }
0xdc: {  	v6 =	vshll.u32 v4, $0x9;
	v8 =	vshll.u32 v4, $0x7;
	v4 =	vld.idx.msk [tilespmem:v7+s18+$0x0], $0xffff  }
0xdd: {  	v7 =	vand.u32 $0x7000, v6;
	v6 =	vld.idx.msk [tilespmem:v5+s18+$0x0], $0xffff  }
0xde: {  	v5 =	vand.u32 $0x380, v8;
	v8 =	vadd.s32 v2, v7;
	v9 =	vadd.s32 v3, v7  }
0xdf: {  	v7 =	vor.u32 v5, v8;
	v5 =	vor.u32 v5, v9  }
0xe0: {  	_ =	sdelay $0x1  }
0xe1: {  	[tilespmem:s17+$0xFFFFFFF0] =	vst v4  }
0xe2: {  	[tilespmem:s17+$0x0] =	vst v6  }
0xe3: {  	v4 =	vld.idx.msk [tilespmem:v7+s18+$0x0], $0xffff  }
0xe4: {  	v5 =	vld.idx.msk [tilespmem:v5+s18+$0x0], $0xffff;
	_ =	sdelay $0x2  }
0xe5: {  	s24 =	sadd.s32 $0x80, s19  }
0xe6: {  	[tilespmem:s24+$0xFFFFFFF0] =	vst v4  }
0xe7: {  	[tilespmem:s24+$0x0] =	vst v5  }
0xe8: {  	v4 =	vld [tilespmem:$0x19840];
	_ =	sdelay $0x4  }
0xe9: {  	v5 =	vshll.u32 v4, $0x2  }
0xea: {  	v6 =	vlaneseq.u32;
	v4 =	vand.u32 $0x7, v4;
	v5 =	vand.u32 $0xFFFFFFE0, v5  }
0xeb: {  	v7 =	vshrl.u32 v6, $0x3;
	v4 =	vor.u32 v4, v5;
	v5 =	vand.u32 $0x7, v6  }
0xec: {  	v7 =	vmul.u32 $0x8, v7;
	v8 =	vperm.xlane v4, v5;
	_ =	sdelay $0x1  }
0xed: {  	v8 =	vadd.s32 v7, v8  }
0xee: {  	v6 =	vor.u32 $0x8, v6  }
0xef: {  	v4 =	vperm.xlane v4, v6;
	_ =	sdelay $0x1  }
0xf0: {  	s17 =	simm.s32 $0x11800;
	s18 =	simm.s32 $0x0;
	v4 =	vadd.s32 v7, v4  }
0xf1: {  	[tilespmem:s17], [sflag:$0x1] =	stream.indirect_vreg.gather [hbm4b:s14+s18], $0x80, v8, vm0, $0xb8;
	[tilespmem:$0x1B880] =	vst v63  }
0xf2: {  	s25 =	simm.s32 $0x12000  }
0xf3: {  	[tilespmem:s25], [sflag:$0x1] =	stream.indirect_vreg.gather [hbm4b:s16+s18], $0x80, v8, vm0, $0xb8;
	[tilespmem:$0x1B880] =	vst v63  }
0xf4: {  	s26 =	simm.s32 $0x12800  }
0xf5: {  	[tilespmem:s26], [sflag:$0x1] =	stream.indirect_vreg.gather [hbm4b:s14+s18], $0x80, v4, vm0, $0xb8;
	[tilespmem:$0x1B880] =	vst v63  }
0xf6: {  	s28 =	simm.s32 $0x13000  }
0xf7: {  	[tilespmem:s28], [sflag:$0x1] =	stream.indirect_vreg.gather [hbm4b:s16+s18], $0x80, v4, vm0, $0xb8;
	[tilespmem:$0x1B880] =	vst v63  }
0xf8: {  	v4 =	vld [tilespmem:$0x19850];
	_ =	sdelay $0x4  }
0xf9: {  	v8 =	vshll.u32 v4, $0x2  }
0xfa: {  	v4 =	vand.u32 $0x7, v4;
	v8 =	vand.u32 $0xFFFFFFE0, v8  }
0xfb: {  	v4 =	vor.u32 v4, v8  }
0xfc: {  	v8 =	vperm.xlane v4, v5;
	_ =	sdelay $0x1  }
0xfd: {  	v8 =	vadd.s32 v7, v8;
	_ =	sdelay $0x1  }
0xfe: {  	v4 =	vperm.xlane v4, v6;
	_ =	sdelay $0x1  }
0xff: {  	s29 =	simm.s32 $0x13800;
	v4 =	vadd.s32 v7, v4  }
0x100: {  	[tilespmem:s29], [sflag:$0x1] =	stream.indirect_vreg.gather [hbm4b:s14+s18], $0x80, v8, vm0, $0xb8;
	[tilespmem:$0x1B880] =	vst v63  }
0x101: {  	s30 =	simm.s32 $0x14000  }
0x102: {  	[tilespmem:s30], [sflag:$0x1] =	stream.indirect_vreg.gather [hbm4b:s16+s18], $0x80, v8, vm0, $0xb8;
	[tilespmem:$0x1B880] =	vst v63  }
0x103: {  	s31 =	simm.s32 $0x14800  }
0x104: {  	[tilespmem:s31], [sflag:$0x1] =	stream.indirect_vreg.gather [hbm4b:s14+s18], $0x80, v4, vm0, $0xb8;
	[tilespmem:$0x1B880] =	vst v63  }
0x105: {  	s20 =	simm.s32 $0x15000  }
0x106: {  	[tilespmem:s20], [sflag:$0x1] =	stream.indirect_vreg.gather [hbm4b:s16+s18], $0x80, v4, vm0, $0xb8;
	[tilespmem:$0x1B880] =	vst v63  }
0x107: {  	v4 =	vld [tilespmem:$0x19860];
	_ =	sdelay $0x4  }
0x108: {  	v8 =	vshll.u32 v4, $0x2  }
0x109: {  	v4 =	vand.u32 $0x7, v4;
	v8 =	vand.u32 $0xFFFFFFE0, v8  }
0x10a: {  	v4 =	vor.u32 v4, v8  }
0x10b: {  	v8 =	vperm.xlane v4, v5;
	_ =	sdelay $0x1  }
0x10c: {  	v8 =	vadd.s32 v7, v8;
	_ =	sdelay $0x1  }
0x10d: {  	v4 =	vperm.xlane v4, v6;
	_ =	sdelay $0x1  }
0x10e: {  	s21 =	simm.s32 $0x15800;
	v4 =	vadd.s32 v7, v4  }
0x10f: {  	[tilespmem:s21], [sflag:$0x1] =	stream.indirect_vreg.gather [hbm4b:s14+s18], $0x80, v8, vm0, $0xb8;
	[tilespmem:$0x1B880] =	vst v63  }
0x110: {  	s22 =	simm.s32 $0x16000  }
0x111: {  	[tilespmem:s22], [sflag:$0x1] =	stream.indirect_vreg.gather [hbm4b:s16+s18], $0x80, v8, vm0, $0xb8;
	[tilespmem:$0x1B880] =	vst v63  }
0x112: {  	s23 =	simm.s32 $0x16800  }
0x113: {  	[tilespmem:s23], [sflag:$0x1] =	stream.indirect_vreg.gather [hbm4b:s14+s18], $0x80, v4, vm0, $0xb8;
	[tilespmem:$0x1B880] =	vst v63  }
0x114: {  	s24 =	simm.s32 $0x17000  }
0x115: {  	[tilespmem:s24], [sflag:$0x1] =	stream.indirect_vreg.gather [hbm4b:s16+s18], $0x80, v4, vm0, $0xb8;
	[tilespmem:$0x1B880] =	vst v63  }
0x116: {  	v4 =	vld [tilespmem:$0x19870];
	_ =	sdelay $0x4  }
0x117: {  	v8 =	vshll.u32 v4, $0x2  }
0x118: {  	v4 =	vand.u32 $0x7, v4;
	v8 =	vand.u32 $0xFFFFFFE0, v8  }
0x119: {  	v4 =	vor.u32 v4, v8  }
0x11a: {  	v5 =	vperm.xlane v4, v5;
	_ =	sdelay $0x1  }
0x11b: {  	v5 =	vadd.s32 v7, v5;
	_ =	sdelay $0x1  }
0x11c: {  	v4 =	vperm.xlane v4, v6;
	_ =	sdelay $0x1  }
0x11d: {  	s25 =	simm.s32 $0x17800;
	v4 =	vadd.s32 v7, v4  }
0x11e: {  	[tilespmem:s25], [sflag:$0x1] =	stream.indirect_vreg.gather [hbm4b:s14+s18], $0x80, v5, vm0, $0xb8;
	[tilespmem:$0x1B880] =	vst v63  }
0x11f: {  	s26 =	simm.s32 $0x18000  }
0x120: {  	[tilespmem:s26], [sflag:$0x1] =	stream.indirect_vreg.gather [hbm4b:s16+s18], $0x80, v5, vm0, $0xb8;
	v5 =	vmov s18;
	[tilespmem:$0x1B880] =	vst v63  }
0x121: {  	s28 =	simm.s32 $0x18800;
	v6 =	vshll.u32 v5, $0x9  }
0x122: {  	v5 =	vshll.u32 v5, $0x7;
	[tilespmem:s28], [sflag:$0x1] =	stream.indirect_vreg.gather [hbm4b:s14+s18], $0x80, v4, vm0, $0xb8;
	v6 =	vand.u32 $0x7000, v6;
	[tilespmem:$0x1B880] =	vst v63  }
0x123: {  	s29 =	simm.s32 $0x19000;
	v5 =	vand.u32 $0x380, v5;
	v7 =	vadd.s32 v2, v6  }
0x124: {  	[tilespmem:s29], [sflag:$0x1] =	stream.indirect_vreg.gather [hbm4b:s16+s18], $0x80, v4, vm0, $0xb8;
	v4 =	vadd.s32 v3, v6;
	v6 =	vor.u32 v5, v7;
	[tilespmem:$0x1B880] =	vst v63  }
0x125: {  	s30 =	simm.s32 $0x1;
	v5 =	vor.u32 v5, v4  }
0x126: {  	s31 =	simm.s32 $0x1;
	_ =	swait.ge [sflag:s30], $0x8000  }
0x127: {  	v4 =	vmov s31;
	[sflag:s30] =	ssyncset.done $0x0  }
0x128: {  	v7 =	vshll.u32 v4, $0x9;
	[sflag:s30] =	ssyncadd.s32 $0xFFFF8000  }
0x129: {  	v8 =	vshll.u32 v4, $0x7;
	v7 =	vand.u32 $0x7000, v7;
	v4 =	vld.idx.msk [tilespmem:v6+s17+$0x0], $0xffff  }
0x12a: {  	v8 =	vand.u32 $0x380, v8;
	v9 =	vadd.s32 v2, v7;
	v10 =	vadd.s32 v3, v7;
	v6 =	vld.idx.msk [tilespmem:v5+s17+$0x0], $0xffff  }
0x12b: {  	s19 =	simm.s32 $0x2510;
	s20 =	simm.s32 $0x2;
	s18 =	simm.s32 $0x2510;
	v7 =	vor.u32 v8, v9;
	v5 =	vor.u32 v8, v10  }
.LBB2_10:
0x12c: {  	_ = 	snop  }
0x12d: {  	p1 =	sne.s32 s20, $0x3F  }
0x12e: {  	s19 =	sadd.s32 $0x80, s19;
	s21 =	smov.u32 s20;
	s20 =	sadd.s32 $0x1, s20;
	[tilespmem:s18+$0xFFFFFFF0] =	vst v4  }
.Ltmp5:
0x12f: {  	v4 =	vmov s21;
	[tilespmem:s18+$0x0] =	vst v6;
	s18 =	smov.u32 s19;
	(pc) =	sbr.rel @p1 .LBB2_10-.Ltmp5, $4  }
0x130: {  	v6 =	vshll.u32 v4, $0x9;
	v8 =	vshll.u32 v4, $0x7;
	v4 =	vld.idx.msk [tilespmem:v7+s17+$0x0], $0xffff  }
0x131: {  	v7 =	vand.u32 $0x7000, v6;
	v6 =	vld.idx.msk [tilespmem:v5+s17+$0x0], $0xffff  }
0x132: {  	v5 =	vand.u32 $0x380, v8;
	v8 =	vadd.s32 v2, v7;
	v9 =	vadd.s32 v3, v7  }
0x133: {  	v7 =	vor.u32 v5, v8;
	v5 =	vor.u32 v5, v9  }
0x134: {  	_ =	sdelay $0x1  }
0x135: {  	[tilespmem:s18+$0xFFFFFFF0] =	vst v4  }
0x136: {  	[tilespmem:s18+$0x0] =	vst v6  }
0x137: {  	v4 =	vld.idx.msk [tilespmem:v7+s17+$0x0], $0xffff  }
0x138: {  	v5 =	vld.idx.msk [tilespmem:v5+s17+$0x0], $0xffff;
	_ =	sdelay $0x2  }
0x139: {  	s24 =	sadd.s32 $0x80, s19  }
0x13a: {  	[tilespmem:s24+$0xFFFFFFF0] =	vst v4  }
0x13b: {  	[tilespmem:s24+$0x0] =	vst v5  }
0x13c: {  	v4 =	vld [tilespmem:$0x19880];
	_ =	sdelay $0x4  }
0x13d: {  	v5 =	vshll.u32 v4, $0x2  }
0x13e: {  	v6 =	vlaneseq.u32;
	v4 =	vand.u32 $0x7, v4;
	v5 =	vand.u32 $0xFFFFFFE0, v5  }
0x13f: {  	v7 =	vshrl.u32 v6, $0x3;
	v4 =	vor.u32 v4, v5;
	v5 =	vand.u32 $0x7, v6  }
0x140: {  	v7 =	vmul.u32 $0x8, v7;
	v8 =	vperm.xlane v4, v5;
	_ =	sdelay $0x1  }
0x141: {  	v8 =	vadd.s32 v7, v8  }
0x142: {  	v6 =	vor.u32 $0x8, v6  }
0x143: {  	v4 =	vperm.xlane v4, v6;
	_ =	sdelay $0x1  }
0x144: {  	s18 =	simm.s32 $0x0;
	s17 =	simm.s32 $0x11800;
	v4 =	vadd.s32 v7, v4  }
0x145: {  	[tilespmem:s17], [sflag:$0x1] =	stream.indirect_vreg.gather [hbm4b:s14+s18], $0x80, v8, vm0, $0xb8;
	[tilespmem:$0x1B880] =	vst v63  }
0x146: {  	s25 =	simm.s32 $0x12000  }
0x147: {  	[tilespmem:s25], [sflag:$0x1] =	stream.indirect_vreg.gather [hbm4b:s16+s18], $0x80, v8, vm0, $0xb8;
	[tilespmem:$0x1B880] =	vst v63  }
0x148: {  	s26 =	simm.s32 $0x12800  }
0x149: {  	[tilespmem:s26], [sflag:$0x1] =	stream.indirect_vreg.gather [hbm4b:s14+s18], $0x80, v4, vm0, $0xb8;
	[tilespmem:$0x1B880] =	vst v63  }
0x14a: {  	s28 =	simm.s32 $0x13000  }
0x14b: {  	[tilespmem:s28], [sflag:$0x1] =	stream.indirect_vreg.gather [hbm4b:s16+s18], $0x80, v4, vm0, $0xb8;
	[tilespmem:$0x1B880] =	vst v63  }
0x14c: {  	v4 =	vld [tilespmem:$0x19890];
	_ =	sdelay $0x4  }
0x14d: {  	v8 =	vshll.u32 v4, $0x2  }
0x14e: {  	v4 =	vand.u32 $0x7, v4;
	v8 =	vand.u32 $0xFFFFFFE0, v8  }
0x14f: {  	v4 =	vor.u32 v4, v8  }
0x150: {  	v8 =	vperm.xlane v4, v5;
	_ =	sdelay $0x1  }
0x151: {  	v8 =	vadd.s32 v7, v8;
	_ =	sdelay $0x1  }
0x152: {  	v4 =	vperm.xlane v4, v6;
	_ =	sdelay $0x1  }
0x153: {  	s29 =	simm.s32 $0x13800;
	v4 =	vadd.s32 v7, v4  }
0x154: {  	[tilespmem:s29], [sflag:$0x1] =	stream.indirect_vreg.gather [hbm4b:s14+s18], $0x80, v8, vm0, $0xb8;
	[tilespmem:$0x1B880] =	vst v63  }
0x155: {  	s30 =	simm.s32 $0x14000  }
0x156: {  	[tilespmem:s30], [sflag:$0x1] =	stream.indirect_vreg.gather [hbm4b:s16+s18], $0x80, v8, vm0, $0xb8;
	[tilespmem:$0x1B880] =	vst v63  }
0x157: {  	s31 =	simm.s32 $0x14800  }
0x158: {  	[tilespmem:s31], [sflag:$0x1] =	stream.indirect_vreg.gather [hbm4b:s14+s18], $0x80, v4, vm0, $0xb8;
	[tilespmem:$0x1B880] =	vst v63  }
0x159: {  	s20 =	simm.s32 $0x15000  }
0x15a: {  	[tilespmem:s20], [sflag:$0x1] =	stream.indirect_vreg.gather [hbm4b:s16+s18], $0x80, v4, vm0, $0xb8;
	[tilespmem:$0x1B880] =	vst v63  }
0x15b: {  	v4 =	vld [tilespmem:$0x198A0];
	_ =	sdelay $0x4  }
0x15c: {  	v8 =	vshll.u32 v4, $0x2  }
0x15d: {  	v4 =	vand.u32 $0x7, v4;
	v8 =	vand.u32 $0xFFFFFFE0, v8  }
0x15e: {  	v4 =	vor.u32 v4, v8  }
0x15f: {  	v8 =	vperm.xlane v4, v5;
	_ =	sdelay $0x1  }
0x160: {  	v8 =	vadd.s32 v7, v8;
	_ =	sdelay $0x1  }
0x161: {  	v4 =	vperm.xlane v4, v6;
	_ =	sdelay $0x1  }
0x162: {  	s21 =	simm.s32 $0x15800;
	v4 =	vadd.s32 v7, v4  }
0x163: {  	[tilespmem:s21], [sflag:$0x1] =	stream.indirect_vreg.gather [hbm4b:s14+s18], $0x80, v8, vm0, $0xb8;
	[tilespmem:$0x1B880] =	vst v63  }
0x164: {  	s22 =	simm.s32 $0x16000  }
0x165: {  	[tilespmem:s22], [sflag:$0x1] =	stream.indirect_vreg.gather [hbm4b:s16+s18], $0x80, v8, vm0, $0xb8;
	[tilespmem:$0x1B880] =	vst v63  }
0x166: {  	s23 =	simm.s32 $0x16800  }
0x167: {  	[tilespmem:s23], [sflag:$0x1] =	stream.indirect_vreg.gather [hbm4b:s14+s18], $0x80, v4, vm0, $0xb8;
	[tilespmem:$0x1B880] =	vst v63  }
0x168: {  	s24 =	simm.s32 $0x17000  }
0x169: {  	[tilespmem:s24], [sflag:$0x1] =	stream.indirect_vreg.gather [hbm4b:s16+s18], $0x80, v4, vm0, $0xb8;
	[tilespmem:$0x1B880] =	vst v63  }
0x16a: {  	v4 =	vld [tilespmem:$0x198B0];
	_ =	sdelay $0x4  }
0x16b: {  	v8 =	vshll.u32 v4, $0x2  }
0x16c: {  	v4 =	vand.u32 $0x7, v4;
	v8 =	vand.u32 $0xFFFFFFE0, v8  }
0x16d: {  	v4 =	vor.u32 v4, v8  }
0x16e: {  	v5 =	vperm.xlane v4, v5;
	_ =	sdelay $0x1  }
0x16f: {  	v5 =	vadd.s32 v7, v5;
	_ =	sdelay $0x1  }
0x170: {  	v4 =	vperm.xlane v4, v6;
	_ =	sdelay $0x1  }
0x171: {  	s25 =	simm.s32 $0x17800;
	v4 =	vadd.s32 v7, v4  }
0x172: {  	[tilespmem:s25], [sflag:$0x1] =	stream.indirect_vreg.gather [hbm4b:s14+s18], $0x80, v5, vm0, $0xb8;
	[tilespmem:$0x1B880] =	vst v63  }
0x173: {  	s26 =	simm.s32 $0x18000  }
0x174: {  	[tilespmem:s26], [sflag:$0x1] =	stream.indirect_vreg.gather [hbm4b:s16+s18], $0x80, v5, vm0, $0xb8;
	v5 =	vmov s18;
	[tilespmem:$0x1B880] =	vst v63  }
0x175: {  	s28 =	simm.s32 $0x18800;
	v6 =	vshll.u32 v5, $0x9  }
0x176: {  	v5 =	vshll.u32 v5, $0x7;
	[tilespmem:s28], [sflag:$0x1] =	stream.indirect_vreg.gather [hbm4b:s14+s18], $0x80, v4, vm0, $0xb8;
	v6 =	vand.u32 $0x7000, v6;
	[tilespmem:$0x1B880] =	vst v63  }
0x177: {  	s29 =	simm.s32 $0x19000;
	v5 =	vand.u32 $0x380, v5;
	v7 =	vadd.s32 v2, v6  }
0x178: {  	[tilespmem:s29], [sflag:$0x1] =	stream.indirect_vreg.gather [hbm4b:s16+s18], $0x80, v4, vm0, $0xb8;
	v4 =	vadd.s32 v3, v6;
	v6 =	vor.u32 v5, v7;
	[tilespmem:$0x1B880] =	vst v63  }
0x179: {  	s30 =	simm.s32 $0x1;
	v5 =	vor.u32 v5, v4  }
0x17a: {  	s31 =	simm.s32 $0x1;
	_ =	swait.ge [sflag:s30], $0x8000  }
0x17b: {  	v4 =	vmov s31;
	[sflag:s30] =	ssyncset.done $0x0  }
0x17c: {  	v7 =	vshll.u32 v4, $0x9;
	[sflag:s30] =	ssyncadd.s32 $0xFFFF8000  }
0x17d: {  	v8 =	vshll.u32 v4, $0x7;
	v7 =	vand.u32 $0x7000, v7;
	v4 =	vld.idx.msk [tilespmem:v6+s17+$0x0], $0xffff  }
0x17e: {  	v8 =	vand.u32 $0x380, v8;
	v9 =	vadd.s32 v2, v7;
	v10 =	vadd.s32 v3, v7;
	v6 =	vld.idx.msk [tilespmem:v5+s17+$0x0], $0xffff  }
0x17f: {  	s19 =	simm.s32 $0x4500;
	s20 =	simm.s32 $0x2;
	s18 =	simm.s32 $0x4500;
	v7 =	vor.u32 v8, v9;
	v5 =	vor.u32 v8, v10  }
.LBB2_12:
0x180: {  	_ = 	snop  }
0x181: {  	p1 =	sne.s32 s20, $0x3F  }
0x182: {  	s19 =	sadd.s32 $0x80, s19;
	s21 =	smov.u32 s20;
	s20 =	sadd.s32 $0x1, s20;
	[tilespmem:s18+$0x0] =	vst v4  }
.Ltmp6:
0x183: {  	v4 =	vmov s21;
	[tilespmem:s18+$0x10] =	vst v6;
	s18 =	smov.u32 s19;
	(pc) =	sbr.rel @p1 .LBB2_12-.Ltmp6, $4  }
0x184: {  	v6 =	vshll.u32 v4, $0x9;
	v8 =	vshll.u32 v4, $0x7;
	v4 =	vld.idx.msk [tilespmem:v7+s17+$0x0], $0xffff  }
0x185: {  	v7 =	vand.u32 $0x7000, v6;
	v6 =	vld.idx.msk [tilespmem:v5+s17+$0x0], $0xffff  }
0x186: {  	v5 =	vand.u32 $0x380, v8;
	v8 =	vadd.s32 v2, v7;
	v9 =	vadd.s32 v3, v7  }
0x187: {  	v7 =	vor.u32 v5, v8;
	v5 =	vor.u32 v5, v9  }
0x188: {  	_ =	sdelay $0x1  }
0x189: {  	[tilespmem:s18+$0x0] =	vst v4  }
0x18a: {  	[tilespmem:s18+$0x10] =	vst v6  }
0x18b: {  	v4 =	vld.idx.msk [tilespmem:v7+s17+$0x0], $0xffff  }
0x18c: {  	v5 =	vld.idx.msk [tilespmem:v5+s17+$0x0], $0xffff;
	_ =	sdelay $0x2  }
0x18d: {  	s24 =	sadd.s32 $0x80, s19  }
0x18e: {  	[tilespmem:s24+$0x0] =	vst v4  }
0x18f: {  	[tilespmem:s24+$0x10] =	vst v5  }
0x190: {  	v4 =	vld [tilespmem:$0x198C0];
	_ =	sdelay $0x4  }
0x191: {  	v5 =	vshll.u32 v4, $0x2  }
0x192: {  	v6 =	vlaneseq.u32;
	v4 =	vand.u32 $0x7, v4;
	v5 =	vand.u32 $0xFFFFFFE0, v5  }
0x193: {  	v7 =	vshrl.u32 v6, $0x3;
	v4 =	vor.u32 v4, v5;
	v5 =	vand.u32 $0x7, v6  }
0x194: {  	v7 =	vmul.u32 $0x8, v7;
	v8 =	vperm.xlane v4, v5;
	_ =	sdelay $0x1  }
0x195: {  	v8 =	vadd.s32 v7, v8  }
0x196: {  	v6 =	vor.u32 $0x8, v6  }
0x197: {  	v4 =	vperm.xlane v4, v6;
	_ =	sdelay $0x1  }
0x198: {  	s18 =	simm.s32 $0x0;
	s17 =	simm.s32 $0x11800;
	v4 =	vadd.s32 v7, v4  }
0x199: {  	[tilespmem:s17], [sflag:$0x1] =	stream.indirect_vreg.gather [hbm4b:s14+s18], $0x80, v8, vm0, $0xb8;
	[tilespmem:$0x1B880] =	vst v63  }
0x19a: {  	s25 =	simm.s32 $0x12000  }
0x19b: {  	[tilespmem:s25], [sflag:$0x1] =	stream.indirect_vreg.gather [hbm4b:s16+s18], $0x80, v8, vm0, $0xb8;
	[tilespmem:$0x1B880] =	vst v63  }
0x19c: {  	s26 =	simm.s32 $0x12800  }
0x19d: {  	[tilespmem:s26], [sflag:$0x1] =	stream.indirect_vreg.gather [hbm4b:s14+s18], $0x80, v4, vm0, $0xb8;
	[tilespmem:$0x1B880] =	vst v63  }
0x19e: {  	s28 =	simm.s32 $0x13000  }
0x19f: {  	[tilespmem:s28], [sflag:$0x1] =	stream.indirect_vreg.gather [hbm4b:s16+s18], $0x80, v4, vm0, $0xb8;
	[tilespmem:$0x1B880] =	vst v63  }
0x1a0: {  	v4 =	vld [tilespmem:$0x198D0];
	_ =	sdelay $0x4  }
0x1a1: {  	v8 =	vshll.u32 v4, $0x2  }
0x1a2: {  	v4 =	vand.u32 $0x7, v4;
	v8 =	vand.u32 $0xFFFFFFE0, v8  }
0x1a3: {  	v4 =	vor.u32 v4, v8  }
0x1a4: {  	v8 =	vperm.xlane v4, v5;
	_ =	sdelay $0x1  }
0x1a5: {  	v8 =	vadd.s32 v7, v8;
	_ =	sdelay $0x1  }
0x1a6: {  	v4 =	vperm.xlane v4, v6;
	_ =	sdelay $0x1  }
0x1a7: {  	s29 =	simm.s32 $0x13800;
	v4 =	vadd.s32 v7, v4  }
0x1a8: {  	[tilespmem:s29], [sflag:$0x1] =	stream.indirect_vreg.gather [hbm4b:s14+s18], $0x80, v8, vm0, $0xb8;
	[tilespmem:$0x1B880] =	vst v63  }
0x1a9: {  	s30 =	simm.s32 $0x14000  }
0x1aa: {  	[tilespmem:s30], [sflag:$0x1] =	stream.indirect_vreg.gather [hbm4b:s16+s18], $0x80, v8, vm0, $0xb8;
	[tilespmem:$0x1B880] =	vst v63  }
0x1ab: {  	s31 =	simm.s32 $0x14800  }
0x1ac: {  	[tilespmem:s31], [sflag:$0x1] =	stream.indirect_vreg.gather [hbm4b:s14+s18], $0x80, v4, vm0, $0xb8;
	[tilespmem:$0x1B880] =	vst v63  }
0x1ad: {  	s20 =	simm.s32 $0x15000  }
0x1ae: {  	[tilespmem:s20], [sflag:$0x1] =	stream.indirect_vreg.gather [hbm4b:s16+s18], $0x80, v4, vm0, $0xb8;
	[tilespmem:$0x1B880] =	vst v63  }
0x1af: {  	v4 =	vld [tilespmem:$0x198E0];
	_ =	sdelay $0x4  }
0x1b0: {  	v8 =	vshll.u32 v4, $0x2  }
0x1b1: {  	v4 =	vand.u32 $0x7, v4;
	v8 =	vand.u32 $0xFFFFFFE0, v8  }
0x1b2: {  	v4 =	vor.u32 v4, v8  }
0x1b3: {  	v8 =	vperm.xlane v4, v5;
	_ =	sdelay $0x1  }
0x1b4: {  	v8 =	vadd.s32 v7, v8;
	_ =	sdelay $0x1  }
0x1b5: {  	v4 =	vperm.xlane v4, v6;
	_ =	sdelay $0x1  }
0x1b6: {  	s21 =	simm.s32 $0x15800;
	v4 =	vadd.s32 v7, v4  }
0x1b7: {  	[tilespmem:s21], [sflag:$0x1] =	stream.indirect_vreg.gather [hbm4b:s14+s18], $0x80, v8, vm0, $0xb8;
	[tilespmem:$0x1B880] =	vst v63  }
0x1b8: {  	s22 =	simm.s32 $0x16000  }
0x1b9: {  	[tilespmem:s22], [sflag:$0x1] =	stream.indirect_vreg.gather [hbm4b:s16+s18], $0x80, v8, vm0, $0xb8;
	[tilespmem:$0x1B880] =	vst v63  }
0x1ba: {  	s23 =	simm.s32 $0x16800  }
0x1bb: {  	[tilespmem:s23], [sflag:$0x1] =	stream.indirect_vreg.gather [hbm4b:s14+s18], $0x80, v4, vm0, $0xb8;
	[tilespmem:$0x1B880] =	vst v63  }
0x1bc: {  	s24 =	simm.s32 $0x17000  }
0x1bd: {  	[tilespmem:s24], [sflag:$0x1] =	stream.indirect_vreg.gather [hbm4b:s16+s18], $0x80, v4, vm0, $0xb8;
	[tilespmem:$0x1B880] =	vst v63  }
0x1be: {  	v4 =	vld [tilespmem:$0x198F0];
	_ =	sdelay $0x4  }
0x1bf: {  	v8 =	vshll.u32 v4, $0x2  }
0x1c0: {  	v4 =	vand.u32 $0x7, v4;
	v8 =	vand.u32 $0xFFFFFFE0, v8  }
0x1c1: {  	v4 =	vor.u32 v4, v8  }
0x1c2: {  	v5 =	vperm.xlane v4, v5;
	_ =	sdelay $0x1  }
0x1c3: {  	v5 =	vadd.s32 v7, v5;
	_ =	sdelay $0x1  }
0x1c4: {  	v4 =	vperm.xlane v4, v6;
	_ =	sdelay $0x1  }
0x1c5: {  	s25 =	simm.s32 $0x17800;
	v4 =	vadd.s32 v7, v4  }
0x1c6: {  	[tilespmem:s25], [sflag:$0x1] =	stream.indirect_vreg.gather [hbm4b:s14+s18], $0x80, v5, vm0, $0xb8;
	[tilespmem:$0x1B880] =	vst v63  }
0x1c7: {  	s26 =	simm.s32 $0x18000  }
0x1c8: {  	[tilespmem:s26], [sflag:$0x1] =	stream.indirect_vreg.gather [hbm4b:s16+s18], $0x80, v5, vm0, $0xb8;
	v5 =	vmov s18;
	[tilespmem:$0x1B880] =	vst v63  }
0x1c9: {  	s28 =	simm.s32 $0x18800;
	v6 =	vshll.u32 v5, $0x9  }
0x1ca: {  	v5 =	vshll.u32 v5, $0x7;
	[tilespmem:s28], [sflag:$0x1] =	stream.indirect_vreg.gather [hbm4b:s14+s18], $0x80, v4, vm0, $0xb8;
	v6 =	vand.u32 $0x7000, v6;
	[tilespmem:$0x1B880] =	vst v63  }
0x1cb: {  	s29 =	simm.s32 $0x19000;
	v5 =	vand.u32 $0x380, v5;
	v7 =	vadd.s32 v2, v6  }
0x1cc: {  	[tilespmem:s29], [sflag:$0x1] =	stream.indirect_vreg.gather [hbm4b:s16+s18], $0x80, v4, vm0, $0xb8;
	v4 =	vadd.s32 v3, v6;
	v6 =	vor.u32 v5, v7;
	[tilespmem:$0x1B880] =	vst v63  }
0x1cd: {  	s30 =	simm.s32 $0x1;
	v5 =	vor.u32 v5, v4  }
0x1ce: {  	s31 =	simm.s32 $0x1;
	_ =	swait.ge [sflag:s30], $0x8000  }
0x1cf: {  	v4 =	vmov s31;
	[sflag:s30] =	ssyncset.done $0x0  }
0x1d0: {  	v7 =	vshll.u32 v4, $0x9;
	[sflag:s30] =	ssyncadd.s32 $0xFFFF8000  }
0x1d1: {  	v8 =	vshll.u32 v4, $0x7;
	v7 =	vand.u32 $0x7000, v7;
	v4 =	vld.idx.msk [tilespmem:v6+s17+$0x0], $0xffff  }
0x1d2: {  	v8 =	vand.u32 $0x380, v8;
	v9 =	vadd.s32 v2, v7;
	v10 =	vadd.s32 v3, v7;
	v6 =	vld.idx.msk [tilespmem:v5+s17+$0x0], $0xffff  }
0x1d3: {  	s19 =	simm.s32 $0x6500;
	s20 =	simm.s32 $0x2;
	s18 =	simm.s32 $0x6500;
	v7 =	vor.u32 v8, v9;
	v5 =	vor.u32 v8, v10  }
.LBB2_14:
0x1d4: {  	_ = 	snop  }
0x1d5: {  	p1 =	sne.s32 s20, $0x3F  }
0x1d6: {  	s19 =	sadd.s32 $0x80, s19;
	s21 =	smov.u32 s20;
	s20 =	sadd.s32 $0x1, s20;
	[tilespmem:s18+$0x0] =	vst v4  }
.Ltmp7:
0x1d7: {  	v4 =	vmov s21;
	[tilespmem:s18+$0x10] =	vst v6;
	s18 =	smov.u32 s19;
	(pc) =	sbr.rel @p1 .LBB2_14-.Ltmp7, $4  }
0x1d8: {  	v6 =	vshll.u32 v4, $0x9;
	v8 =	vshll.u32 v4, $0x7;
	v4 =	vld.idx.msk [tilespmem:v7+s17+$0x0], $0xffff  }
0x1d9: {  	v7 =	vand.u32 $0x7000, v6;
	v6 =	vld.idx.msk [tilespmem:v5+s17+$0x0], $0xffff  }
0x1da: {  	v5 =	vand.u32 $0x380, v8;
	v8 =	vadd.s32 v2, v7;
	v9 =	vadd.s32 v3, v7  }
0x1db: {  	v7 =	vor.u32 v5, v8;
	v5 =	vor.u32 v5, v9  }
0x1dc: {  	_ =	sdelay $0x1  }
0x1dd: {  	[tilespmem:s18+$0x0] =	vst v4  }
0x1de: {  	[tilespmem:s18+$0x10] =	vst v6  }
0x1df: {  	v4 =	vld.idx.msk [tilespmem:v7+s17+$0x0], $0xffff  }
0x1e0: {  	v5 =	vld.idx.msk [tilespmem:v5+s17+$0x0], $0xffff;
	_ =	sdelay $0x2  }
0x1e1: {  	s24 =	sadd.s32 $0x80, s19  }
0x1e2: {  	[tilespmem:s24+$0x0] =	vst v4  }
0x1e3: {  	[tilespmem:s24+$0x10] =	vst v5  }
0x1e4: {  	v4 =	vld [tilespmem:$0x19900];
	_ =	sdelay $0x4  }
0x1e5: {  	v5 =	vshll.u32 v4, $0x2  }
0x1e6: {  	v6 =	vlaneseq.u32;
	v4 =	vand.u32 $0x7, v4;
	v5 =	vand.u32 $0xFFFFFFE0, v5  }
0x1e7: {  	v7 =	vshrl.u32 v6, $0x3;
	v4 =	vor.u32 v4, v5;
	v5 =	vand.u32 $0x7, v6  }
0x1e8: {  	v7 =	vmul.u32 $0x8, v7;
	v8 =	vperm.xlane v4, v5;
	_ =	sdelay $0x1  }
0x1e9: {  	v8 =	vadd.s32 v7, v8  }
0x1ea: {  	v6 =	vor.u32 $0x8, v6  }
0x1eb: {  	v4 =	vperm.xlane v4, v6;
	_ =	sdelay $0x1  }
0x1ec: {  	s18 =	simm.s32 $0x0;
	s17 =	simm.s32 $0x11800;
	v4 =	vadd.s32 v7, v4  }
0x1ed: {  	[tilespmem:s17], [sflag:$0x1] =	stream.indirect_vreg.gather [hbm4b:s14+s18], $0x80, v8, vm0, $0xb8;
	[tilespmem:$0x1B880] =	vst v63  }
0x1ee: {  	s25 =	simm.s32 $0x12000  }
0x1ef: {  	[tilespmem:s25], [sflag:$0x1] =	stream.indirect_vreg.gather [hbm4b:s16+s18], $0x80, v8, vm0, $0xb8;
	[tilespmem:$0x1B880] =	vst v63  }
0x1f0: {  	s26 =	simm.s32 $0x12800  }
0x1f1: {  	[tilespmem:s26], [sflag:$0x1] =	stream.indirect_vreg.gather [hbm4b:s14+s18], $0x80, v4, vm0, $0xb8;
	[tilespmem:$0x1B880] =	vst v63  }
0x1f2: {  	s28 =	simm.s32 $0x13000  }
0x1f3: {  	[tilespmem:s28], [sflag:$0x1] =	stream.indirect_vreg.gather [hbm4b:s16+s18], $0x80, v4, vm0, $0xb8;
	[tilespmem:$0x1B880] =	vst v63  }
0x1f4: {  	v4 =	vld [tilespmem:$0x19910];
	_ =	sdelay $0x4  }
0x1f5: {  	v8 =	vshll.u32 v4, $0x2  }
0x1f6: {  	v4 =	vand.u32 $0x7, v4;
	v8 =	vand.u32 $0xFFFFFFE0, v8  }
0x1f7: {  	v4 =	vor.u32 v4, v8  }
0x1f8: {  	v8 =	vperm.xlane v4, v5;
	_ =	sdelay $0x1  }
0x1f9: {  	v8 =	vadd.s32 v7, v8;
	_ =	sdelay $0x1  }
0x1fa: {  	v4 =	vperm.xlane v4, v6;
	_ =	sdelay $0x1  }
0x1fb: {  	s29 =	simm.s32 $0x13800;
	v4 =	vadd.s32 v7, v4  }
0x1fc: {  	[tilespmem:s29], [sflag:$0x1] =	stream.indirect_vreg.gather [hbm4b:s14+s18], $0x80, v8, vm0, $0xb8;
	[tilespmem:$0x1B880] =	vst v63  }
0x1fd: {  	s30 =	simm.s32 $0x14000  }
0x1fe: {  	[tilespmem:s30], [sflag:$0x1] =	stream.indirect_vreg.gather [hbm4b:s16+s18], $0x80, v8, vm0, $0xb8;
	[tilespmem:$0x1B880] =	vst v63  }
0x1ff: {  	s31 =	simm.s32 $0x14800  }
0x200: {  	[tilespmem:s31], [sflag:$0x1] =	stream.indirect_vreg.gather [hbm4b:s14+s18], $0x80, v4, vm0, $0xb8;
	[tilespmem:$0x1B880] =	vst v63  }
0x201: {  	s20 =	simm.s32 $0x15000  }
0x202: {  	[tilespmem:s20], [sflag:$0x1] =	stream.indirect_vreg.gather [hbm4b:s16+s18], $0x80, v4, vm0, $0xb8;
	[tilespmem:$0x1B880] =	vst v63  }
0x203: {  	v4 =	vld [tilespmem:$0x19920];
	_ =	sdelay $0x4  }
0x204: {  	v8 =	vshll.u32 v4, $0x2  }
0x205: {  	v4 =	vand.u32 $0x7, v4;
	v8 =	vand.u32 $0xFFFFFFE0, v8  }
0x206: {  	v4 =	vor.u32 v4, v8  }
0x207: {  	v8 =	vperm.xlane v4, v5;
	_ =	sdelay $0x1  }
0x208: {  	v8 =	vadd.s32 v7, v8;
	_ =	sdelay $0x1  }
0x209: {  	v4 =	vperm.xlane v4, v6;
	_ =	sdelay $0x1  }
0x20a: {  	s21 =	simm.s32 $0x15800;
	v4 =	vadd.s32 v7, v4  }
0x20b: {  	[tilespmem:s21], [sflag:$0x1] =	stream.indirect_vreg.gather [hbm4b:s14+s18], $0x80, v8, vm0, $0xb8;
	[tilespmem:$0x1B880] =	vst v63  }
0x20c: {  	s22 =	simm.s32 $0x16000  }
0x20d: {  	[tilespmem:s22], [sflag:$0x1] =	stream.indirect_vreg.gather [hbm4b:s16+s18], $0x80, v8, vm0, $0xb8;
	[tilespmem:$0x1B880] =	vst v63  }
0x20e: {  	s23 =	simm.s32 $0x16800  }
0x20f: {  	[tilespmem:s23], [sflag:$0x1] =	stream.indirect_vreg.gather [hbm4b:s14+s18], $0x80, v4, vm0, $0xb8;
	[tilespmem:$0x1B880] =	vst v63  }
0x210: {  	s24 =	simm.s32 $0x17000  }
0x211: {  	[tilespmem:s24], [sflag:$0x1] =	stream.indirect_vreg.gather [hbm4b:s16+s18], $0x80, v4, vm0, $0xb8;
	[tilespmem:$0x1B880] =	vst v63  }
0x212: {  	v4 =	vld [tilespmem:$0x19930];
	_ =	sdelay $0x4  }
0x213: {  	v8 =	vshll.u32 v4, $0x2  }
0x214: {  	v4 =	vand.u32 $0x7, v4;
	v8 =	vand.u32 $0xFFFFFFE0, v8  }
0x215: {  	v4 =	vor.u32 v4, v8  }
0x216: {  	v5 =	vperm.xlane v4, v5;
	_ =	sdelay $0x1  }
0x217: {  	v5 =	vadd.s32 v7, v5;
	_ =	sdelay $0x1  }
0x218: {  	v4 =	vperm.xlane v4, v6;
	_ =	sdelay $0x1  }
0x219: {  	s25 =	simm.s32 $0x17800;
	v4 =	vadd.s32 v7, v4  }
0x21a: {  	[tilespmem:s25], [sflag:$0x1] =	stream.indirect_vreg.gather [hbm4b:s14+s18], $0x80, v5, vm0, $0xb8;
	[tilespmem:$0x1B880] =	vst v63  }
0x21b: {  	s26 =	simm.s32 $0x18000  }
0x21c: {  	[tilespmem:s26], [sflag:$0x1] =	stream.indirect_vreg.gather [hbm4b:s16+s18], $0x80, v5, vm0, $0xb8;
	v5 =	vmov s18;
	[tilespmem:$0x1B880] =	vst v63  }
0x21d: {  	s28 =	simm.s32 $0x18800;
	v6 =	vshll.u32 v5, $0x9  }
0x21e: {  	v5 =	vshll.u32 v5, $0x7;
	[tilespmem:s28], [sflag:$0x1] =	stream.indirect_vreg.gather [hbm4b:s14+s18], $0x80, v4, vm0, $0xb8;
	v6 =	vand.u32 $0x7000, v6;
	[tilespmem:$0x1B880] =	vst v63  }
0x21f: {  	s29 =	simm.s32 $0x19000;
	v5 =	vand.u32 $0x380, v5;
	v7 =	vadd.s32 v2, v6  }
0x220: {  	[tilespmem:s29], [sflag:$0x1] =	stream.indirect_vreg.gather [hbm4b:s16+s18], $0x80, v4, vm0, $0xb8;
	v4 =	vadd.s32 v3, v6;
	v6 =	vor.u32 v5, v7;
	[tilespmem:$0x1B880] =	vst v63  }
0x221: {  	s30 =	simm.s32 $0x1;
	v5 =	vor.u32 v5, v4  }
0x222: {  	s31 =	simm.s32 $0x1;
	_ =	swait.ge [sflag:s30], $0x8000  }
0x223: {  	v4 =	vmov s31;
	[sflag:s30] =	ssyncset.done $0x0  }
0x224: {  	v7 =	vshll.u32 v4, $0x9;
	[sflag:s30] =	ssyncadd.s32 $0xFFFF8000  }
0x225: {  	v8 =	vshll.u32 v4, $0x7;
	v7 =	vand.u32 $0x7000, v7;
	v4 =	vld.idx.msk [tilespmem:v6+s17+$0x0], $0xffff  }
0x226: {  	v8 =	vand.u32 $0x380, v8;
	v9 =	vadd.s32 v2, v7;
	v10 =	vadd.s32 v3, v7;
	v6 =	vld.idx.msk [tilespmem:v5+s17+$0x0], $0xffff  }
0x227: {  	s19 =	simm.s32 $0x8500;
	s20 =	simm.s32 $0x2;
	s18 =	simm.s32 $0x8500;
	v7 =	vor.u32 v8, v9;
	v5 =	vor.u32 v8, v10  }
.LBB2_16:
0x228: {  	_ = 	snop  }
0x229: {  	p1 =	sne.s32 s20, $0x3F  }
0x22a: {  	s19 =	sadd.s32 $0x80, s19;
	s21 =	smov.u32 s20;
	s20 =	sadd.s32 $0x1, s20;
	[tilespmem:s18+$0x0] =	vst v4  }
.Ltmp8:
0x22b: {  	v4 =	vmov s21;
	[tilespmem:s18+$0x10] =	vst v6;
	s18 =	smov.u32 s19;
	(pc) =	sbr.rel @p1 .LBB2_16-.Ltmp8, $4  }
0x22c: {  	v6 =	vshll.u32 v4, $0x9;
	v8 =	vshll.u32 v4, $0x7;
	v4 =	vld.idx.msk [tilespmem:v7+s17+$0x0], $0xffff  }
0x22d: {  	v7 =	vand.u32 $0x7000, v6;
	v6 =	vld.idx.msk [tilespmem:v5+s17+$0x0], $0xffff  }
0x22e: {  	v5 =	vand.u32 $0x380, v8;
	v8 =	vadd.s32 v2, v7;
	v9 =	vadd.s32 v3, v7  }
0x22f: {  	v7 =	vor.u32 v5, v8;
	v5 =	vor.u32 v5, v9  }
0x230: {  	_ =	sdelay $0x1  }
0x231: {  	[tilespmem:s18+$0x0] =	vst v4  }
0x232: {  	[tilespmem:s18+$0x10] =	vst v6  }
0x233: {  	v4 =	vld.idx.msk [tilespmem:v7+s17+$0x0], $0xffff  }
0x234: {  	v5 =	vld.idx.msk [tilespmem:v5+s17+$0x0], $0xffff;
	_ =	sdelay $0x2  }
0x235: {  	s24 =	sadd.s32 $0x80, s19  }
0x236: {  	[tilespmem:s24+$0x0] =	vst v4  }
0x237: {  	[tilespmem:s24+$0x10] =	vst v5  }
0x238: {  	v4 =	vld [tilespmem:$0x19940];
	_ =	sdelay $0x4  }
0x239: {  	v5 =	vshll.u32 v4, $0x2  }
0x23a: {  	v6 =	vlaneseq.u32;
	v4 =	vand.u32 $0x7, v4;
	v5 =	vand.u32 $0xFFFFFFE0, v5  }
0x23b: {  	v7 =	vshrl.u32 v6, $0x3;
	v4 =	vor.u32 v4, v5;
	v5 =	vand.u32 $0x7, v6  }
0x23c: {  	v7 =	vmul.u32 $0x8, v7;
	v8 =	vperm.xlane v4, v5;
	_ =	sdelay $0x1  }
0x23d: {  	v8 =	vadd.s32 v7, v8  }
0x23e: {  	v6 =	vor.u32 $0x8, v6  }
0x23f: {  	v4 =	vperm.xlane v4, v6;
	_ =	sdelay $0x1  }
0x240: {  	s18 =	simm.s32 $0x0;
	s17 =	simm.s32 $0x11800;
	v4 =	vadd.s32 v7, v4  }
0x241: {  	[tilespmem:s17], [sflag:$0x1] =	stream.indirect_vreg.gather [hbm4b:s14+s18], $0x80, v8, vm0, $0xb8;
	[tilespmem:$0x1B880] =	vst v63  }
0x242: {  	s25 =	simm.s32 $0x12000  }
0x243: {  	[tilespmem:s25], [sflag:$0x1] =	stream.indirect_vreg.gather [hbm4b:s16+s18], $0x80, v8, vm0, $0xb8;
	[tilespmem:$0x1B880] =	vst v63  }
0x244: {  	s26 =	simm.s32 $0x12800  }
0x245: {  	[tilespmem:s26], [sflag:$0x1] =	stream.indirect_vreg.gather [hbm4b:s14+s18], $0x80, v4, vm0, $0xb8;
	[tilespmem:$0x1B880] =	vst v63  }
0x246: {  	s28 =	simm.s32 $0x13000  }
0x247: {  	[tilespmem:s28], [sflag:$0x1] =	stream.indirect_vreg.gather [hbm4b:s16+s18], $0x80, v4, vm0, $0xb8;
	[tilespmem:$0x1B880] =	vst v63  }
0x248: {  	v4 =	vld [tilespmem:$0x19950];
	_ =	sdelay $0x4  }
0x249: {  	v8 =	vshll.u32 v4, $0x2  }
0x24a: {  	v4 =	vand.u32 $0x7, v4;
	v8 =	vand.u32 $0xFFFFFFE0, v8  }
0x24b: {  	v4 =	vor.u32 v4, v8  }
0x24c: {  	v8 =	vperm.xlane v4, v5;
	_ =	sdelay $0x1  }
0x24d: {  	v8 =	vadd.s32 v7, v8;
	_ =	sdelay $0x1  }
0x24e: {  	v4 =	vperm.xlane v4, v6;
	_ =	sdelay $0x1  }
0x24f: {  	s29 =	simm.s32 $0x13800;
	v4 =	vadd.s32 v7, v4  }
0x250: {  	[tilespmem:s29], [sflag:$0x1] =	stream.indirect_vreg.gather [hbm4b:s14+s18], $0x80, v8, vm0, $0xb8;
	[tilespmem:$0x1B880] =	vst v63  }
0x251: {  	s30 =	simm.s32 $0x14000  }
0x252: {  	[tilespmem:s30], [sflag:$0x1] =	stream.indirect_vreg.gather [hbm4b:s16+s18], $0x80, v8, vm0, $0xb8;
	[tilespmem:$0x1B880] =	vst v63  }
0x253: {  	s31 =	simm.s32 $0x14800  }
0x254: {  	[tilespmem:s31], [sflag:$0x1] =	stream.indirect_vreg.gather [hbm4b:s14+s18], $0x80, v4, vm0, $0xb8;
	[tilespmem:$0x1B880] =	vst v63  }
0x255: {  	s20 =	simm.s32 $0x15000  }
0x256: {  	[tilespmem:s20], [sflag:$0x1] =	stream.indirect_vreg.gather [hbm4b:s16+s18], $0x80, v4, vm0, $0xb8;
	[tilespmem:$0x1B880] =	vst v63  }
0x257: {  	v4 =	vld [tilespmem:$0x19960];
	_ =	sdelay $0x4  }
0x258: {  	v8 =	vshll.u32 v4, $0x2  }
0x259: {  	v4 =	vand.u32 $0x7, v4;
	v8 =	vand.u32 $0xFFFFFFE0, v8  }
0x25a: {  	v4 =	vor.u32 v4, v8  }
0x25b: {  	v8 =	vperm.xlane v4, v5;
	_ =	sdelay $0x1  }
0x25c: {  	v8 =	vadd.s32 v7, v8;
	_ =	sdelay $0x1  }
0x25d: {  	v4 =	vperm.xlane v4, v6;
	_ =	sdelay $0x1  }
0x25e: {  	s21 =	simm.s32 $0x15800;
	v4 =	vadd.s32 v7, v4  }
0x25f: {  	[tilespmem:s21], [sflag:$0x1] =	stream.indirect_vreg.gather [hbm4b:s14+s18], $0x80, v8, vm0, $0xb8;
	[tilespmem:$0x1B880] =	vst v63  }
0x260: {  	s22 =	simm.s32 $0x16000  }
0x261: {  	[tilespmem:s22], [sflag:$0x1] =	stream.indirect_vreg.gather [hbm4b:s16+s18], $0x80, v8, vm0, $0xb8;
	[tilespmem:$0x1B880] =	vst v63  }
0x262: {  	s23 =	simm.s32 $0x16800  }
0x263: {  	[tilespmem:s23], [sflag:$0x1] =	stream.indirect_vreg.gather [hbm4b:s14+s18], $0x80, v4, vm0, $0xb8;
	[tilespmem:$0x1B880] =	vst v63  }
0x264: {  	s24 =	simm.s32 $0x17000  }
0x265: {  	[tilespmem:s24], [sflag:$0x1] =	stream.indirect_vreg.gather [hbm4b:s16+s18], $0x80, v4, vm0, $0xb8;
	[tilespmem:$0x1B880] =	vst v63  }
0x266: {  	v4 =	vld [tilespmem:$0x19970];
	_ =	sdelay $0x4  }
0x267: {  	v8 =	vshll.u32 v4, $0x2  }
0x268: {  	v4 =	vand.u32 $0x7, v4;
	v8 =	vand.u32 $0xFFFFFFE0, v8  }
0x269: {  	v4 =	vor.u32 v4, v8  }
0x26a: {  	v5 =	vperm.xlane v4, v5;
	_ =	sdelay $0x1  }
0x26b: {  	v5 =	vadd.s32 v7, v5;
	_ =	sdelay $0x1  }
0x26c: {  	v4 =	vperm.xlane v4, v6;
	_ =	sdelay $0x1  }
0x26d: {  	s25 =	simm.s32 $0x17800;
	v4 =	vadd.s32 v7, v4  }
0x26e: {  	[tilespmem:s25], [sflag:$0x1] =	stream.indirect_vreg.gather [hbm4b:s14+s18], $0x80, v5, vm0, $0xb8;
	[tilespmem:$0x1B880] =	vst v63  }
0x26f: {  	s26 =	simm.s32 $0x18000  }
0x270: {  	[tilespmem:s26], [sflag:$0x1] =	stream.indirect_vreg.gather [hbm4b:s16+s18], $0x80, v5, vm0, $0xb8;
	v5 =	vmov s18;
	[tilespmem:$0x1B880] =	vst v63  }
0x271: {  	s28 =	simm.s32 $0x18800;
	v6 =	vshll.u32 v5, $0x9  }
0x272: {  	v5 =	vshll.u32 v5, $0x7;
	[tilespmem:s28], [sflag:$0x1] =	stream.indirect_vreg.gather [hbm4b:s14+s18], $0x80, v4, vm0, $0xb8;
	v6 =	vand.u32 $0x7000, v6;
	[tilespmem:$0x1B880] =	vst v63  }
0x273: {  	s29 =	simm.s32 $0x19000;
	v5 =	vand.u32 $0x380, v5;
	v7 =	vadd.s32 v2, v6  }
0x274: {  	[tilespmem:s29], [sflag:$0x1] =	stream.indirect_vreg.gather [hbm4b:s16+s18], $0x80, v4, vm0, $0xb8;
	v4 =	vadd.s32 v3, v6;
	v6 =	vor.u32 v5, v7;
	[tilespmem:$0x1B880] =	vst v63  }
0x275: {  	s30 =	simm.s32 $0x1;
	v5 =	vor.u32 v5, v4  }
0x276: {  	s31 =	simm.s32 $0x1;
	_ =	swait.ge [sflag:s30], $0x8000  }
0x277: {  	v4 =	vmov s31;
	[sflag:s30] =	ssyncset.done $0x0  }
0x278: {  	v7 =	vshll.u32 v4, $0x9;
	[sflag:s30] =	ssyncadd.s32 $0xFFFF8000  }
0x279: {  	v8 =	vshll.u32 v4, $0x7;
	v7 =	vand.u32 $0x7000, v7;
	v4 =	vld.idx.msk [tilespmem:v6+s17+$0x0], $0xffff  }
0x27a: {  	v8 =	vand.u32 $0x380, v8;
	v9 =	vadd.s32 v2, v7;
	v10 =	vadd.s32 v3, v7;
	v6 =	vld.idx.msk [tilespmem:v5+s17+$0x0], $0xffff  }
0x27b: {  	s19 =	simm.s32 $0xA500;
	s20 =	simm.s32 $0x2;
	s18 =	simm.s32 $0xA500;
	v7 =	vor.u32 v8, v9;
	v5 =	vor.u32 v8, v10  }
.LBB2_18:
0x27c: {  	_ = 	snop  }
0x27d: {  	p1 =	sne.s32 s20, $0x3F  }
0x27e: {  	s19 =	sadd.s32 $0x80, s19;
	s21 =	smov.u32 s20;
	s20 =	sadd.s32 $0x1, s20;
	[tilespmem:s18+$0x0] =	vst v4  }
.Ltmp9:
0x27f: {  	v4 =	vmov s21;
	[tilespmem:s18+$0x10] =	vst v6;
	s18 =	smov.u32 s19;
	(pc) =	sbr.rel @p1 .LBB2_18-.Ltmp9, $4  }
0x280: {  	v6 =	vshll.u32 v4, $0x9;
	v8 =	vshll.u32 v4, $0x7;
	v4 =	vld.idx.msk [tilespmem:v7+s17+$0x0], $0xffff  }
0x281: {  	v7 =	vand.u32 $0x7000, v6;
	v6 =	vld.idx.msk [tilespmem:v5+s17+$0x0], $0xffff  }
0x282: {  	v5 =	vand.u32 $0x380, v8;
	v8 =	vadd.s32 v2, v7;
	v9 =	vadd.s32 v3, v7  }
0x283: {  	v7 =	vor.u32 v5, v8;
	v5 =	vor.u32 v5, v9  }
0x284: {  	_ =	sdelay $0x1  }
0x285: {  	[tilespmem:s18+$0x0] =	vst v4  }
0x286: {  	[tilespmem:s18+$0x10] =	vst v6  }
0x287: {  	v4 =	vld.idx.msk [tilespmem:v7+s17+$0x0], $0xffff  }
0x288: {  	v5 =	vld.idx.msk [tilespmem:v5+s17+$0x0], $0xffff;
	_ =	sdelay $0x2  }
0x289: {  	s24 =	sadd.s32 $0x80, s19  }
0x28a: {  	[tilespmem:s24+$0x0] =	vst v4  }
0x28b: {  	[tilespmem:s24+$0x10] =	vst v5  }
0x28c: {  	v4 =	vld [tilespmem:$0x19980];
	_ =	sdelay $0x4  }
0x28d: {  	v5 =	vshll.u32 v4, $0x2  }
0x28e: {  	v6 =	vlaneseq.u32;
	v4 =	vand.u32 $0x7, v4;
	v5 =	vand.u32 $0xFFFFFFE0, v5  }
0x28f: {  	v7 =	vshrl.u32 v6, $0x3;
	v4 =	vor.u32 v4, v5;
	v5 =	vand.u32 $0x7, v6  }
0x290: {  	v7 =	vmul.u32 $0x8, v7;
	v8 =	vperm.xlane v4, v5;
	_ =	sdelay $0x1  }
0x291: {  	v8 =	vadd.s32 v7, v8  }
0x292: {  	v6 =	vor.u32 $0x8, v6  }
0x293: {  	v4 =	vperm.xlane v4, v6;
	_ =	sdelay $0x1  }
0x294: {  	s18 =	simm.s32 $0x0;
	s17 =	simm.s32 $0x11800;
	v4 =	vadd.s32 v7, v4  }
0x295: {  	[tilespmem:s17], [sflag:$0x1] =	stream.indirect_vreg.gather [hbm4b:s14+s18], $0x80, v8, vm0, $0xb8;
	[tilespmem:$0x1B880] =	vst v63  }
0x296: {  	s25 =	simm.s32 $0x12000  }
0x297: {  	[tilespmem:s25], [sflag:$0x1] =	stream.indirect_vreg.gather [hbm4b:s16+s18], $0x80, v8, vm0, $0xb8;
	[tilespmem:$0x1B880] =	vst v63  }
0x298: {  	s26 =	simm.s32 $0x12800  }
0x299: {  	[tilespmem:s26], [sflag:$0x1] =	stream.indirect_vreg.gather [hbm4b:s14+s18], $0x80, v4, vm0, $0xb8;
	[tilespmem:$0x1B880] =	vst v63  }
0x29a: {  	s28 =	simm.s32 $0x13000  }
0x29b: {  	[tilespmem:s28], [sflag:$0x1] =	stream.indirect_vreg.gather [hbm4b:s16+s18], $0x80, v4, vm0, $0xb8;
	[tilespmem:$0x1B880] =	vst v63  }
0x29c: {  	v4 =	vld [tilespmem:$0x19990];
	_ =	sdelay $0x4  }
0x29d: {  	v8 =	vshll.u32 v4, $0x2  }
0x29e: {  	v4 =	vand.u32 $0x7, v4;
	v8 =	vand.u32 $0xFFFFFFE0, v8  }
0x29f: {  	v4 =	vor.u32 v4, v8  }
0x2a0: {  	v8 =	vperm.xlane v4, v5;
	_ =	sdelay $0x1  }
0x2a1: {  	v8 =	vadd.s32 v7, v8;
	_ =	sdelay $0x1  }
0x2a2: {  	v4 =	vperm.xlane v4, v6;
	_ =	sdelay $0x1  }
0x2a3: {  	s29 =	simm.s32 $0x13800;
	v4 =	vadd.s32 v7, v4  }
0x2a4: {  	[tilespmem:s29], [sflag:$0x1] =	stream.indirect_vreg.gather [hbm4b:s14+s18], $0x80, v8, vm0, $0xb8;
	[tilespmem:$0x1B880] =	vst v63  }
0x2a5: {  	s30 =	simm.s32 $0x14000  }
0x2a6: {  	[tilespmem:s30], [sflag:$0x1] =	stream.indirect_vreg.gather [hbm4b:s16+s18], $0x80, v8, vm0, $0xb8;
	[tilespmem:$0x1B880] =	vst v63  }
0x2a7: {  	s31 =	simm.s32 $0x14800  }
0x2a8: {  	[tilespmem:s31], [sflag:$0x1] =	stream.indirect_vreg.gather [hbm4b:s14+s18], $0x80, v4, vm0, $0xb8;
	[tilespmem:$0x1B880] =	vst v63  }
0x2a9: {  	s20 =	simm.s32 $0x15000  }
0x2aa: {  	[tilespmem:s20], [sflag:$0x1] =	stream.indirect_vreg.gather [hbm4b:s16+s18], $0x80, v4, vm0, $0xb8;
	[tilespmem:$0x1B880] =	vst v63  }
0x2ab: {  	v4 =	vld [tilespmem:$0x199A0];
	_ =	sdelay $0x4  }
0x2ac: {  	v8 =	vshll.u32 v4, $0x2  }
0x2ad: {  	v4 =	vand.u32 $0x7, v4;
	v8 =	vand.u32 $0xFFFFFFE0, v8  }
0x2ae: {  	v4 =	vor.u32 v4, v8  }
0x2af: {  	v8 =	vperm.xlane v4, v5;
	_ =	sdelay $0x1  }
0x2b0: {  	v8 =	vadd.s32 v7, v8;
	_ =	sdelay $0x1  }
0x2b1: {  	v4 =	vperm.xlane v4, v6;
	_ =	sdelay $0x1  }
0x2b2: {  	s21 =	simm.s32 $0x15800;
	v4 =	vadd.s32 v7, v4  }
0x2b3: {  	[tilespmem:s21], [sflag:$0x1] =	stream.indirect_vreg.gather [hbm4b:s14+s18], $0x80, v8, vm0, $0xb8;
	[tilespmem:$0x1B880] =	vst v63  }
0x2b4: {  	s22 =	simm.s32 $0x16000  }
0x2b5: {  	[tilespmem:s22], [sflag:$0x1] =	stream.indirect_vreg.gather [hbm4b:s16+s18], $0x80, v8, vm0, $0xb8;
	[tilespmem:$0x1B880] =	vst v63  }
0x2b6: {  	s23 =	simm.s32 $0x16800  }
0x2b7: {  	[tilespmem:s23], [sflag:$0x1] =	stream.indirect_vreg.gather [hbm4b:s14+s18], $0x80, v4, vm0, $0xb8;
	[tilespmem:$0x1B880] =	vst v63  }
0x2b8: {  	s24 =	simm.s32 $0x17000  }
0x2b9: {  	[tilespmem:s24], [sflag:$0x1] =	stream.indirect_vreg.gather [hbm4b:s16+s18], $0x80, v4, vm0, $0xb8;
	[tilespmem:$0x1B880] =	vst v63  }
0x2ba: {  	v4 =	vld [tilespmem:$0x199B0];
	_ =	sdelay $0x4  }
0x2bb: {  	v8 =	vshll.u32 v4, $0x2  }
0x2bc: {  	v4 =	vand.u32 $0x7, v4;
	v8 =	vand.u32 $0xFFFFFFE0, v8  }
0x2bd: {  	v4 =	vor.u32 v4, v8  }
0x2be: {  	v5 =	vperm.xlane v4, v5;
	_ =	sdelay $0x1  }
0x2bf: {  	v5 =	vadd.s32 v7, v5;
	_ =	sdelay $0x1  }
0x2c0: {  	v4 =	vperm.xlane v4, v6;
	_ =	sdelay $0x1  }
0x2c1: {  	s25 =	simm.s32 $0x17800;
	v4 =	vadd.s32 v7, v4  }
0x2c2: {  	[tilespmem:s25], [sflag:$0x1] =	stream.indirect_vreg.gather [hbm4b:s14+s18], $0x80, v5, vm0, $0xb8;
	[tilespmem:$0x1B880] =	vst v63  }
0x2c3: {  	s26 =	simm.s32 $0x18000  }
0x2c4: {  	[tilespmem:s26], [sflag:$0x1] =	stream.indirect_vreg.gather [hbm4b:s16+s18], $0x80, v5, vm0, $0xb8;
	v5 =	vmov s18;
	[tilespmem:$0x1B880] =	vst v63  }
0x2c5: {  	s28 =	simm.s32 $0x18800;
	v6 =	vshll.u32 v5, $0x9  }
0x2c6: {  	v5 =	vshll.u32 v5, $0x7;
	[tilespmem:s28], [sflag:$0x1] =	stream.indirect_vreg.gather [hbm4b:s14+s18], $0x80, v4, vm0, $0xb8;
	v6 =	vand.u32 $0x7000, v6;
	[tilespmem:$0x1B880] =	vst v63  }
0x2c7: {  	s29 =	simm.s32 $0x19000;
	v5 =	vand.u32 $0x380, v5;
	v7 =	vadd.s32 v2, v6  }
0x2c8: {  	[tilespmem:s29], [sflag:$0x1] =	stream.indirect_vreg.gather [hbm4b:s16+s18], $0x80, v4, vm0, $0xb8;
	v4 =	vadd.s32 v3, v6;
	v6 =	vor.u32 v5, v7;
	[tilespmem:$0x1B880] =	vst v63  }
0x2c9: {  	s30 =	simm.s32 $0x1;
	v5 =	vor.u32 v5, v4  }
0x2ca: {  	s31 =	simm.s32 $0x1;
	_ =	swait.ge [sflag:s30], $0x8000  }
0x2cb: {  	v4 =	vmov s31;
	[sflag:s30] =	ssyncset.done $0x0  }
0x2cc: {  	v7 =	vshll.u32 v4, $0x9;
	[sflag:s30] =	ssyncadd.s32 $0xFFFF8000  }
0x2cd: {  	v8 =	vshll.u32 v4, $0x7;
	v7 =	vand.u32 $0x7000, v7;
	v4 =	vld.idx.msk [tilespmem:v6+s17+$0x0], $0xffff  }
0x2ce: {  	v8 =	vand.u32 $0x380, v8;
	v9 =	vadd.s32 v2, v7;
	v10 =	vadd.s32 v3, v7;
	v6 =	vld.idx.msk [tilespmem:v5+s17+$0x0], $0xffff  }
0x2cf: {  	s19 =	simm.s32 $0xC500;
	s20 =	simm.s32 $0x2;
	s18 =	simm.s32 $0xC500;
	v7 =	vor.u32 v8, v9;
	v5 =	vor.u32 v8, v10  }
.LBB2_20:
0x2d0: {  	_ = 	snop  }
0x2d1: {  	p1 =	sne.s32 s20, $0x3F  }
0x2d2: {  	s19 =	sadd.s32 $0x80, s19;
	s21 =	smov.u32 s20;
	s20 =	sadd.s32 $0x1, s20;
	[tilespmem:s18+$0x0] =	vst v4  }
.Ltmp10:
0x2d3: {  	v4 =	vmov s21;
	[tilespmem:s18+$0x10] =	vst v6;
	s18 =	smov.u32 s19;
	(pc) =	sbr.rel @p1 .LBB2_20-.Ltmp10, $4  }
0x2d4: {  	v6 =	vshll.u32 v4, $0x9;
	v8 =	vshll.u32 v4, $0x7;
	v4 =	vld.idx.msk [tilespmem:v7+s17+$0x0], $0xffff  }
0x2d5: {  	v7 =	vand.u32 $0x7000, v6;
	v6 =	vld.idx.msk [tilespmem:v5+s17+$0x0], $0xffff  }
0x2d6: {  	v5 =	vand.u32 $0x380, v8;
	v8 =	vadd.s32 v2, v7;
	v9 =	vadd.s32 v3, v7  }
0x2d7: {  	v7 =	vor.u32 v5, v8;
	v5 =	vor.u32 v5, v9  }
0x2d8: {  	_ =	sdelay $0x1  }
0x2d9: {  	[tilespmem:s18+$0x0] =	vst v4  }
0x2da: {  	[tilespmem:s18+$0x10] =	vst v6  }
0x2db: {  	v4 =	vld.idx.msk [tilespmem:v7+s17+$0x0], $0xffff  }
0x2dc: {  	v5 =	vld.idx.msk [tilespmem:v5+s17+$0x0], $0xffff;
	_ =	sdelay $0x2  }
0x2dd: {  	s24 =	sadd.s32 $0x80, s19  }
0x2de: {  	[tilespmem:s24+$0x0] =	vst v4  }
0x2df: {  	[tilespmem:s24+$0x10] =	vst v5  }
0x2e0: {  	v4 =	vld [tilespmem:$0x199C0];
	_ =	sdelay $0x4  }
0x2e1: {  	v5 =	vshll.u32 v4, $0x2  }
0x2e2: {  	v6 =	vlaneseq.u32;
	v4 =	vand.u32 $0x7, v4;
	v5 =	vand.u32 $0xFFFFFFE0, v5  }
0x2e3: {  	v7 =	vshrl.u32 v6, $0x3;
	v4 =	vor.u32 v4, v5;
	v5 =	vand.u32 $0x7, v6  }
0x2e4: {  	v7 =	vmul.u32 $0x8, v7;
	v8 =	vperm.xlane v4, v5;
	_ =	sdelay $0x1  }
0x2e5: {  	v8 =	vadd.s32 v7, v8  }
0x2e6: {  	v6 =	vor.u32 $0x8, v6  }
0x2e7: {  	v4 =	vperm.xlane v4, v6;
	_ =	sdelay $0x1  }
0x2e8: {  	s18 =	simm.s32 $0x0;
	s17 =	simm.s32 $0x11800;
	v4 =	vadd.s32 v7, v4  }
0x2e9: {  	[tilespmem:s17], [sflag:$0x1] =	stream.indirect_vreg.gather [hbm4b:s14+s18], $0x80, v8, vm0, $0xb8;
	[tilespmem:$0x1B880] =	vst v63  }
0x2ea: {  	s25 =	simm.s32 $0x12000  }
0x2eb: {  	[tilespmem:s25], [sflag:$0x1] =	stream.indirect_vreg.gather [hbm4b:s16+s18], $0x80, v8, vm0, $0xb8;
	[tilespmem:$0x1B880] =	vst v63  }
0x2ec: {  	s26 =	simm.s32 $0x12800  }
0x2ed: {  	[tilespmem:s26], [sflag:$0x1] =	stream.indirect_vreg.gather [hbm4b:s14+s18], $0x80, v4, vm0, $0xb8;
	[tilespmem:$0x1B880] =	vst v63  }
0x2ee: {  	s28 =	simm.s32 $0x13000  }
0x2ef: {  	[tilespmem:s28], [sflag:$0x1] =	stream.indirect_vreg.gather [hbm4b:s16+s18], $0x80, v4, vm0, $0xb8;
	[tilespmem:$0x1B880] =	vst v63  }
0x2f0: {  	v4 =	vld [tilespmem:$0x199D0];
	_ =	sdelay $0x4  }
0x2f1: {  	v8 =	vshll.u32 v4, $0x2  }
0x2f2: {  	v4 =	vand.u32 $0x7, v4;
	v8 =	vand.u32 $0xFFFFFFE0, v8  }
0x2f3: {  	v4 =	vor.u32 v4, v8  }
0x2f4: {  	v8 =	vperm.xlane v4, v5;
	_ =	sdelay $0x1  }
0x2f5: {  	v8 =	vadd.s32 v7, v8;
	_ =	sdelay $0x1  }
0x2f6: {  	v4 =	vperm.xlane v4, v6;
	_ =	sdelay $0x1  }
0x2f7: {  	s29 =	simm.s32 $0x13800;
	v4 =	vadd.s32 v7, v4  }
0x2f8: {  	[tilespmem:s29], [sflag:$0x1] =	stream.indirect_vreg.gather [hbm4b:s14+s18], $0x80, v8, vm0, $0xb8;
	[tilespmem:$0x1B880] =	vst v63  }
0x2f9: {  	s30 =	simm.s32 $0x14000  }
0x2fa: {  	[tilespmem:s30], [sflag:$0x1] =	stream.indirect_vreg.gather [hbm4b:s16+s18], $0x80, v8, vm0, $0xb8;
	[tilespmem:$0x1B880] =	vst v63  }
0x2fb: {  	s31 =	simm.s32 $0x14800  }
0x2fc: {  	[tilespmem:s31], [sflag:$0x1] =	stream.indirect_vreg.gather [hbm4b:s14+s18], $0x80, v4, vm0, $0xb8;
	[tilespmem:$0x1B880] =	vst v63  }
0x2fd: {  	s20 =	simm.s32 $0x15000  }
0x2fe: {  	[tilespmem:s20], [sflag:$0x1] =	stream.indirect_vreg.gather [hbm4b:s16+s18], $0x80, v4, vm0, $0xb8;
	[tilespmem:$0x1B880] =	vst v63  }
0x2ff: {  	v4 =	vld [tilespmem:$0x199E0];
	_ =	sdelay $0x4  }
0x300: {  	v8 =	vshll.u32 v4, $0x2  }
0x301: {  	v4 =	vand.u32 $0x7, v4;
	v8 =	vand.u32 $0xFFFFFFE0, v8  }
0x302: {  	v4 =	vor.u32 v4, v8  }
0x303: {  	v8 =	vperm.xlane v4, v5;
	_ =	sdelay $0x1  }
0x304: {  	v8 =	vadd.s32 v7, v8;
	_ =	sdelay $0x1  }
0x305: {  	v4 =	vperm.xlane v4, v6;
	_ =	sdelay $0x1  }
0x306: {  	s21 =	simm.s32 $0x15800;
	v4 =	vadd.s32 v7, v4  }
0x307: {  	[tilespmem:s21], [sflag:$0x1] =	stream.indirect_vreg.gather [hbm4b:s14+s18], $0x80, v8, vm0, $0xb8;
	[tilespmem:$0x1B880] =	vst v63  }
0x308: {  	s22 =	simm.s32 $0x16000  }
0x309: {  	[tilespmem:s22], [sflag:$0x1] =	stream.indirect_vreg.gather [hbm4b:s16+s18], $0x80, v8, vm0, $0xb8;
	[tilespmem:$0x1B880] =	vst v63  }
0x30a: {  	s23 =	simm.s32 $0x16800  }
0x30b: {  	[tilespmem:s23], [sflag:$0x1] =	stream.indirect_vreg.gather [hbm4b:s14+s18], $0x80, v4, vm0, $0xb8;
	[tilespmem:$0x1B880] =	vst v63  }
0x30c: {  	s24 =	simm.s32 $0x17000  }
0x30d: {  	[tilespmem:s24], [sflag:$0x1] =	stream.indirect_vreg.gather [hbm4b:s16+s18], $0x80, v4, vm0, $0xb8;
	[tilespmem:$0x1B880] =	vst v63  }
0x30e: {  	v4 =	vld [tilespmem:$0x199F0];
	_ =	sdelay $0x4  }
0x30f: {  	v8 =	vshll.u32 v4, $0x2  }
0x310: {  	v4 =	vand.u32 $0x7, v4;
	v8 =	vand.u32 $0xFFFFFFE0, v8  }
0x311: {  	v4 =	vor.u32 v4, v8  }
0x312: {  	v5 =	vperm.xlane v4, v5;
	_ =	sdelay $0x1  }
0x313: {  	v5 =	vadd.s32 v7, v5;
	_ =	sdelay $0x1  }
0x314: {  	v4 =	vperm.xlane v4, v6;
	_ =	sdelay $0x1  }
0x315: {  	s25 =	simm.s32 $0x17800;
	v4 =	vadd.s32 v7, v4  }
0x316: {  	[tilespmem:s25], [sflag:$0x1] =	stream.indirect_vreg.gather [hbm4b:s14+s18], $0x80, v5, vm0, $0xb8;
	[tilespmem:$0x1B880] =	vst v63  }
0x317: {  	s26 =	simm.s32 $0x18000  }
0x318: {  	[tilespmem:s26], [sflag:$0x1] =	stream.indirect_vreg.gather [hbm4b:s16+s18], $0x80, v5, vm0, $0xb8;
	v5 =	vmov s18;
	[tilespmem:$0x1B880] =	vst v63  }
0x319: {  	s28 =	simm.s32 $0x18800;
	v6 =	vshll.u32 v5, $0x9  }
0x31a: {  	v5 =	vshll.u32 v5, $0x7;
	[tilespmem:s28], [sflag:$0x1] =	stream.indirect_vreg.gather [hbm4b:s14+s18], $0x80, v4, vm0, $0xb8;
	v6 =	vand.u32 $0x7000, v6;
	[tilespmem:$0x1B880] =	vst v63  }
0x31b: {  	s29 =	simm.s32 $0x19000;
	v5 =	vand.u32 $0x380, v5;
	v7 =	vadd.s32 v2, v6  }
0x31c: {  	[tilespmem:s29], [sflag:$0x1] =	stream.indirect_vreg.gather [hbm4b:s16+s18], $0x80, v4, vm0, $0xb8;
	v4 =	vadd.s32 v3, v6;
	v6 =	vor.u32 v5, v7;
	[tilespmem:$0x1B880] =	vst v63  }
0x31d: {  	s30 =	simm.s32 $0x1;
	v5 =	vor.u32 v5, v4  }
0x31e: {  	s31 =	simm.s32 $0x1;
	_ =	swait.ge [sflag:s30], $0x8000  }
0x31f: {  	v4 =	vmov s31;
	[sflag:s30] =	ssyncset.done $0x0  }
0x320: {  	v7 =	vshll.u32 v4, $0x9;
	[sflag:s30] =	ssyncadd.s32 $0xFFFF8000  }
0x321: {  	v8 =	vshll.u32 v4, $0x7;
	v7 =	vand.u32 $0x7000, v7;
	v4 =	vld.idx.msk [tilespmem:v6+s17+$0x0], $0xffff  }
0x322: {  	v8 =	vand.u32 $0x380, v8;
	v9 =	vadd.s32 v2, v7;
	v10 =	vadd.s32 v3, v7;
	v6 =	vld.idx.msk [tilespmem:v5+s17+$0x0], $0xffff  }
0x323: {  	s14 =	simm.s32 $0xE500;
	s18 =	simm.s32 $0x2;
	s16 =	simm.s32 $0xE500;
	v7 =	vor.u32 v8, v9;
	v5 =	vor.u32 v8, v10  }
.LBB2_22:
0x324: {  	_ = 	snop  }
0x325: {  	p1 =	sne.s32 s18, $0x3F  }
0x326: {  	s16 =	sadd.s32 $0x80, s16;
	s19 =	smov.u32 s18;
	s18 =	sadd.s32 $0x1, s18;
	[tilespmem:s14+$0x0] =	vst v4  }
.Ltmp11:
0x327: {  	v4 =	vmov s19;
	[tilespmem:s14+$0x10] =	vst v6;
	s14 =	smov.u32 s16;
	(pc) =	sbr.rel @p1 .LBB2_22-.Ltmp11, $4  }
0x328: {  	v6 =	vshll.u32 v4, $0x9;
	v8 =	vshll.u32 v4, $0x7;
	v4 =	vld.idx.msk [tilespmem:v7+s17+$0x0], $0xffff  }
0x329: {  	v7 =	vand.u32 $0x7000, v6;
	v6 =	vld.idx.msk [tilespmem:v5+s17+$0x0], $0xffff  }
0x32a: {  	v5 =	vand.u32 $0x380, v8;
	v8 =	vadd.s32 v2, v7;
	v9 =	vadd.s32 v3, v7  }
0x32b: {  	v7 =	vor.u32 v5, v8;
	v5 =	vor.u32 v5, v9  }
0x32c: {  	_ =	sdelay $0x1  }
0x32d: {  	[tilespmem:s14+$0x0] =	vst v4  }
0x32e: {  	[tilespmem:s14+$0x10] =	vst v6  }
0x32f: {  	v6 =	vld.idx.msk [tilespmem:v7+s17+$0x0], $0xffff  }
0x330: {  	v7 =	vld.idx.msk [tilespmem:v5+s17+$0x0], $0xffff  }
.Ltmp12:
0x331: {  	v2 =	vmov s15;
	(pc) =	sbr.rel .LBB2_24-.Ltmp12, $4  }
0x332: {  	s20 =	sadd.s32 $0x80, s16;
	vm0 =	vlt.s32 v0, s15;
	v4 =	vlaneseq.u32;
	v5 =	vimm.f32 $0.0e+00  }
0x333: {  	s16 =	simm.s32 $0x11600;
	s18 =	simm.s32 $0x11580;
	s19 =	simm.s32 $0x2;
	v4 =	vmul.u32 $0x80, v4;
	v3 =	vsel vm0, $0x5D5E0B6B, v5;
	vm0 =	vlt.s32 v1, s15  }
0x334: {  	s21 =	simm.s32 $0x19F00;
	s22 =	simm.s32 $0x19F80;
	vm1 =	vlt.s32 v1, v2;
	vm2 =	vlt.s32 v0, v2;
	s14 =	simm.s32 $0x1;
	v5 =	vsel vm0, $0x5D5E0B6B, v5;
	[tilespmem:s20+$0x0] =	vst v6  }
0x335: {  	s17 =	simm.s32 $0x19C80;
	s15 =	simm.s32 $0x0;
	vm0 =	vmmov $0x1;
	v6 =	vimm.f32 $9.999999840e+17;
	[tilespmem:s20+$0x10] =	vst v7;
	s20 =	simm.s32 $0x1AC80;
	v7 =	vor.u32 $0x1, v4  }
.LBB2_31:
0x336: {  	[bflag:$0x0] =	sbarrier.arrive $0xFFFF  }
.LBB2_32:
0x337: {  	s14 =	sadd.s32 $0x1, s14  }
0x338: {  	p1 =	sne.s32 s14, $0x201  }
.Ltmp13:
0x339: {  	_ = 	snop;
	(pc) =	sbr.rel @!p1 .LBB2_33-.Ltmp13, $1  }
0x33a: {  	_ =	sdelay $0x3  }
.LBB2_24:
0x33b: {  	p1 =	sgt.s32 s14, s13  }
.Ltmp14:
0x33c: {  	_ = 	snop;
	(pc) =	sbr.rel @p1 .LBB2_32-.Ltmp14, $1  }
0x33d: {  	_ =	sdelay $0x3  }
0x33e: {  	[tilespmem:$0x10E00] =	vst v6  }
0x33f: {  	[tilespmem:$0x10E10] =	vst v6  }
0x340: {  	[tilespmem:$0x80] =	vst v3;
	s24 =	simm.f32 $0.0e+00  }
0x341: {  	[tilespmem:$0x90] =	vst v5;
	s25 =	simm.s32 $0x0;
	s26 =	simm.f32 $0.0e+00;
	s23 =	simm.s32 $0x0  }
.LBB2_26:
0x342: {  	s28 =	sadd.s32 $0xFFFFFFFF, s23  }
0x343: {  	s29 =	sshra.s32 s28, $0x1F  }
0x344: {  	s29 =	sshrl.u32 s29, $0x1B  }
0x345: {  	s29 =	sadd.s32 s29, s28  }
0x346: {  	s30 =	sand.u32 $0xFFFFFFE0, s29  }
0x347: {  	p1 =	slt.s32 s28, $0x1;
	p2 =	sne.s32 s28, s30  }
0x348: {  	p1 =	por !p1, !p2  }
0x349: {  	s30 =	simm.s32 $0x1;
	p1 =	por !p1, !p1  }
0x34a: {  	s29 =	sshra.s32 s29, $0x5;
	s30 =	simm.s32 @!p1 $0x0  }
0x34b: {  	p1 =	slt.s32 s23, $0x1;
	s29 =	ssub.s32 s29, s30  }
0x34c: {  	p2 =	sne.s32 @!p1 s29, s1  }
0x34d: {  	p1 =	por p2, p1;
	p2 =	sgt.s32 s28, $0x0  }
0x34e: {  	s29 =	sand.u32 @!p1 $0x1F, s28;
	s28 =	simm.s32 @!p2 $0x0  }
0x34f: {  	v8 =	vmov s28  }
0x350: {  	v9 =	vmov @!p1 s29;
	v8 =	vbroadcast v8, $0x0;
	_ =	sdelay $0x3  }
0x351: {  	v10 =	vmov @!p1 s24;
	s28 =	simm.s32 @!p1 $0x80  }
0x352: {  	[tilespmem:v9+s28+$0x0] =	vst.idx.msk @!p1 $0x1, v10  }
0x353: {  	v8 =	vld.idx.msk [tilespmem:v8+s16+$0x0], $0xffff;
	_ =	sdelay $0x4  }
0x354: {  	(v2sf) =	vpush v8, $0x0;
	_ =	sdelay $0xe  }
0x355: {  	s29 =	smov.u32 s14;
	p1 =	sgt.s32 s23, $0x0;
	s28 =	spop (v2sf)  }
0x356: {  	s29 =	smov.u32 @p1 s28  }
0x357: {  	s28 =	sadd.s32 $0xFFFFFFFF, s29  }
0x358: {  	v8 =	vmov s28;
	_ =	sdelay $0x4  }
0x359: {  	s28 =	sshll.u32 s28, $0x9;
	v8 =	vld.idx.msk [tilespmem:v8+s17+$0x0], $0xffff  }
0x35a: {  	v9 =	vld [tilespmem:$0x80];
	s28 =	sshra.s32 s28, $0x2  }
0x35b: {  	v10 =	vld [tilespmem:s28+$0x500]  }
0x35c: {  	v11 =	vld [tilespmem:$0x10E00]  }
0x35d: {  	v12 =	vld [tilespmem:$0x19E80]  }
0x35e: {  	v8 =	vbroadcast v8, $0x0;
	_ =	sdelay $0x1  }
0x35f: {  	v13 =	vmov s26;
	v10 =	vsub.f32 v10, v8  }
0x360: {  	v14 =	vsub.f32 v11, v13  }
0x361: {  	v50 =	vld [tilespmem:$0x1A800];
	vm3 =	vge.f32 v9, $9.999999840e+17;
	v49 =	vsub.f32 v10, v12  }
0x362: {  	v11 =	vsel vm3, v14, v11  }
0x363: {  	vm4 =	vlt.f32 v49, v11  }
0x364: {  	vm4 =	vmand vm3, vm4  }
0x365: {  	v9 =	vsel vm4, v49, v11  }
0x366: {  	v10 =	vsel vm4, s23, v50;
	[tilespmem:$0x10E00] =	vst v9  }
0x367: {  	v51 =	vld [tilespmem:$0x90];
	[tilespmem:$0x1A800] =	vst v10  }
0x368: {  	v52 =	vld [tilespmem:s28+$0x510]  }
0x369: {  	v53 =	vld [tilespmem:$0x10E10]  }
0x36a: {  	v54 =	vld [tilespmem:$0x19E90];
	_ =	sdelay $0x2  }
0x36b: {  	v8 =	vsub.f32 v52, v8  }
0x36c: {  	v55 =	vsub.f32 v53, v13  }
0x36d: {  	vm15 =	vge.f32 v51, $9.999999840e+17;
	v8 =	vsub.f32 v8, v54  }
0x36e: {  	v10 =	vsel vm15, v55, v53  }
0x36f: {  	vm5 =	vlt.f32 v8, v10  }
0x370: {  	vm5 =	vmand vm15, vm5  }
0x371: {  	v8 =	vsel vm5, v8, v10  }
0x372: {  	v9 =	vnsel vm3, $0x5D5E0B6B, v9;
	v10 =	vnsel vm15, $0x5D5E0B6B, v8  }
0x373: {  	vm3 =	vlt.f32 v10, v9  }
0x374: {  	v9 =	vsel vm3, v10, v9  }
0x375: {  	(xrf0) =	vmin.scan.msk.f32 $0xffff, v9;
	_ =	sdelay $0x5  }
0x376: {  	v56, _, _ =	vpop (xrf0)  }
0x377: {  	v10 =	vbroadcast v56, $0xF  }
0x378: {  	v57 =	vsel vm3, v1, v0  }
0x379: {  	v58 =	vor.u32 $0x80000000, v57;
	vm3 =	veq.f32 v9, v10  }
0x37a: {  	v9 =	vnsel vm3, $0xC0000000, v58  }
0x37b: {  	(xrf0) =	vmin.scan.msk.u32 $0xffff, v9;
	_ =	sdelay $0x5  }
0x37c: {  	v9, _, _ =	vpop (xrf0)  }
0x37d: {  	(v2sf) =	vpush v9, $0xF;
	_ =	sdelay $0xd  }
0x37e: {  	v59 =	vld [tilespmem:$0x1A810]  }
0x37f: {  	s30 =	spop (v2sf)  }
0x380: {  	s26 =	sxor.u32 $0x80000000, s30  }
0x381: {  	v60 =	vmov s26  }
0x382: {  	s31 =	sshll.u32 s15, $0xB;
	v11 =	vbroadcast v60, $0x0  }
0x383: {  	s28 =	sand.u32 $0x3FFFF800, s31;
	[tilespmem:$0x10E10] =	vst v8;
	v8 =	vsel vm5, s23, v59  }
0x384: {  	s23 =	sadd.s32 s28, s6;
	[tilespmem:$0x1A810] =	vst v8;
	v8 =	vsel vm0, v10, v11  }
0x385: {  	s29 =	sadd.s32 s11, s23;
	[tilespmem:$0x11580] =	vst v8  }
0x386: {  	[spmem:s29] =	stream.linear.scatter [tilespmem:s18], [sflag:$0x2], $0x80, $0x38;
	[tilespmem:$0x1B880] =	vst v63  }
0x387: {  	_ =	swait.ge [sflag:s19], $0x80  }
0x388: {  	[sflag:s19] =	ssyncset.done $0x0  }
0x389: {  	[sflag:s19] =	ssyncadd.s32 $0xFFFFFF80  }
0x38a: {  	[bflag:$0x0] =	sbarrier.arrive $0xFFFF  }
0x38b: {  	[tilespmem:s20], [sflag:$0x2] =	stream.linear.gather [spmem:s23], $0x800, $0x38;
	[tilespmem:$0x1B880] =	vst v63  }
0x38c: {  	_ =	swait.ge [sflag:s19], $0x800  }
0x38d: {  	[sflag:s19] =	ssyncset.done $0x0  }
0x38e: {  	[sflag:s19] =	ssyncadd.s32 $0xFFFFF800  }
0x38f: {  	v8 =	vld.idx.msk [tilespmem:v4+s20+$0x0], $0xffff;
	_ =	sdelay $0x4  }
0x390: {  	(xrf0) =	vmin.scan.msk.f32 $0xffff, v8;
	_ =	sdelay $0x3  }
0x391: {  	v61 =	vld.idx.msk [tilespmem:v7+s20+$0x0], $0xffff;
	_ =	sdelay $0x1  }
0x392: {  	v62, _, _ =	vpop (xrf0)  }
0x393: {  	v63 =	vbroadcast v62, $0xF;
	_ =	sdelay $0x1  }
0x394: {  	vm3 =	veq.f32 v8, v63;
	v8 =	vxor.u32 $0x80000000, v61  }
0x395: {  	v8 =	vnsel vm3, $0xC0000000, v8  }
0x396: {  	(xrf0) =	vmin.scan.msk.u32 $0xffff, v8;
	_ =	sdelay $0x5  }
0x397: {  	(v2sf) =	vpush v62, $0xF;
	v8, _, _ =	vpop (xrf0)  }
0x398: {  	(v2sf) =	vpush v8, $0xF;
	_ =	sdelay $0xd  }
0x399: {  	s26 =	spop (v2sf)  }
0x39a: {  	s30 =	spop (v2sf)  }
0x39b: {  	s28 =	sxor.u32 $0x80000000, s30  }
0x39c: {  	p1 =	slt.s32 s28, $0x1FF  }
0x39d: {  	s28 =	simm.s32 @!p1 $0x1FF  }
0x39e: {  	v8 =	vmov s28;
	_ =	sdelay $0x4  }
0x39f: {  	v8 =	vld.idx.msk [tilespmem:v8+s16+$0x0], $0xffff;
	_ =	sdelay $0x4  }
0x3a0: {  	(v2sf) =	vpush v8, $0x0;
	_ =	sdelay $0xe  }
0x3a1: {  	s31 =	spop (v2sf)  }
0x3a2: {  	p1 =	seq.s32 s31, $0x0  }
0x3a3: {  	p2 =	slt.u32 @!p1 s25, $0xFFFFF  }
0x3a4: {  	p1 =	por p1, !p2  }
.Ltmp15:
0x3a5: {  	_ = 	snop;
	(pc) =	sbr.rel @!p1 .LBB2_26-.Ltmp15, $3  }
0x3a6: {  	_ =	sdelay $0x1  }
0x3a7: {  	s15 =	sxor.u32 $0x1, s15  }
0x3a8: {  	s24 =	sadd.f32 s26, s24;
	s23 =	sadd.s32 $0x80000001, s30;
	s25 =	sadd.s32 $0x1, s25  }
0x3a9: {  	s25 =	sadd.s32 $0xFFFFFFFF, s14  }
0x3aa: {  	v8 =	vmov s25;
	_ =	sdelay $0x3  }
0x3ab: {  	v9 =	vmov s24  }
0x3ac: {  	[tilespmem:v8+s17+$0x0] =	vst.idx.add.f32.msk $0x1, v9  }
0x3ad: {  	v8 =	vld [tilespmem:$0x80]  }
0x3ae: {  	v9 =	vld [tilespmem:$0x90];
	_ =	sdelay $0x1  }
0x3af: {  	v10 =	vld [tilespmem:$0x19E80]  }
0x3b0: {  	v11 =	vld [tilespmem:$0x19E90]  }
0x3b1: {  	vm3 =	vlt.f32 v8, $9.999999840e+17;
	v8 =	vsub.f32 s24, v8  }
0x3b2: {  	v12 =	vld [tilespmem:$0x1A800];
	vm4 =	vlt.f32 v9, $9.999999840e+17;
	v9 =	vsub.f32 s24, v9;
	vm3 =	vmand vm2, vm3  }
0x3b3: {  	v8 =	vnsel vm3, $0x0, v8;
	vm3 =	vmand vm1, vm4  }
0x3b4: {  	v10 =	vsub.f32 v10, v8;
	[tilespmem:$0x0] =	vst v8;
	v8 =	vnsel vm3, $0x0, v9;
	v9 =	vld [tilespmem:$0x1A810]  }
0x3b5: {  	v11 =	vsub.f32 v11, v8;
	[tilespmem:$0x10] =	vst v8;
	v8 =	vld [tilespmem:$0x0]  }
0x3b6: {  	[tilespmem:$0x19E80] =	vst v10;
	v10 =	vld [tilespmem:$0x10]  }
0x3b7: {  	[tilespmem:$0x19F00] =	vst v12  }
0x3b8: {  	[tilespmem:$0x19E90] =	vst v11  }
0x3b9: {  	[tilespmem:$0x19F10] =	vst v9  }
0x3ba: {  	[tilespmem:$0x19F20] =	vst v8  }
0x3bb: {  	[tilespmem:$0x19F30] =	vst v10  }
0x3bc: {  	[spmem:s12] =	stream.linear.scatter [tilespmem:s21], [sflag:$0x2], $0x80, $0x38;
	[tilespmem:$0x1B880] =	vst v63  }
0x3bd: {  	_ =	swait.ge [sflag:s19], $0x80  }
0x3be: {  	[sflag:s19] =	ssyncset.done $0x0  }
0x3bf: {  	[sflag:s19] =	ssyncadd.s32 $0xFFFFFF80  }
0x3c0: {  	[bflag:$0x0] =	sbarrier.arrive $0xFFFF  }
0x3c1: {  	[tilespmem:s22], [sflag:$0x2] =	stream.linear.gather [spmem:s8], $0x800, $0x38;
	[tilespmem:$0x1B880] =	vst v63  }
0x3c2: {  	_ =	swait.ge [sflag:s19], $0x800  }
0x3c3: {  	[sflag:s19] =	ssyncset.done $0x0  }
0x3c4: {  	s31 =	simm.s32 $0x0;
	[sflag:s19] =	ssyncadd.s32 $0xFFFFF800  }
0x3c5: {  	v9 =	vld [tilespmem:s31+$0x11610]  }
0x3c6: {  	s24 =	simm.s32 $0x19FB0;
	v10 =	vld [tilespmem:s31+$0x11600]  }
0x3c7: {  	s25 =	simm.s32 $0x80;
	v8 =	vld [tilespmem:s24+$0xFFFFFFF0]  }
.LBB2_28:
0x3c8: {  	p1 =	seq.s32 s25, $0x780;
	v11 =	vld [tilespmem:s24+$0x0];
	_ =	sdelay $0x2  }
0x3c9: {  	v9 =	vadd.s32 $0xFFFFFFFF, v9;
	v10 =	vadd.s32 $0xFFFFFFFF, v10  }
0x3ca: {  	vm3 =	vgt.s32 v10, $0x0;
	vm4 =	vlt.f32 v8, $0.0e+00;
	vm5 =	vgt.f32 v8, $0.0e+00  }
0x3cb: {  	vm4 =	vmor vm5, vm4;
	vm5 =	vlt.f32 v11, $0.0e+00;
	vm6 =	vgt.f32 v11, $0.0e+00  }
0x3cc: {  	v10 =	vnsel vm3, $0x0, v10;
	vm3 =	vgt.s32 v9, $0x0;
	vm5 =	vmor vm6, vm5  }
0x3cd: {  	v9 =	vnsel vm3, $0x0, v9;
	_ =	sdelay $0x3  }
.Ltmp16:
0x3ce: {  	[tilespmem:v10+s17+$0x0] =	vst.idx.add.f32.msk vm4, v8;
	(pc) =	sbr.rel @!p1 .LBB2_28-.Ltmp16, $4  }
0x3cf: {  	s26 =	sshra.s32 s25, $0x2;
	[tilespmem:v9+s17+$0x0] =	vst.idx.add.f32.msk vm5, v11  }
0x3d0: {  	v9 =	vld [tilespmem:s26+$0x11610]  }
0x3d1: {  	s24 =	sadd.s32 $0x80, s24;
	v10 =	vld [tilespmem:s26+$0x11600]  }
0x3d2: {  	s25 =	sadd.s32 $0x80, s25;
	v8 =	vld [tilespmem:s24+$0xFFFFFFF0]  }
0x3d3: {  	v11 =	vld [tilespmem:s24+$0x0];
	_ =	sdelay $0x2  }
0x3d4: {  	v9 =	vadd.s32 $0xFFFFFFFF, v9;
	v10 =	vadd.s32 $0xFFFFFFFF, v10  }
0x3d5: {  	vm3 =	vgt.s32 v10, $0x0;
	vm4 =	vlt.f32 v8, $0.0e+00;
	vm5 =	vgt.f32 v8, $0.0e+00  }
0x3d6: {  	vm4 =	vmor vm5, vm4;
	vm15 =	vlt.f32 v11, $0.0e+00;
	vm6 =	vgt.f32 v11, $0.0e+00  }
0x3d7: {  	v10 =	vnsel vm3, $0x0, v10;
	vm3 =	vgt.s32 v9, $0x0;
	vm5 =	vmor vm6, vm15  }
0x3d8: {  	p1 =	seq.s32 s23, $0x0;
	v9 =	vnsel vm3, $0x0, v9  }
.Ltmp17:
0x3d9: {  	_ = 	snop;
	(pc) =	sbr.rel @p1 .LBB2_31-.Ltmp17, $3  }
0x3da: {  	_ =	sdelay $0x1  }
0x3db: {  	[tilespmem:v10+s17+$0x0] =	vst.idx.add.f32.msk vm4, v8  }
0x3dc: {  	s24 =	simm.s32 $0x0;
	[tilespmem:v9+s17+$0x0] =	vst.idx.add.f32.msk vm5, v11  }
.LBB2_30:
0x3dd: {  	s23 =	sadd.s32 $0xFFFFFFFF, s23  }
0x3de: {  	p1 =	sgt.s32 s23, $0x0  }
0x3df: {  	p2 =	slt.s32 s23, $0x1;
	s23 =	simm.s32 @!p1 $0x0  }
0x3e0: {  	s25 =	smin.u32 s23, $0x1FF  }
0x3e1: {  	s23 =	sand.u32 $0x1F, s25  }
0x3e2: {  	p6 =	sne.s32 s23, $0x0  }
0x3e3: {  	p1 =	por !p2, !p6  }
0x3e4: {  	s26 =	simm.s32 $0x1;
	p1 =	por !p1, !p1  }
0x3e5: {  	s28 =	sshrl.u32 s25, $0x5;
	s26 =	simm.s32 @!p1 $0x0  }
0x3e6: {  	s26 =	ssub.s32 s28, s26  }
0x3e7: {  	s26 =	sshll.u32 s26, $0x7  }
0x3e8: {  	s23 =	sor.u32 s23, s26  }
0x3e9: {  	v8 =	vmov s23;
	_ =	sdelay $0x4  }
0x3ea: {  	v8 =	vld.idx.msk [tilespmem:v8+s22+$0x0], $0xffff;
	_ =	sdelay $0x4  }
0x3eb: {  	(v2sf) =	vpush v8, $0x0;
	_ =	sdelay $0xe  }
0x3ec: {  	s23 =	spop (v2sf)  }
0x3ed: {  	s26 =	sadd.s32 $0xFFFFFFFF, s23  }
0x3ee: {  	p1 =	sgt.s32 s26, $0x0  }
0x3ef: {  	s26 =	simm.s32 @!p1 $0x0  }
0x3f0: {  	v8 =	vmov s26  }
0x3f1: {  	v8 =	vbroadcast v8, $0x0;
	_ =	sdelay $0x5  }
0x3f2: {  	v8 =	vld.idx.msk [tilespmem:v8+s16+$0x0], $0xffff;
	_ =	sdelay $0x4  }
0x3f3: {  	(v2sf) =	vpush v8, $0x0;
	_ =	sdelay $0xd  }
0x3f4: {  	p2 =	sne.s32 s23, $0x0  }
0x3f5: {  	p1 =	sgt.s32 s23, $0x0;
	s26 =	smov.u32 s14;
	v8 =	vmov s25;
	s25 =	spop (v2sf)  }
0x3f6: {  	v8 =	vbroadcast v8, $0x0;
	s26 =	smov.u32 @p1 s25;
	p1 =	slt.u32 @p2 s24, $0x201  }
0x3f7: {  	p1 =	por !p2, !p1  }
.Ltmp18:
0x3f8: {  	_ = 	snop;
	(pc) =	sbr.rel @!p1 .LBB2_30-.Ltmp18, $3  }
0x3f9: {  	_ =	sdelay $0x1  }
0x3fa: {  	v9 =	vmov s26  }
0x3fb: {  	s24 =	sadd.s32 $0x1, s24;
	[tilespmem:v8+s16+$0x0] =	vst.idx.msk $0x1, v9  }
.Ltmp19:
0x3fc: {  	_ = 	snop;
	(pc) =	sbr.rel .LBB2_31-.Ltmp19, $1  }
0x3fd: {  	_ =	sdelay $0x3  }
.LBB2_33:
0x3fe: {  	p1 =	sne.s32 s1, $0x0  }
.Ltmp20:
0x3ff: {  	_ = 	snop;
	(pc) =	sbr.rel @p1 .LBB2_47-.Ltmp20, $1  }
0x400: {  	_ =	sdelay $0x3  }
0x401: {  	s6 =	simm.s32 $0x0;
	s8 =	simm.s32 $0x1A880;
	s26 =	simm.s32 $0x2  }
0x402: {  	[tilespmem:s8], [sflag:$0x2] =	stream.linear.gather [hbm4b:s10+s6], $0x200, $0x38;
	[tilespmem:$0x1B880] =	vst v63  }
0x403: {  	_ =	swait.ge [sflag:s26], $0x200  }
0x404: {  	[sflag:s26] =	ssyncset.done $0x0  }
0x405: {  	s28 =	simm.s32 $0x1B480;
	[sflag:s26] =	ssyncadd.s32 $0xFFFFFE00  }
0x406: {  	[tilespmem:s28], [sflag:$0x2] =	stream.linear.gather [hbm4b:s9+s6], $0x200, $0x38;
	[tilespmem:$0x1B880] =	vst v63  }
0x407: {  	_ =	swait.ge [sflag:s26], $0x200  }
0x408: {  	[sflag:s26] =	ssyncset.done $0x0  }
0x409: {  	s29 =	simm.s32 $0x1AA80;
	[sflag:s26] =	ssyncadd.s32 $0xFFFFFE00  }
0x40a: {  	[tilespmem:s29], [sflag:$0x2] =	stream.linear.gather [hbm4b:s7+s6], $0x200, $0x38;
	[tilespmem:$0x1B880] =	vst v63  }
0x40b: {  	_ =	swait.ge [sflag:s26], $0x200  }
0x40c: {  	[sflag:s26] =	ssyncset.done $0x0  }
0x40d: {  	s30 =	simm.s32 $0x1B680;
	[sflag:s26] =	ssyncadd.s32 $0xFFFFFE00  }
0x40e: {  	[tilespmem:s30], [sflag:$0x2] =	stream.linear.gather [hbm4b:s5+s6], $0x200, $0x38;
	[tilespmem:$0x1B880] =	vst v63  }
0x40f: {  	_ =	swait.ge [sflag:s26], $0x200  }
0x410: {  	[sflag:s26] =	ssyncset.done $0x0  }
0x411: {  	s31 =	simm.s32 $0x19C00;
	[sflag:s26] =	ssyncadd.s32 $0xFFFFFE00  }
0x412: {  	[tilespmem:s31], [sflag:$0x2] =	stream.linear.gather [hbm4b:s4+s6], $0x80, $0x38;
	[tilespmem:$0x1B880] =	vst v63  }
0x413: {  	_ =	swait.ge [sflag:s26], $0x80  }
0x414: {  	[sflag:s26] =	ssyncset.done $0x0  }
0x415: {  	s5 =	simm.s32 $0x11600;
	[sflag:s26] =	ssyncadd.s32 $0xFFFFFF80  }
0x416: {  	v0 =	vlaneseq.u32;
	s7 =	simm.s32 $0x10;
	s4 =	simm.s32 $0x100;
	v1 =	vld [tilespmem:s5+$0x0]  }
.LBB2_35:
0x417: {  	p1 =	seq.s32 s7, $0x1F0;
	_ =	sdelay $0x2  }
0x418: {  	v3 =	vor.u32 s6, v0;
	s6 =	smov.u32 s7  }
0x419: {  	vm1 =	vlt.s32 v3, v2;
	vm0 =	vgt.s32 v1, $0x0;
	v1 =	vadd.s32 $0xFFFFFFFF, v1  }
0x41a: {  	vm0 =	vmand vm1, vm0;
	vm1 =	vgt.s32 v1, $0x0  }
0x41b: {  	v1 =	vnsel vm1, $0x0, v1;
	_ =	sdelay $0x1  }
.Ltmp21:
0x41c: {  	(pc) =	sbr.rel @!p1 .LBB2_35-.Ltmp21, $3  }
0x41d: {  	_ =	sdelay $0x1  }
0x41e: {  	s5 =	sadd.s32 $0x10, s5;
	[tilespmem:v1+s4+$0x0] =	vst.idx.msk vm0, v3  }
0x41f: {  	s7 =	sadd.s32 $0x10, s7;
	v1 =	vld [tilespmem:s5+$0x0]  }
0x420: {  	_ =	sdelay $0x2  }
0x421: {  	v0 =	vor.u32 s6, v0  }
0x422: {  	vm1 =	vlt.s32 v0, v2;
	vm0 =	vgt.s32 v1, $0x0;
	v1 =	vadd.s32 $0xFFFFFFFF, v1  }
0x423: {  	vm0 =	vmand vm1, vm0;
	vm15 =	vgt.s32 v1, $0x0  }
0x424: {  	v1 =	vnsel vm15, $0x0, v1;
	_ =	sdelay $0x3  }
0x425: {  	s5 =	simm.s32 $0x100  }
0x426: {  	s6 =	simm.s32 $0x19A00;
	s7 =	simm.s32 $0x0;
	[tilespmem:v1+s4+$0x0] =	vst.idx.msk vm0, v0;
	s4 =	simm.s32 $0x0;
	v0 =	vmov s13;
	v1 =	vlaneseq.u32  }
.LBB2_37:
0x427: {  	v2 =	vld [tilespmem:s5+$0x0];
	_ =	sdelay $0x4  }
0x428: {  	v3 =	vor.u32 s7, v1;
	vm0 =	vlt.s32 v2, $0x1FF  }
0x429: {  	vm1 =	vlt.s32 v3, v0;
	v2 =	vnsel vm0, $0x1FF, v2  }
0x42a: {  	p1 =	sne.s32 s7, $0x1F0;
	v2 =	vnsel vm1, $0x1FF, v2  }
.Ltmp22:
0x42b: {  	_ = 	snop;
	(pc) =	sbr.rel @p1 .LBB2_37-.Ltmp22, $2  }
0x42c: {  	_ =	sdelay $0x2  }
0x42d: {  	s5 =	sadd.s32 $0x10, s5;
	s7 =	sadd.s32 $0x10, s7;
	[tilespmem:v2+s6+$0x0] =	vst.idx.msk vm1, v3  }
0x42e: {  	s5 =	simm.s32 $0x10E80;
	v1 =	vlaneseq.u32  }
.LBB2_39:
0x42f: {  	p1 =	sne.s32 s4, $0x1F0  }
.Ltmp23:
0x430: {  	_ = 	snop;
	(pc) =	sbr.rel @p1 .LBB2_39-.Ltmp23, $3  }
0x431: {  	_ =	sdelay $0x1  }
0x432: {  	v2 =	vor.u32 s4, v1  }
0x433: {  	s4 =	sadd.s32 $0x10, s4;
	[tilespmem:s5+$0x0] =	vst v2;
	s5 =	sadd.s32 $0x10, s5  }
0x434: {  	s4 =	simm.s32 $0x0  }
0x435: {  	v2 =	vld [tilespmem:s4+$0x19A00];
	_ =	sdelay $0x4  }
0x436: {  	v1 =	vimm.s32 $0x0;
	vm0 =	vne.s32 v2, $0x40000000  }
0x437: {  	v3 =	vsel vm0, $0x1, v1  }
0x438: {  	(xrf0) =	vadd.scan.msk.s32 $0xffff, v3;
	_ =	sdelay $0x4  }
0x439: {  	s4 =	simm.s32 $0x0;
	v3 =	vsel vm0, $0xFFFFFFFF, v1  }
0x43a: {  	v3 =	vadd.s32 s4, v3;
	v4, _, _ =	vpop (xrf0)  }
0x43b: {  	v3 =	vadd.s32 v4, v3;
	(v2sf) =	vpush v4, $0xF  }
0x43c: {  	vm1 =	vlt.s32 v3, $0x1FF  }
0x43d: {  	v3 =	vnsel vm1, $0x1FF, v3;
	_ =	sdelay $0x3  }
0x43e: {  	s5 =	simm.s32 $0x10E80  }
0x43f: {  	s7 =	simm.s32 $0x10;
	s6 =	simm.s32 $0x80;
	[tilespmem:v3+s5+$0x0] =	vst.idx.msk vm0, v2  }
.LBB2_41:
0x440: {  	p1 =	sne.s32 s6, $0x7C0;
	v2 =	vld [tilespmem:s7+$0x19A00];
	_ =	sdelay $0x4  }
0x441: {  	vm0 =	vne.s32 v2, $0x40000000  }
0x442: {  	v3 =	vsel vm0, $0xFFFFFFFF, v1;
	v4 =	vsel vm0, $0x1, v1  }
0x443: {  	(xrf0) =	vadd.scan.msk.s32 $0xffff, v4;
	s7 =	spop (v2sf)  }
0x444: {  	s4 =	sadd.s32 s4, s7  }
0x445: {  	v3 =	vadd.s32 s4, v3;
	_ =	sdelay $0x3  }
0x446: {  	v4, _, _ =	vpop (xrf0)  }
0x447: {  	v3 =	vadd.s32 v4, v3;
	(v2sf) =	vpush v4, $0xF  }
0x448: {  	vm1 =	vlt.s32 v3, $0x1FF  }
0x449: {  	v3 =	vnsel vm1, $0x1FF, v3  }
.Ltmp24:
0x44a: {  	(pc) =	sbr.rel @p1 .LBB2_41-.Ltmp24, $2  }
0x44b: {  	_ =	sdelay $0x2  }
0x44c: {  	s7 =	sshra.s32 s6, $0x2;
	s6 =	sadd.s32 $0x40, s6;
	[tilespmem:v3+s5+$0x0] =	vst.idx.msk vm0, v2  }
0x44d: {  	v2 =	vld [tilespmem:s7+$0x19A00];
	_ =	sdelay $0x4  }
0x44e: {  	vm0 =	vne.s32 v2, $0x40000000  }
0x44f: {  	v3 =	vsel vm0, $0x1, v1  }
0x450: {  	(xrf0) =	vadd.scan.msk.s32 $0xffff, v3;
	_ =	sdelay $0x5  }
0x451: {  	v3, _, _ =	vpop (xrf0)  }
0x452: {  	(v2sf) =	vpush v3, $0xF;
	_ =	sdelay $0x1  }
0x453: {  	s6 =	spop (v2sf)  }
0x454: {  	v1 =	vsel vm0, $0xFFFFFFFF, v1;
	s4 =	sadd.s32 s4, s6  }
0x455: {  	v1 =	vadd.s32 s4, v1  }
0x456: {  	v1 =	vadd.s32 v3, v1  }
0x457: {  	vm1 =	vlt.s32 v1, $0x1FF  }
0x458: {  	v1 =	vnsel vm1, $0x1FF, v1;
	_ =	sdelay $0x4  }
0x459: {  	[tilespmem:v1+s5+$0x0] =	vst.idx.msk vm0, v2  }
0x45a: {  	s4 =	simm.s32 $0x0;
	v1 =	vld [tilespmem:$0x19C00]  }
0x45b: {  	v2 =	vld [tilespmem:s4+$0x1B480]  }
0x45c: {  	s5 =	simm.s32 $0x40;
	v3 =	vld [tilespmem:s4+$0x1A880];
	s31 =	spop (v2sf)  }
.LBB2_43:
0x45d: {  	p1 =	seq.s32 s5, $0x7C0  }
.Ltmp25:
0x45e: {  	_ = 	snop;
	(pc) =	sbr.rel @!p1 .LBB2_43-.Ltmp25, $4  }
0x45f: {  	_ = 	snop  }
0x460: {  	s6 =	sshra.s32 s5, $0x2;
	s5 =	sadd.s32 $0x40, s5;
	[tilespmem:s4+$0x11280] =	vst v2  }
0x461: {  	v2 =	vld [tilespmem:s6+$0x1B480];
	[tilespmem:s4+$0x11080] =	vst v3;
	s4 =	smov.u32 s6  }
0x462: {  	v3 =	vld [tilespmem:s4+$0x1A880]  }
0x463: {  	(v2sf) =	vpush v1, $0x1;
	_ =	sdelay $0x6  }
0x464: {  	v1 =	vbroadcast v1, $0x0;
	_ =	sdelay $0x1  }
0x465: {  	(erf) = vrcp.f32 v1;
	_ =	sdelay $0x4  }
0x466: {  	s5 =	simm.s32 $0x100;
	s6 =	simm.s32 $0x10E80  }
0x467: {  	s7 =	simm.s32 $0x10780;
	s8 =	simm.s32 $0x10500;
	s31 =	spop (v2sf)  }
0x468: {  	s9 =	simm.s32 $0x1AA80;
	s10 =	simm.s32 $0x1B680;
	s13 =	ssub.f32 $0.0e+00, s31  }
0x469: {  	s11 =	simm.s32 $0x1A880;
	s12 =	simm.s32 $0x1B480;
	s14 =	simm.s32 $0x11280;
	[tilespmem:s4+$0x11280] =	vst v2  }
0x46a: {  	s15 =	simm.s32 $0x100;
	[tilespmem:s4+$0x11080] =	vst v3;
	s4 =	simm.s32 $0x0;
	v3 =	vlaneseq.u32;
	v1 =	vpop (erf);
	v2 =	vmov s13;
	s13 =	simm.s32 $0x11080  }
.LBB2_45:
0x46b: {  	v4 =	vld [tilespmem:s6+$0x0];
	_ =	sdelay $0x4  }
0x46c: {  	vm0 =	vlt.s32 v4, $0x1FF  }
0x46d: {  	v5 =	vnsel vm0, $0x1FF, v4;
	_ =	sdelay $0x3  }
0x46e: {  	v6 =	vld [tilespmem:s15+$0x0]  }
0x46f: {  	v5 =	vld.idx.msk [tilespmem:v5+s5+$0x0], $0xffff;
	_ =	sdelay $0x1  }
0x470: {  	v7 =	vor.u32 s4, v3  }
0x471: {  	vm10 =	vlt.s32 v7, v0  }
0x472: {  	v6 =	vnsel vm10, $0x200, v6  }
0x473: {  	vm1 =	vlt.s32 v4, v0;
	v4 =	vpsel p0, v4, v6;
	vm9 =	vgt.s32 v5, $0x0  }
0x474: {  	vm12 =	vgt.s32 v4, $0x0;
	v5 =	vnsel vm9, $0x0, v5  }
0x475: {  	v4 =	vnsel vm12, $0x0, v4;
	v5 =	vnsel vm1, $0x200, v5  }
0x476: {  	v4 =	vmin.u32 v4, $0x1FF;
	v5 =	vpsel p0, v5, v7  }
0x477: {  	vm11 =	vlt.s32 v5, $0x1FF  }
0x478: {  	v5 =	vnsel vm11, $0x1FF, v5;
	_ =	sdelay $0x2  }
0x479: {  	v4 =	vld.idx.msk [tilespmem:v4+s8+$0x0], $0xffff;
	_ =	sdelay $0x1  }
0x47a: {  	v5 =	vld.idx.msk [tilespmem:v5+s7+$0x0], $0xffff;
	_ =	sdelay $0x2  }
0x47b: {  	vm14 =	vgt.s32 v4, $0x0  }
0x47c: {  	v62 =	vnsel vm14, $0x0, v4  }
0x47d: {  	v6 =	vmin.u32 v62, $0x1FF;
	vm13 =	vgt.s32 v5, $0x0  }
0x47e: {  	v5 =	vnsel vm13, $0x0, v5  }
0x47f: {  	v5 =	vmin.u32 v5, $0x1FF;
	_ =	sdelay $0x2  }
0x480: {  	v8 =	vld.idx.msk [tilespmem:v6+s11+$0x0], $0xffff  }
0x481: {  	v9 =	vld.idx.msk [tilespmem:v6+s12+$0x0], $0xffff  }
0x482: {  	v63 =	vld.idx.msk [tilespmem:v5+s9+$0x0], $0xffff  }
0x483: {  	v5 =	vld.idx.msk [tilespmem:v5+s10+$0x0], $0xffff;
	_ =	sdelay $0x3  }
0x484: {  	v7 =	vsub.f32 v8, v63  }
0x485: {  	vm15 =	vlt.s32 v4, $0x200;
	v5 =	vsub.f32 v9, v5  }
0x486: {  	vm0 =	vmand vm10, vm15;
	v4 =	vmul.f32 v7, v1  }
0x487: {  	v5 =	vmul.f32 v5, v1  }
0x488: {  	p1 =	sne.s32 s4, $0x1F0;
	v4 =	vmul.f32 v4, v2  }
.Ltmp26:
0x489: {  	v5 =	vmul.f32 v5, v2;
	(pc) =	sbr.rel @p1 .LBB2_45-.Ltmp26, $4  }
0x48a: {  	v4 =	vadd.f32 v4, v8  }
0x48b: {  	v5 =	vadd.f32 v5, v9  }
0x48c: {  	[tilespmem:v6+s13+$0x0] =	vst.idx.msk vm0, v4  }
0x48d: {  	s15 =	sadd.s32 $0x10, s15;
	s6 =	sadd.s32 $0x10, s6;
	s4 =	sadd.s32 $0x10, s4;
	[tilespmem:v6+s14+$0x0] =	vst.idx.msk vm0, v5  }
0x48e: {  	s4 =	simm.s32 $0x0;
	s5 =	simm.s32 $0x11080;
	s30 =	simm.s32 $0x2  }
0x48f: {  	[hbm4b:s3+s4] =	stream.linear.scatter [tilespmem:s5], [sflag:$0x2], $0x200, $0x38;
	[tilespmem:$0x1B880] =	vst v63  }
0x490: {  	_ =	swait.ge [sflag:s30], $0x200  }
0x491: {  	[sflag:s30] =	ssyncset.done $0x0  }
0x492: {  	s31 =	simm.s32 $0x11280;
	[sflag:s30] =	ssyncadd.s32 $0xFFFFFE00  }
0x493: {  	[hbm4b:s2+s4] =	stream.linear.scatter [tilespmem:s31], [sflag:$0x2], $0x200, $0x38;
	[tilespmem:$0x1B880] =	vst v63  }
0x494: {  	_ =	swait.ge [sflag:s30], $0x200  }
0x495: {  	[sflag:s30] =	ssyncset.done $0x0  }
0x496: {  	[sflag:s30] =	ssyncadd.s32 $0xFFFFFE00  }
.LBB2_47:
0x497: {  	_ =	sfence.sel $0x180000  }
0x498: {  	[bflag:$0x0] =	sbarrier.arrive $0xFFFF  }
0x499: {  	p0 =	sne.s32 s1, $0x0;
	_ =	strace $0x90000047  }
0x49a: {  	s0 =	sadd.s32 @!p0 $0x100000, s0;
	[bflag:$0x2] =	sbarrier.arrive $0xFFFF  }
0x49b: {  	[sflag:s0] =	ssyncadd.tile.s32 @!p0 $0x1;
	_ =	shalt  }
.Lfunc_end2:
_tile_overlayer_lowered:
.L_overlay_start_2:
0x49c: {  	(tag) =	ssettag $0x2  }
0x49d: {  	s0 =	rddreg [dreg:$0x0];
	s2 =	stileid.u32  }
0x49e: {  	s1 =	rddreg [dreg:$0x1];
	p0 =	sne.s32 s2, $0x0  }
0x49f: {  	s3 =	rddreg [dreg:$0x2];
	[bflag:$0x3] =	sbarrier.arrive $0xFFFF;
	s2 =	simm.s32 @!p0 $0x1C02  }
0x4a0: {  	[timem:s3], [sflag:s2] =	dma.local @!p0 [hbm:s0], s1  }
0x4a1: {  	s0 =	simm.s32 @!p0 $0x2  }
0x4a2: {  	_ =	swait.ge @!p0 [sflag:s0], s1  }
0x4a3: {  	s1 =	ssub.s32 @!p0 $0x0, s1;
	[sflag:s0] =	ssyncset.done @!p0 $0x0  }
0x4a4: {  	[sflag:s0] =	ssyncadd.s32 @!p0 s1  }
0x4a5: {  	[bflag:$0x3] =	sbarrier.arrive $0xFFFF  }
0x4a6: {  	_ =	shalt  }

</sc_bundles>
